<compile_context>
chip_gen: v7x
topology: tpu7x:2x2x1
jax: 0.10.2.dev20260603
libtpu: 0.0.44.dev20260713+nightly
codegen_flags: <defaults>
</compile_context>

<pallas_src>
import functools

import jax
import jax.numpy as jnp
from jax import lax
from jax.experimental import pallas as pl
from jax.experimental.pallas import tpu as pltpu
from jax.experimental.pallas import tpu_sc as plsc

N = 10000
NP = 10240
E = 160000
D = 128
C = 64

NC = 2
NS = 16
W = 128

W32 = 40
EP32 = NC * NS * W32 * W

WM = 128
NWM = 40

R = 1280
GRID = NP // R


def _mesh():
    return plsc.VectorSubcoreMesh(core_axis_name="c", subcore_axis_name="s")


_SC_PARAMS = pltpu.CompilerParams(needs_layout_passes=False)



@functools.partial(
    pl.kernel,
    mesh=_mesh(),
    compiler_params=_SC_PARAMS,
    out_type=jax.ShapeDtypeStruct((NC, NP, 16), jnp.float32),
    scratch_types=[
        pltpu.VMEM((W32, W), jnp.int32),
        pltpu.VMEM((W, 16), jnp.float32),
        pltpu.VMEM_SHARED((NP, 16), jnp.float32),
    ],
)
def _sc_degree(dst_hbm, out_hbm, dst_v, buf_v, acc_s):
    c = lax.axis_index("c")
    s = lax.axis_index("s")
    wid = s * NC + c
    pltpu.sync_copy(dst_hbm.at[wid], dst_v)

    def _zero_row(i, _):
        buf_v[i, :] = jnp.zeros((16,), jnp.float32)
        return 0

    lax.fori_loop(0, W, _zero_row, 0)
    base = s * (NP // NS)
    for k in range(NP // NS // W):
        pltpu.sync_copy(buf_v, acc_s.at[pl.ds(base + k * W, W)])
    plsc.subcore_barrier()

    def _one_row(i, _):
        buf_v[i, :] = jnp.ones((16,), jnp.float32)
        return 0

    lax.fori_loop(0, W, _one_row, 0)

    def _win(w, _):
        pltpu.sync_copy(buf_v, acc_s.at[dst_v.at[w]], add=True)
        return 0

    lax.fori_loop(0, W32, _win, 0)
    plsc.subcore_barrier()

    def _zero_row2(i, _):
        buf_v[i, :] = jnp.zeros((16,), jnp.float32)
        return 0

    lax.fori_loop(0, W, _zero_row2, 0)
    for k in range(NP // NS // W):
        pltpu.sync_copy(acc_s.at[pl.ds(base + k * W, W)], buf_v)
        pltpu.sync_copy(buf_v, out_hbm.at[c, pl.ds(base + k * W, W)])


@functools.partial(
    pl.kernel,
    mesh=_mesh(),
    compiler_params=_SC_PARAMS,
    out_type=jax.ShapeDtypeStruct((NC, NP, 16), jnp.float32),
    scratch_types=[
        pltpu.VMEM((W32, W), jnp.int32),
        pltpu.VMEM((W32, W), jnp.int32),
        pltpu.VMEM((2 * NP,), jnp.float32),
        pltpu.VMEM((W, 16), jnp.float32),
        pltpu.VMEM_SHARED((NP, 16), jnp.float32),
    ],
)
def _sc_ranking(src_hbm, dst_hbm, g_hbm, out_hbm,
                src_v, dst_v, g_v, buf_v, acc_s):
    c = lax.axis_index("c")
    s = lax.axis_index("s")
    wid = s * NC + c
    pltpu.sync_copy(src_hbm.at[wid], src_v)
    pltpu.sync_copy(dst_hbm.at[wid], dst_v)
    pltpu.sync_copy(g_hbm, g_v)

    def _zero_row(i, _):
        buf_v[i, :] = jnp.zeros((16,), jnp.float32)
        return 0

    lax.fori_loop(0, W, _zero_row, 0)
    base = s * (NP // NS)
    for k in range(NP // NS // W):
        pltpu.sync_copy(buf_v, acc_s.at[pl.ds(base + k * W, W)])
    plsc.subcore_barrier()

    lane = lax.iota(jnp.int32, 16)
    zero16 = jnp.zeros((16,), jnp.int32)
    one16 = jnp.ones((16,), jnp.int32)

    def _build(w, buf):
        for j in range(W // 16):
            idx = src_v[w, pl.ds(j * 16, 16)]
            i2 = idx * 2
            v0 = plsc.load_gather(g_v, [i2])
            v1 = plsc.load_gather(g_v, [i2 + one16])
            rows = lane + (j * 16)
            plsc.store_scatter(buf, [rows, zero16], v0)
            plsc.store_scatter(buf, [rows, one16], v1)

    def _win(w, _):
        _build(w, buf_v)
        pltpu.sync_copy(buf_v, acc_s.at[dst_v.at[w]], add=True)
        return 0

    lax.fori_loop(0, W32, _win, 0)
    plsc.subcore_barrier()

    def _zero_row2(i, _):
        buf_v[i, :] = jnp.zeros((16,), jnp.float32)
        return 0

    lax.fori_loop(0, W, _zero_row2, 0)
    for k in range(NP // NS // W):
        pltpu.sync_copy(acc_s.at[pl.ds(base + k * W, W)], buf_v)
        pltpu.sync_copy(buf_v, out_hbm.at[c, pl.ds(base + k * W, W)])


@functools.partial(
    pl.kernel,
    mesh=_mesh(),
    compiler_params=_SC_PARAMS,
    out_type=jax.ShapeDtypeStruct((NC, NP, D), jnp.float32),
    scratch_types=[
        pltpu.VMEM((NWM, WM), jnp.int32),
        pltpu.VMEM((NWM, WM), jnp.int32),
        pltpu.VMEM((WM, D), jnp.float32),
        pltpu.VMEM_SHARED((NP, D), jnp.float32),
        pltpu.SemaphoreType.DMA,
    ],
)
def _sc_main(src_hbm, dst_hbm, z_hbm, out_hbm,
             src_v, dst_v, r0, acc_s, m0):
    c = lax.axis_index("c")
    s = lax.axis_index("s")
    wid = s * NC + c
    pltpu.sync_copy(src_hbm.at[wid], src_v)
    pltpu.sync_copy(dst_hbm.at[wid], dst_v)

    def _zero_row(i, _):
        for q in range(D // 16):
            r0[i, pl.ds(q * 16, 16)] = jnp.zeros((16,), jnp.float32)
        return 0

    lax.fori_loop(0, WM, _zero_row, 0)
    base = s * (NP // NS)
    for k in range(NP // NS // WM):
        pltpu.sync_copy(r0, acc_s.at[pl.ds(base + k * WM, WM)])
    plsc.subcore_barrier()

    def _win(w, _):
        pltpu.async_copy(z_hbm.at[src_v.at[w]], r0, m0).wait()
        pltpu.sync_copy(r0, acc_s.at[dst_v.at[w]], add=True)
        return 0

    lax.fori_loop(0, NWM, _win, 0)
    plsc.subcore_barrier()
    for k in range(NP // NS // WM):
        pltpu.sync_copy(acc_s.at[pl.ds(base + k * WM, WM)], r0)
        pltpu.sync_copy(r0, out_hbm.at[c, pl.ds(base + k * WM, WM)])



def _tc_proj_body(x_ref, w_ref, o_ref):
    o_ref[...] = jnp.dot(x_ref[...], w_ref[...],
                         preferred_element_type=jnp.float32)


def _tc_gate_body(deg_ref, xcr_ref, g_ref):
    d = deg_ref[0, :, 0:1] + deg_ref[1, :, 0:1] + 1.0
    dinv = lax.rsqrt(d)
    xr = xcr_ref[:, C:C + 2]
    g_ref[...] = dinv * xr


def _tc_z_body(deg_ref, racc_ref, xcr_ref, z_ref, pv_ref):
    d = deg_ref[0, :, 0:1] + deg_ref[1, :, 0:1] + 1.0
    dinv = lax.rsqrt(d)
    xr = xcr_ref[:, C:C + 2]
    r2 = racc_ref[0, :, 0:2] + racc_ref[1, :, 0:2]
    ranking = dinv * r2 + dinv * dinv * xr
    pv = 1.0 / (1.0 + jnp.exp(-ranking))
    q = pv * pv
    xc = xcr_ref[:, 0:C]
    z_ref[...] = jnp.concatenate([q[:, 0:1] * xc, q[:, 1:2] * xc], axis=1)
    pv_ref[...] = jnp.concatenate(
        [pv, jnp.zeros((R, 14), jnp.float32)], axis=1)


def _tc_out_body(s_ref, pv_ref, o_ref):
    s0 = s_ref[0, :, 0:C] + s_ref[1, :, 0:C]
    s1 = s_ref[0, :, C:D] + s_ref[1, :, C:D]
    comb = 0.5 * (pv_ref[:, 0:1] * s0 + pv_ref[:, 1:2] * s1)
    m = jnp.max(comb, axis=-1, keepdims=True)
    e = jnp.exp(comb - m)
    lse = jnp.log(jnp.sum(e, axis=-1, keepdims=True)) + m
    o_ref[...] = comb - lse


_tc_proj = pl.pallas_call(
    _tc_proj_body,
    grid=(GRID,),
    in_specs=[
        pl.BlockSpec((R, D), lambda i: (i, 0)),
        pl.BlockSpec((D, D), lambda i: (0, 0)),
    ],
    out_specs=pl.BlockSpec((R, D), lambda i: (i, 0)),
    out_shape=jax.ShapeDtypeStruct((NP, D), jnp.float32),
)

_tc_gate = pl.pallas_call(
    _tc_gate_body,
    grid=(GRID,),
    in_specs=[
        pl.BlockSpec((NC, R, 16), lambda i: (0, i, 0)),
        pl.BlockSpec((R, D), lambda i: (i, 0)),
    ],
    out_specs=pl.BlockSpec((R, 2), lambda i: (i, 0)),
    out_shape=jax.ShapeDtypeStruct((NP, 2), jnp.float32),
)

_tc_z = pl.pallas_call(
    _tc_z_body,
    grid=(GRID,),
    in_specs=[
        pl.BlockSpec((NC, R, 16), lambda i: (0, i, 0)),
        pl.BlockSpec((NC, R, 16), lambda i: (0, i, 0)),
        pl.BlockSpec((R, D), lambda i: (i, 0)),
    ],
    out_specs=[
        pl.BlockSpec((R, D), lambda i: (i, 0)),
        pl.BlockSpec((R, 16), lambda i: (i, 0)),
    ],
    out_shape=[
        jax.ShapeDtypeStruct((NP, D), jnp.float32),
        jax.ShapeDtypeStruct((NP, 16), jnp.float32),
    ],
)

_tc_out = pl.pallas_call(
    _tc_out_body,
    grid=(GRID,),
    in_specs=[
        pl.BlockSpec((NC, R, D), lambda i: (0, i, 0)),
        pl.BlockSpec((R, 16), lambda i: (i, 0)),
    ],
    out_specs=pl.BlockSpec((R, C), lambda i: (i, 0)),
    out_shape=jax.ShapeDtypeStruct((NP, C), jnp.float32),
)



def kernel(x, edge_index, W_rank, W_cocn):
    src = edge_index[0].astype(jnp.int32)
    dst = edge_index[1].astype(jnp.int32)

    p32 = EP32 - E
    junk = N + (jnp.arange(p32, dtype=jnp.int32) % (NP - N))
    src32 = jnp.concatenate([src, junk]).reshape(NC * NS, W32, W)
    dst32 = jnp.concatenate([dst, junk]).reshape(NC * NS, W32, W)

    x_pad = jnp.zeros((NP, D), jnp.float32).at[:N].set(x)
    W2 = jnp.zeros((D, D), jnp.float32)
    W2 = W2.at[:, :C].set(W_cocn).at[:, C:C + 2].set(W_rank)

    srcm = src32.reshape(NC * NS, NWM, WM)
    dstm = dst32.reshape(NC * NS, NWM, WM)

    xcr = _tc_proj(x_pad, W2)
    deg2 = _sc_degree(dst32)
    g2 = _tc_gate(deg2, xcr)
    gf = g2.reshape(2 * NP)
    racc2 = _sc_ranking(src32, dst32, gf)
    z, pv = _tc_z(deg2, racc2, xcr)
    s2 = _sc_main(srcm, dstm, z)
    out = _tc_out(s2, pv)
    return out[:N]

# --- scband reference (transcript-rebuilt; emitter-appended) ---
"""Pipeline reference for scband-sparse-co-cn-76459007803895 (READ-ONLY COPY).

The authoritative reference and input builder live on the scoring server;
editing this copy changes nothing except your own understanding.
"""

import jax, jax.numpy as jnp
import numpy as np

N, E, D, H, C = 10000, 160000, 128, 2, 64

def setup_inputs(seed: int = 0):
    key = jax.random.key(seed)
    k1, k2, k3, k4 = jax.random.split(key, 4)
    x = jax.random.normal(k1, (N, D), dtype=jnp.float32)
    edge_index = jax.random.randint(k2, (2, E), 0, N)
    W_rank = jax.random.normal(k3, (D, H), dtype=jnp.float32) * 0.05
    W_cocn = jax.random.normal(k4, (D, C), dtype=jnp.float32) * 0.05
    return {"x": x, "edge_index": edge_index, "W_rank": W_rank, "W_cocn": W_cocn}

def _forward(x, W_rank, W_cocn, edge_index):
    # Single graph (b_s=1, batch all zeros), sub_size=1, no pe / pre_encoder, app_adj=False.
    n = x.shape[0]
    h = W_rank.shape[1]
    d = x.shape[1]
    src, dst = edge_index[0], edge_index[1]
    # get_normalized_adj with self-loops: Ahat = D^-1/2 (A+I) D^-1/2 (kept as COO)
    loop = jnp.arange(n)
    src_a = jnp.concatenate([src, loop])
    dst_a = jnp.concatenate([dst, loop])
    deg = jnp.zeros((n,), jnp.float32).at[dst_a].add(1.0)
    dinv = 1.0 / jnp.sqrt(jnp.maximum(deg, 1.0))
    w_a = dinv[src_a] * dinv[dst_a]
    # ranking module: one-hop propagation of projected features, Ahat @ (x @ W_rank) -> [n, h]
    xr = x @ W_rank
    msg_r = xr[src_a] * w_a[:, None]
    ranking = jnp.zeros_like(xr).at[dst_a].add(msg_r)
    # perm_gen: hard permutation indices from ranking order + soft gate values (sparse perm, sub_size=1)
    perm_val = jax.nn.sigmoid(ranking)  # perm.values().view(b_s, h, n, 1)
    order = jnp.argsort(-jax.lax.stop_gradient(ranking), axis=0)  # [n, h]
    ranks = jnp.broadcast_to(jnp.arange(n, dtype=jnp.int32)[:, None], (n, h))
    tgt = jnp.zeros((n, h), jnp.int32).at[order, jnp.arange(h)[None, :]].set(ranks)  # perm.indices()[1]
    # sparse_perm_2D: values = edge_feat(=1) * perm_val[src] * perm_val[dst]; indices remapped via tgt
    evals = perm_val[src] * perm_val[dst]  # [E, h]
    new_src = tgt[src]  # [E, h]
    new_dst = tgt[dst]  # [E, h]
    # cocn: permute node features into rank space (scaled by perm gate), then message passing on the
    # permuted sparse adjacency, then gather back to node order, head-average, and project.
    heads = jnp.arange(h)
    pvx = (perm_val[:, :, None] * x[:, None, :]).transpose(1, 0, 2)  # [h, n, d]
    pf = jnp.zeros((h, n, d), jnp.float32).at[heads[:, None], tgt.T].set(pvx)
    msg = pf[heads[None, :], new_src] * evals[:, :, None]  # [E, h, d]
    agg = jnp.zeros((h, n, d), jnp.float32).at[heads[None, :], new_dst].add(msg)
    back = agg[heads[None, :], tgt]  # [n, h, d]
    comb = back.mean(axis=1)  # [n, d]
    out = comb @ W_cocn  # [n, C]
    # task_type == 'single-class'
    return jax.nn.log_softmax(out, axis=-1)

def reference(x, edge_index, W_rank, W_cocn):
    return _forward(x, W_rank, W_cocn, edge_index)

if __name__ == "__main__":
    import jax
    _d = setup_inputs()
    print(jax.jit(kernel)(*tuple(_d.values())))

</pallas_src>

<mosaic_0001>
#map = affine_map<(d0, d1) -> (0, 0, 0)>
#map1 = affine_map<(d0, d1) -> (0)>
module attributes {stable_mosaic.version = 14 : i64} {
  func.func @_sc_ranking(%arg0: i32, %arg1: i32, %arg2: memref<32x40x128xi32, #tpu.memory_space<hbm>>, %arg3: memref<32x40x128xi32, #tpu.memory_space<hbm>>, %arg4: memref<20480xf32, #tpu.memory_space<hbm>>, %arg5: memref<2x10240x16xf32, #tpu.memory_space<hbm>>, %arg6: memref<40x128xi32, #tpu.memory_space<vmem>>, %arg7: memref<40x128xi32, #tpu.memory_space<vmem>>, %arg8: memref<20480xf32, #tpu.memory_space<vmem>>, %arg9: memref<128x16xf32, #tpu.memory_space<vmem>>, %arg10: memref<10240x16xf32, #tpu.memory_space<vmem_shared>>) attributes {dimension_semantics = [#tpu.dimension_semantics<core_parallel>, #tpu.dimension_semantics<subcore_parallel>], iteration_bounds = array<i64: 2, 16>, scalar_prefetch = 0 : i64, scratch_operands = 5 : i64, tpu.core_type = #tpu.core_type<sc_vector_subcore>, window_params = [{transform_indices = #map}, {transform_indices = #map}, {transform_indices = #map1}, {transform_indices = #map}]} {
    %mul3A = arith.constant 2 : i32
    %mul3A_0 = arith.muli %arg1, %mul3A : i32
    %add3A = arith.addi %mul3A_0, %arg0 : i32
    "tpu.region"() ({
      %run_scoped3A = tpu.sem_alloc : memref<!tpu.dma_semaphore, #tpu.memory_space<semaphore_mem>>
      %dma_start3A = arith.constant 0 : i32
      %dma_start3A_57 = arith.constant 0 : i32
      %dma_start3A_58 = tpu.memref_slice %arg2[%add3A, %dma_start3A, %dma_start3A_57] : memref<32x40x128xi32, #tpu.memory_space<hbm>> -> memref<1x40x128xi32, #tpu.memory_space<hbm>>
      %dma_start3A_59 = tpu.memref_squeeze %dma_start3A_58 : memref<1x40x128xi32, #tpu.memory_space<hbm>> -> memref<40x128xi32, #tpu.memory_space<hbm>>
      %dma_start3A_60 = arith.constant 0 : i32
      %dma_start3A_61 = arith.constant 0 : i32
      %dma_start3A_62 = tpu.memref_slice %arg2[%add3A, %dma_start3A_60, %dma_start3A_61] : memref<32x40x128xi32, #tpu.memory_space<hbm>> -> memref<1x40x128xi32, #tpu.memory_space<hbm>>
      %dma_start3A_63 = tpu.memref_squeeze %dma_start3A_62 : memref<1x40x128xi32, #tpu.memory_space<hbm>> -> memref<40x128xi32, #tpu.memory_space<hbm>>
      tpu.enqueue_dma source(%dma_start3A_63 : memref<40x128xi32, #tpu.memory_space<hbm>>) target(%arg6 : memref<40x128xi32, #tpu.memory_space<vmem>>) target_semaphore(%run_scoped3A : memref<!tpu.dma_semaphore, #tpu.memory_space<semaphore_mem>>)
      %dma_wait3A = arith.constant 0 : i32
      %dma_wait3A_64 = arith.constant 0 : i32
      %dma_wait3A_65 = tpu.memref_slice %arg2[%add3A, %dma_wait3A, %dma_wait3A_64] : memref<32x40x128xi32, #tpu.memory_space<hbm>> -> memref<1x40x128xi32, #tpu.memory_space<hbm>>
      %dma_wait3A_66 = tpu.memref_squeeze %dma_wait3A_65 : memref<1x40x128xi32, #tpu.memory_space<hbm>> -> memref<40x128xi32, #tpu.memory_space<hbm>>
      %dma_wait3A_67 = arith.constant 0 : i32
      %dma_wait3A_68 = arith.constant 0 : i32
      %dma_wait3A_69 = tpu.memref_slice %arg2[%add3A, %dma_wait3A_67, %dma_wait3A_68] : memref<32x40x128xi32, #tpu.memory_space<hbm>> -> memref<1x40x128xi32, #tpu.memory_space<hbm>>
      %dma_wait3A_70 = tpu.memref_squeeze %dma_wait3A_69 : memref<1x40x128xi32, #tpu.memory_space<hbm>> -> memref<40x128xi32, #tpu.memory_space<hbm>>
      tpu.wait_dma2 semaphore(%run_scoped3A : memref<!tpu.dma_semaphore, #tpu.memory_space<semaphore_mem>>) src(%dma_wait3A_70 : memref<40x128xi32, #tpu.memory_space<hbm>>) dst(%arg6 : memref<40x128xi32, #tpu.memory_space<vmem>>)
      tpu.yield
    }) : () -> ()
    "tpu.region"() ({
      %run_scoped3A = tpu.sem_alloc : memref<!tpu.dma_semaphore, #tpu.memory_space<semaphore_mem>>
      %dma_start3A = arith.constant 0 : i32
      %dma_start3A_57 = arith.constant 0 : i32
      %dma_start3A_58 = tpu.memref_slice %arg3[%add3A, %dma_start3A, %dma_start3A_57] : memref<32x40x128xi32, #tpu.memory_space<hbm>> -> memref<1x40x128xi32, #tpu.memory_space<hbm>>
      %dma_start3A_59 = tpu.memref_squeeze %dma_start3A_58 : memref<1x40x128xi32, #tpu.memory_space<hbm>> -> memref<40x128xi32, #tpu.memory_space<hbm>>
      %dma_start3A_60 = arith.constant 0 : i32
      %dma_start3A_61 = arith.constant 0 : i32
      %dma_start3A_62 = tpu.memref_slice %arg3[%add3A, %dma_start3A_60, %dma_start3A_61] : memref<32x40x128xi32, #tpu.memory_space<hbm>> -> memref<1x40x128xi32, #tpu.memory_space<hbm>>
      %dma_start3A_63 = tpu.memref_squeeze %dma_start3A_62 : memref<1x40x128xi32, #tpu.memory_space<hbm>> -> memref<40x128xi32, #tpu.memory_space<hbm>>
      tpu.enqueue_dma source(%dma_start3A_63 : memref<40x128xi32, #tpu.memory_space<hbm>>) target(%arg7 : memref<40x128xi32, #tpu.memory_space<vmem>>) target_semaphore(%run_scoped3A : memref<!tpu.dma_semaphore, #tpu.memory_space<semaphore_mem>>)
      %dma_wait3A = arith.constant 0 : i32
      %dma_wait3A_64 = arith.constant 0 : i32
      %dma_wait3A_65 = tpu.memref_slice %arg3[%add3A, %dma_wait3A, %dma_wait3A_64] : memref<32x40x128xi32, #tpu.memory_space<hbm>> -> memref<1x40x128xi32, #tpu.memory_space<hbm>>
      %dma_wait3A_66 = tpu.memref_squeeze %dma_wait3A_65 : memref<1x40x128xi32, #tpu.memory_space<hbm>> -> memref<40x128xi32, #tpu.memory_space<hbm>>
      %dma_wait3A_67 = arith.constant 0 : i32
      %dma_wait3A_68 = arith.constant 0 : i32
      %dma_wait3A_69 = tpu.memref_slice %arg3[%add3A, %dma_wait3A_67, %dma_wait3A_68] : memref<32x40x128xi32, #tpu.memory_space<hbm>> -> memref<1x40x128xi32, #tpu.memory_space<hbm>>
      %dma_wait3A_70 = tpu.memref_squeeze %dma_wait3A_69 : memref<1x40x128xi32, #tpu.memory_space<hbm>> -> memref<40x128xi32, #tpu.memory_space<hbm>>
      tpu.wait_dma2 semaphore(%run_scoped3A : memref<!tpu.dma_semaphore, #tpu.memory_space<semaphore_mem>>) src(%dma_wait3A_70 : memref<40x128xi32, #tpu.memory_space<hbm>>) dst(%arg7 : memref<40x128xi32, #tpu.memory_space<vmem>>)
      tpu.yield
    }) : () -> ()
    "tpu.region"() ({
      %run_scoped3A = tpu.sem_alloc : memref<!tpu.dma_semaphore, #tpu.memory_space<semaphore_mem>>
      tpu.enqueue_dma source(%arg4 : memref<20480xf32, #tpu.memory_space<hbm>>) target(%arg8 : memref<20480xf32, #tpu.memory_space<vmem>>) target_semaphore(%run_scoped3A : memref<!tpu.dma_semaphore, #tpu.memory_space<semaphore_mem>>)
      tpu.wait_dma2 semaphore(%run_scoped3A : memref<!tpu.dma_semaphore, #tpu.memory_space<semaphore_mem>>) src(%arg4 : memref<20480xf32, #tpu.memory_space<hbm>>) dst(%arg8 : memref<20480xf32, #tpu.memory_space<vmem>>)
      tpu.yield
    }) : () -> ()
    %scan3A = arith.constant 0 : i32
    %scan3A_1 = arith.constant 0 : i32
    %scan3A_2 = arith.constant 128 : i32
    %scan3A_3 = arith.addi %scan3A_1, %scan3A_2 : i32
    %scan3A_4 = arith.constant 1 : i32
    %scan3A_5 = scf.for %scan3A_57 = %scan3A_1 to %scan3A_3 step %scan3A_4 iter_args(%scan3A_58 = %scan3A) -> (i32)  : i32 {
      %broadcast_in_dim3A_59 = arith.constant 0.000000e+00 : f32
      %broadcast_in_dim3A_60 = vector.broadcast %broadcast_in_dim3A_59 : f32 to vector<16xf32>
      %swap3A = arith.index_cast %scan3A_57 : i32 to index
      %swap3A_61 = arith.constant 0 : index
      %swap3A_62 = tpu.vector_load %arg9[%swap3A, %swap3A_61] {strides = array<i32>} : memref<128x16xf32, #tpu.memory_space<vmem>>, vector<16xf32>,
      tpu.vector_store %arg9[%swap3A, %swap3A_61], %broadcast_in_dim3A_60 {strides = array<i32>} : memref<128x16xf32, #tpu.memory_space<vmem>>, vector<16xf32>,
      %scan3A_63 = arith.constant 0 : i32
      scf.yield %scan3A_63 : i32
    }
    %scan3A_6 = arith.constant 128 : i32
    %mul3A_7 = arith.constant 640 : i32
    %mul3A_8 = arith.muli %arg1, %mul3A_7 : i32
    %add3A_9 = arith.constant 0 : i32
    %add3A_10 = arith.addi %mul3A_8, %add3A_9 : i32
    "tpu.region"() ({
      %run_scoped3A = tpu.sem_alloc : memref<!tpu.dma_semaphore, #tpu.memory_space<semaphore_mem>>
      %dma_start3A = arith.constant 0 : i32
      %dma_start3A_57 = tpu.memref_slice %arg10[%add3A_10, %dma_start3A] : memref<10240x16xf32, #tpu.memory_space<vmem_shared>> -> memref<128x16xf32, #tpu.memory_space<vmem_shared>>
      %dma_start3A_58 = arith.constant 0 : i32
      %dma_start3A_59 = tpu.memref_slice %arg10[%add3A_10, %dma_start3A_58] : memref<10240x16xf32, #tpu.memory_space<vmem_shared>> -> memref<128x16xf32, #tpu.memory_space<vmem_shared>>
      tpu.enqueue_dma source(%arg9 : memref<128x16xf32, #tpu.memory_space<vmem>>) target(%dma_start3A_59 : memref<128x16xf32, #tpu.memory_space<vmem_shared>>) target_semaphore(%run_scoped3A : memref<!tpu.dma_semaphore, #tpu.memory_space<semaphore_mem>>)
      %dma_wait3A = arith.constant 0 : i32
      %dma_wait3A_60 = tpu.memref_slice %arg10[%add3A_10, %dma_wait3A] : memref<10240x16xf32, #tpu.memory_space<vmem_shared>> -> memref<128x16xf32, #tpu.memory_space<vmem_shared>>
      %dma_wait3A_61 = arith.constant 0 : i32
      %dma_wait3A_62 = tpu.memref_slice %arg10[%add3A_10, %dma_wait3A_61] : memref<10240x16xf32, #tpu.memory_space<vmem_shared>> -> memref<128x16xf32, #tpu.memory_space<vmem_shared>>
      tpu.wait_dma2 semaphore(%run_scoped3A : memref<!tpu.dma_semaphore, #tpu.memory_space<semaphore_mem>>) src(%arg9 : memref<128x16xf32, #tpu.memory_space<vmem>>) dst(%dma_wait3A_62 : memref<128x16xf32, #tpu.memory_space<vmem_shared>>)
      tpu.yield
    }) : () -> ()
    %add3A_11 = arith.constant 128 : i32
    %add3A_12 = arith.addi %mul3A_8, %add3A_11 : i32
    "tpu.region"() ({
      %run_scoped3A = tpu.sem_alloc : memref<!tpu.dma_semaphore, #tpu.memory_space<semaphore_mem>>
      %dma_start3A = arith.constant 0 : i32
      %dma_start3A_57 = tpu.memref_slice %arg10[%add3A_12, %dma_start3A] : memref<10240x16xf32, #tpu.memory_space<vmem_shared>> -> memref<128x16xf32, #tpu.memory_space<vmem_shared>>
      %dma_start3A_58 = arith.constant 0 : i32
      %dma_start3A_59 = tpu.memref_slice %arg10[%add3A_12, %dma_start3A_58] : memref<10240x16xf32, #tpu.memory_space<vmem_shared>> -> memref<128x16xf32, #tpu.memory_space<vmem_shared>>
      tpu.enqueue_dma source(%arg9 : memref<128x16xf32, #tpu.memory_space<vmem>>) target(%dma_start3A_59 : memref<128x16xf32, #tpu.memory_space<vmem_shared>>) target_semaphore(%run_scoped3A : memref<!tpu.dma_semaphore, #tpu.memory_space<semaphore_mem>>)
      %dma_wait3A = arith.constant 0 : i32
      %dma_wait3A_60 = tpu.memref_slice %arg10[%add3A_12, %dma_wait3A] : memref<10240x16xf32, #tpu.memory_space<vmem_shared>> -> memref<128x16xf32, #tpu.memory_space<vmem_shared>>
      %dma_wait3A_61 = arith.constant 0 : i32
      %dma_wait3A_62 = tpu.memref_slice %arg10[%add3A_12, %dma_wait3A_61] : memref<10240x16xf32, #tpu.memory_space<vmem_shared>> -> memref<128x16xf32, #tpu.memory_space<vmem_shared>>
      tpu.wait_dma2 semaphore(%run_scoped3A : memref<!tpu.dma_semaphore, #tpu.memory_space<semaphore_mem>>) src(%arg9 : memref<128x16xf32, #tpu.memory_space<vmem>>) dst(%dma_wait3A_62 : memref<128x16xf32, #tpu.memory_space<vmem_shared>>)
      tpu.yield
    }) : () -> ()
    %add3A_13 = arith.constant 256 : i32
    %add3A_14 = arith.addi %mul3A_8, %add3A_13 : i32
    "tpu.region"() ({
      %run_scoped3A = tpu.sem_alloc : memref<!tpu.dma_semaphore, #tpu.memory_space<semaphore_mem>>
      %dma_start3A = arith.constant 0 : i32
      %dma_start3A_57 = tpu.memref_slice %arg10[%add3A_14, %dma_start3A] : memref<10240x16xf32, #tpu.memory_space<vmem_shared>> -> memref<128x16xf32, #tpu.memory_space<vmem_shared>>
      %dma_start3A_58 = arith.constant 0 : i32
      %dma_start3A_59 = tpu.memref_slice %arg10[%add3A_14, %dma_start3A_58] : memref<10240x16xf32, #tpu.memory_space<vmem_shared>> -> memref<128x16xf32, #tpu.memory_space<vmem_shared>>
      tpu.enqueue_dma source(%arg9 : memref<128x16xf32, #tpu.memory_space<vmem>>) target(%dma_start3A_59 : memref<128x16xf32, #tpu.memory_space<vmem_shared>>) target_semaphore(%run_scoped3A : memref<!tpu.dma_semaphore, #tpu.memory_space<semaphore_mem>>)
      %dma_wait3A = arith.constant 0 : i32
      %dma_wait3A_60 = tpu.memref_slice %arg10[%add3A_14, %dma_wait3A] : memref<10240x16xf32, #tpu.memory_space<vmem_shared>> -> memref<128x16xf32, #tpu.memory_space<vmem_shared>>
      %dma_wait3A_61 = arith.constant 0 : i32
      %dma_wait3A_62 = tpu.memref_slice %arg10[%add3A_14, %dma_wait3A_61] : memref<10240x16xf32, #tpu.memory_space<vmem_shared>> -> memref<128x16xf32, #tpu.memory_space<vmem_shared>>
      tpu.wait_dma2 semaphore(%run_scoped3A : memref<!tpu.dma_semaphore, #tpu.memory_space<semaphore_mem>>) src(%arg9 : memref<128x16xf32, #tpu.memory_space<vmem>>) dst(%dma_wait3A_62 : memref<128x16xf32, #tpu.memory_space<vmem_shared>>)
      tpu.yield
    }) : () -> ()
    %add3A_15 = arith.constant 384 : i32
    %add3A_16 = arith.addi %mul3A_8, %add3A_15 : i32
    "tpu.region"() ({
      %run_scoped3A = tpu.sem_alloc : memref<!tpu.dma_semaphore, #tpu.memory_space<semaphore_mem>>
      %dma_start3A = arith.constant 0 : i32
      %dma_start3A_57 = tpu.memref_slice %arg10[%add3A_16, %dma_start3A] : memref<10240x16xf32, #tpu.memory_space<vmem_shared>> -> memref<128x16xf32, #tpu.memory_space<vmem_shared>>
      %dma_start3A_58 = arith.constant 0 : i32
      %dma_start3A_59 = tpu.memref_slice %arg10[%add3A_16, %dma_start3A_58] : memref<10240x16xf32, #tpu.memory_space<vmem_shared>> -> memref<128x16xf32, #tpu.memory_space<vmem_shared>>
      tpu.enqueue_dma source(%arg9 : memref<128x16xf32, #tpu.memory_space<vmem>>) target(%dma_start3A_59 : memref<128x16xf32, #tpu.memory_space<vmem_shared>>) target_semaphore(%run_scoped3A : memref<!tpu.dma_semaphore, #tpu.memory_space<semaphore_mem>>)
      %dma_wait3A = arith.constant 0 : i32
      %dma_wait3A_60 = tpu.memref_slice %arg10[%add3A_16, %dma_wait3A] : memref<10240x16xf32, #tpu.memory_space<vmem_shared>> -> memref<128x16xf32, #tpu.memory_space<vmem_shared>>
      %dma_wait3A_61 = arith.constant 0 : i32
      %dma_wait3A_62 = tpu.memref_slice %arg10[%add3A_16, %dma_wait3A_61] : memref<10240x16xf32, #tpu.memory_space<vmem_shared>> -> memref<128x16xf32, #tpu.memory_space<vmem_shared>>
      tpu.wait_dma2 semaphore(%run_scoped3A : memref<!tpu.dma_semaphore, #tpu.memory_space<semaphore_mem>>) src(%arg9 : memref<128x16xf32, #tpu.memory_space<vmem>>) dst(%dma_wait3A_62 : memref<128x16xf32, #tpu.memory_space<vmem_shared>>)
      tpu.yield
    }) : () -> ()
    %add3A_17 = arith.constant 512 : i32
    %add3A_18 = arith.addi %mul3A_8, %add3A_17 : i32
    "tpu.region"() ({
      %run_scoped3A = tpu.sem_alloc : memref<!tpu.dma_semaphore, #tpu.memory_space<semaphore_mem>>
      %dma_start3A = arith.constant 0 : i32
      %dma_start3A_57 = tpu.memref_slice %arg10[%add3A_18, %dma_start3A] : memref<10240x16xf32, #tpu.memory_space<vmem_shared>> -> memref<128x16xf32, #tpu.memory_space<vmem_shared>>
      %dma_start3A_58 = arith.constant 0 : i32
      %dma_start3A_59 = tpu.memref_slice %arg10[%add3A_18, %dma_start3A_58] : memref<10240x16xf32, #tpu.memory_space<vmem_shared>> -> memref<128x16xf32, #tpu.memory_space<vmem_shared>>
      tpu.enqueue_dma source(%arg9 : memref<128x16xf32, #tpu.memory_space<vmem>>) target(%dma_start3A_59 : memref<128x16xf32, #tpu.memory_space<vmem_shared>>) target_semaphore(%run_scoped3A : memref<!tpu.dma_semaphore, #tpu.memory_space<semaphore_mem>>)
      %dma_wait3A = arith.constant 0 : i32
      %dma_wait3A_60 = tpu.memref_slice %arg10[%add3A_18, %dma_wait3A] : memref<10240x16xf32, #tpu.memory_space<vmem_shared>> -> memref<128x16xf32, #tpu.memory_space<vmem_shared>>
      %dma_wait3A_61 = arith.constant 0 : i32
      %dma_wait3A_62 = tpu.memref_slice %arg10[%add3A_18, %dma_wait3A_61] : memref<10240x16xf32, #tpu.memory_space<vmem_shared>> -> memref<128x16xf32, #tpu.memory_space<vmem_shared>>
      tpu.wait_dma2 semaphore(%run_scoped3A : memref<!tpu.dma_semaphore, #tpu.memory_space<semaphore_mem>>) src(%arg9 : memref<128x16xf32, #tpu.memory_space<vmem>>) dst(%dma_wait3A_62 : memref<128x16xf32, #tpu.memory_space<vmem_shared>>)
      tpu.yield
    }) : () -> ()
    %barrier3A = arith.constant 0 : index
    tpu.barrier barrier_id(%barrier3A)
    %iota3A = tpu.iota {dimensions = array<i32: 0>} : vector<16xi32>
    %broadcast_in_dim3A = arith.constant 0 : i32
    %broadcast_in_dim3A_19 = vector.broadcast %broadcast_in_dim3A : i32 to vector<16xi32>
    %broadcast_in_dim3A_20 = arith.constant 1 : i32
    %broadcast_in_dim3A_21 = vector.broadcast %broadcast_in_dim3A_20 : i32 to vector<16xi32>
    %scan3A_22 = arith.constant 0 : i32
    %scan3A_23 = arith.constant 0 : i32
    %scan3A_24 = arith.constant 40 : i32
    %scan3A_25 = arith.addi %scan3A_23, %scan3A_24 : i32
    %scan3A_26 = arith.constant 1 : i32
    %scan3A_27 = scf.for %scan3A_57 = %scan3A_23 to %scan3A_25 step %scan3A_26 iter_args(%scan3A_58 = %scan3A_22) -> (i32)  : i32 {
      %get3A = arith.index_cast %scan3A_57 : i32 to index
      %get3A_59 = arith.constant 0 : index
      %get3A_60 = tpu.vector_load %arg6[%get3A, %get3A_59] {strides = array<i32>} : memref<40x128xi32, #tpu.memory_space<vmem>>, vector<16xi32>,
      %mul3A_61 = arith.constant 2 : i32
      %mul3A_62 = vector.broadcast %mul3A_61 : i32 to vector<16xi32>
      %mul3A_63 = arith.muli %get3A_60, %mul3A_62 : vector<16xi32>
      %gather3A = tpu.vector_load_idx %arg8[%mul3A_63] : memref<20480xf32, #tpu.memory_space<vmem>>[vector<16xi32>], vector<16xf32>,
      %add3A_64 = arith.addi %mul3A_63, %broadcast_in_dim3A_21 : vector<16xi32>
      %gather3A_65 = tpu.vector_load_idx %arg8[%add3A_64] : memref<20480xf32, #tpu.memory_space<vmem>>[vector<16xi32>], vector<16xf32>,
      %add3A_66 = arith.constant 0 : i32
      %add3A_67 = vector.broadcast %add3A_66 : i32 to vector<16xi32>
      %add3A_68 = arith.addi %iota3A, %add3A_67 : vector<16xi32>
      tpu.vector_store_idx %arg9[%add3A_68, %broadcast_in_dim3A_19], %gather3A : memref<128x16xf32, #tpu.memory_space<vmem>>[vector<16xi32>, vector<16xi32>], vector<16xf32>,
      tpu.vector_store_idx %arg9[%add3A_68, %broadcast_in_dim3A_21], %gather3A_65 : memref<128x16xf32, #tpu.memory_space<vmem>>[vector<16xi32>, vector<16xi32>], vector<16xf32>,
      %get3A_69 = arith.index_cast %scan3A_57 : i32 to index
      %get3A_70 = arith.constant 16 : index
      %get3A_71 = tpu.vector_load %arg6[%get3A_69, %get3A_70] {strides = array<i32>} : memref<40x128xi32, #tpu.memory_space<vmem>>, vector<16xi32>,
      %mul3A_72 = arith.constant 2 : i32
      %mul3A_73 = vector.broadcast %mul3A_72 : i32 to vector<16xi32>
      %mul3A_74 = arith.muli %get3A_71, %mul3A_73 : vector<16xi32>
      %gather3A_75 = tpu.vector_load_idx %arg8[%mul3A_74] : memref<20480xf32, #tpu.memory_space<vmem>>[vector<16xi32>], vector<16xf32>,
      %add3A_76 = arith.addi %mul3A_74, %broadcast_in_dim3A_21 : vector<16xi32>
      %gather3A_77 = tpu.vector_load_idx %arg8[%add3A_76] : memref<20480xf32, #tpu.memory_space<vmem>>[vector<16xi32>], vector<16xf32>,
      %add3A_78 = arith.constant 16 : i32
      %add3A_79 = vector.broadcast %add3A_78 : i32 to vector<16xi32>
      %add3A_80 = arith.addi %iota3A, %add3A_79 : vector<16xi32>
      tpu.vector_store_idx %arg9[%add3A_80, %broadcast_in_dim3A_19], %gather3A_75 : memref<128x16xf32, #tpu.memory_space<vmem>>[vector<16xi32>, vector<16xi32>], vector<16xf32>,
      tpu.vector_store_idx %arg9[%add3A_80, %broadcast_in_dim3A_21], %gather3A_77 : memref<128x16xf32, #tpu.memory_space<vmem>>[vector<16xi32>, vector<16xi32>], vector<16xf32>,
      %get3A_81 = arith.index_cast %scan3A_57 : i32 to index
      %get3A_82 = arith.constant 32 : index
      %get3A_83 = tpu.vector_load %arg6[%get3A_81, %get3A_82] {strides = array<i32>} : memref<40x128xi32, #tpu.memory_space<vmem>>, vector<16xi32>,
      %mul3A_84 = arith.constant 2 : i32
      %mul3A_85 = vector.broadcast %mul3A_84 : i32 to vector<16xi32>
      %mul3A_86 = arith.muli %get3A_83, %mul3A_85 : vector<16xi32>
      %gather3A_87 = tpu.vector_load_idx %arg8[%mul3A_86] : memref<20480xf32, #tpu.memory_space<vmem>>[vector<16xi32>], vector<16xf32>,
      %add3A_88 = arith.addi %mul3A_86, %broadcast_in_dim3A_21 : vector<16xi32>
      %gather3A_89 = tpu.vector_load_idx %arg8[%add3A_88] : memref<20480xf32, #tpu.memory_space<vmem>>[vector<16xi32>], vector<16xf32>,
      %add3A_90 = arith.constant 32 : i32
      %add3A_91 = vector.broadcast %add3A_90 : i32 to vector<16xi32>
      %add3A_92 = arith.addi %iota3A, %add3A_91 : vector<16xi32>
      tpu.vector_store_idx %arg9[%add3A_92, %broadcast_in_dim3A_19], %gather3A_87 : memref<128x16xf32, #tpu.memory_space<vmem>>[vector<16xi32>, vector<16xi32>], vector<16xf32>,
      tpu.vector_store_idx %arg9[%add3A_92, %broadcast_in_dim3A_21], %gather3A_89 : memref<128x16xf32, #tpu.memory_space<vmem>>[vector<16xi32>, vector<16xi32>], vector<16xf32>,
      %get3A_93 = arith.index_cast %scan3A_57 : i32 to index
      %get3A_94 = arith.constant 48 : index
      %get3A_95 = tpu.vector_load %arg6[%get3A_93, %get3A_94] {strides = array<i32>} : memref<40x128xi32, #tpu.memory_space<vmem>>, vector<16xi32>,
      %mul3A_96 = arith.constant 2 : i32
      %mul3A_97 = vector.broadcast %mul3A_96 : i32 to vector<16xi32>
      %mul3A_98 = arith.muli %get3A_95, %mul3A_97 : vector<16xi32>
      %gather3A_99 = tpu.vector_load_idx %arg8[%mul3A_98] : memref<20480xf32, #tpu.memory_space<vmem>>[vector<16xi32>], vector<16xf32>,
      %add3A_100 = arith.addi %mul3A_98, %broadcast_in_dim3A_21 : vector<16xi32>
      %gather3A_101 = tpu.vector_load_idx %arg8[%add3A_100] : memref<20480xf32, #tpu.memory_space<vmem>>[vector<16xi32>], vector<16xf32>,
      %add3A_102 = arith.constant 48 : i32
      %add3A_103 = vector.broadcast %add3A_102 : i32 to vector<16xi32>
      %add3A_104 = arith.addi %iota3A, %add3A_103 : vector<16xi32>
      tpu.vector_store_idx %arg9[%add3A_104, %broadcast_in_dim3A_19], %gather3A_99 : memref<128x16xf32, #tpu.memory_space<vmem>>[vector<16xi32>, vector<16xi32>], vector<16xf32>,
      tpu.vector_store_idx %arg9[%add3A_104, %broadcast_in_dim3A_21], %gather3A_101 : memref<128x16xf32, #tpu.memory_space<vmem>>[vector<16xi32>, vector<16xi32>], vector<16xf32>,
      %get3A_105 = arith.index_cast %scan3A_57 : i32 to index
      %get3A_106 = arith.constant 64 : index
      %get3A_107 = tpu.vector_load %arg6[%get3A_105, %get3A_106] {strides = array<i32>} : memref<40x128xi32, #tpu.memory_space<vmem>>, vector<16xi32>,
      %mul3A_108 = arith.constant 2 : i32
      %mul3A_109 = vector.broadcast %mul3A_108 : i32 to vector<16xi32>
      %mul3A_110 = arith.muli %get3A_107, %mul3A_109 : vector<16xi32>
      %gather3A_111 = tpu.vector_load_idx %arg8[%mul3A_110] : memref<20480xf32, #tpu.memory_space<vmem>>[vector<16xi32>], vector<16xf32>,
      %add3A_112 = arith.addi %mul3A_110, %broadcast_in_dim3A_21 : vector<16xi32>
      %gather3A_113 = tpu.vector_load_idx %arg8[%add3A_112] : memref<20480xf32, #tpu.memory_space<vmem>>[vector<16xi32>], vector<16xf32>,
      %add3A_114 = arith.constant 64 : i32
      %add3A_115 = vector.broadcast %add3A_114 : i32 to vector<16xi32>
      %add3A_116 = arith.addi %iota3A, %add3A_115 : vector<16xi32>
      tpu.vector_store_idx %arg9[%add3A_116, %broadcast_in_dim3A_19], %gather3A_111 : memref<128x16xf32, #tpu.memory_space<vmem>>[vector<16xi32>, vector<16xi32>], vector<16xf32>,
      tpu.vector_store_idx %arg9[%add3A_116, %broadcast_in_dim3A_21], %gather3A_113 : memref<128x16xf32, #tpu.memory_space<vmem>>[vector<16xi32>, vector<16xi32>], vector<16xf32>,
      %get3A_117 = arith.index_cast %scan3A_57 : i32 to index
      %get3A_118 = arith.constant 80 : index
      %get3A_119 = tpu.vector_load %arg6[%get3A_117, %get3A_118] {strides = array<i32>} : memref<40x128xi32, #tpu.memory_space<vmem>>, vector<16xi32>,
      %mul3A_120 = arith.constant 2 : i32
      %mul3A_121 = vector.broadcast %mul3A_120 : i32 to vector<16xi32>
      %mul3A_122 = arith.muli %get3A_119, %mul3A_121 : vector<16xi32>
      %gather3A_123 = tpu.vector_load_idx %arg8[%mul3A_122] : memref<20480xf32, #tpu.memory_space<vmem>>[vector<16xi32>], vector<16xf32>,
      %add3A_124 = arith.addi %mul3A_122, %broadcast_in_dim3A_21 : vector<16xi32>
      %gather3A_125 = tpu.vector_load_idx %arg8[%add3A_124] : memref<20480xf32, #tpu.memory_space<vmem>>[vector<16xi32>], vector<16xf32>,
      %add3A_126 = arith.constant 80 : i32
      %add3A_127 = vector.broadcast %add3A_126 : i32 to vector<16xi32>
      %add3A_128 = arith.addi %iota3A, %add3A_127 : vector<16xi32>
      tpu.vector_store_idx %arg9[%add3A_128, %broadcast_in_dim3A_19], %gather3A_123 : memref<128x16xf32, #tpu.memory_space<vmem>>[vector<16xi32>, vector<16xi32>], vector<16xf32>,
      tpu.vector_store_idx %arg9[%add3A_128, %broadcast_in_dim3A_21], %gather3A_125 : memref<128x16xf32, #tpu.memory_space<vmem>>[vector<16xi32>, vector<16xi32>], vector<16xf32>,
      %get3A_129 = arith.index_cast %scan3A_57 : i32 to index
      %get3A_130 = arith.constant 96 : index
      %get3A_131 = tpu.vector_load %arg6[%get3A_129, %get3A_130] {strides = array<i32>} : memref<40x128xi32, #tpu.memory_space<vmem>>, vector<16xi32>,
      %mul3A_132 = arith.constant 2 : i32
      %mul3A_133 = vector.broadcast %mul3A_132 : i32 to vector<16xi32>
      %mul3A_134 = arith.muli %get3A_131, %mul3A_133 : vector<16xi32>
      %gather3A_135 = tpu.vector_load_idx %arg8[%mul3A_134] : memref<20480xf32, #tpu.memory_space<vmem>>[vector<16xi32>], vector<16xf32>,
      %add3A_136 = arith.addi %mul3A_134, %broadcast_in_dim3A_21 : vector<16xi32>
      %gather3A_137 = tpu.vector_load_idx %arg8[%add3A_136] : memref<20480xf32, #tpu.memory_space<vmem>>[vector<16xi32>], vector<16xf32>,
      %add3A_138 = arith.constant 96 : i32
      %add3A_139 = vector.broadcast %add3A_138 : i32 to vector<16xi32>
      %add3A_140 = arith.addi %iota3A, %add3A_139 : vector<16xi32>
      tpu.vector_store_idx %arg9[%add3A_140, %broadcast_in_dim3A_19], %gather3A_135 : memref<128x16xf32, #tpu.memory_space<vmem>>[vector<16xi32>, vector<16xi32>], vector<16xf32>,
      tpu.vector_store_idx %arg9[%add3A_140, %broadcast_in_dim3A_21], %gather3A_137 : memref<128x16xf32, #tpu.memory_space<vmem>>[vector<16xi32>, vector<16xi32>], vector<16xf32>,
      %get3A_141 = arith.index_cast %scan3A_57 : i32 to index
      %get3A_142 = arith.constant 112 : index
      %get3A_143 = tpu.vector_load %arg6[%get3A_141, %get3A_142] {strides = array<i32>} : memref<40x128xi32, #tpu.memory_space<vmem>>, vector<16xi32>,
      %mul3A_144 = arith.constant 2 : i32
      %mul3A_145 = vector.broadcast %mul3A_144 : i32 to vector<16xi32>
      %mul3A_146 = arith.muli %get3A_143, %mul3A_145 : vector<16xi32>
      %gather3A_147 = tpu.vector_load_idx %arg8[%mul3A_146] : memref<20480xf32, #tpu.memory_space<vmem>>[vector<16xi32>], vector<16xf32>,
      %add3A_148 = arith.addi %mul3A_146, %broadcast_in_dim3A_21 : vector<16xi32>
      %gather3A_149 = tpu.vector_load_idx %arg8[%add3A_148] : memref<20480xf32, #tpu.memory_space<vmem>>[vector<16xi32>], vector<16xf32>,
      %add3A_150 = arith.constant 112 : i32
      %add3A_151 = vector.broadcast %add3A_150 : i32 to vector<16xi32>
      %add3A_152 = arith.addi %iota3A, %add3A_151 : vector<16xi32>
      tpu.vector_store_idx %arg9[%add3A_152, %broadcast_in_dim3A_19], %gather3A_147 : memref<128x16xf32, #tpu.memory_space<vmem>>[vector<16xi32>, vector<16xi32>], vector<16xf32>,
      tpu.vector_store_idx %arg9[%add3A_152, %broadcast_in_dim3A_21], %gather3A_149 : memref<128x16xf32, #tpu.memory_space<vmem>>[vector<16xi32>, vector<16xi32>], vector<16xf32>,
      "tpu.region"() ({
        %run_scoped3A = tpu.sem_alloc : memref<!tpu.dma_semaphore, #tpu.memory_space<semaphore_mem>>
        %dma_start3A = arith.constant 0 : i32
        %dma_start3A_154 = tpu.memref_slice %arg7[%scan3A_57, %dma_start3A] : memref<40x128xi32, #tpu.memory_space<vmem>> -> memref<1x128xi32, #tpu.memory_space<vmem>>
        %dma_start3A_155 = tpu.memref_squeeze %dma_start3A_154 : memref<1x128xi32, #tpu.memory_space<vmem>> -> memref<128xi32, #tpu.memory_space<vmem>>
        %dma_start3A_156 = arith.constant 0 : i32
        %dma_start3A_157 = arith.constant 0 : i32
        %dma_start3A_158 = tpu.memref_slice %arg10[%dma_start3A_156, %dma_start3A_157] : memref<10240x16xf32, #tpu.memory_space<vmem_shared>> -> memref<10240x16xf32, #tpu.memory_space<vmem_shared>>
        tpu.enqueue_indirect_dma source(%arg9 : memref<128x16xf32, #tpu.memory_space<vmem>>) target(%dma_start3A_158 : memref<10240x16xf32, #tpu.memory_space<vmem_shared>>) offsets(%dma_start3A_155 : memref<128xi32, #tpu.memory_space<vmem>>) semaphore(%run_scoped3A : memref<!tpu.dma_semaphore, #tpu.memory_space<semaphore_mem>>) {add = true}
        %dma_wait3A = arith.constant 0 : i32
        %dma_wait3A_159 = tpu.memref_slice %arg7[%scan3A_57, %dma_wait3A] : memref<40x128xi32, #tpu.memory_space<vmem>> -> memref<1x128xi32, #tpu.memory_space<vmem>>
        %dma_wait3A_160 = tpu.memref_squeeze %dma_wait3A_159 : memref<1x128xi32, #tpu.memory_space<vmem>> -> memref<128xi32, #tpu.memory_space<vmem>>
        %dma_wait3A_161 = arith.constant 0 : i32
        %dma_wait3A_162 = arith.constant 0 : i32
        %dma_wait3A_163 = tpu.memref_slice %arg10[%dma_wait3A_161, %dma_wait3A_162] : memref<10240x16xf32, #tpu.memory_space<vmem_shared>> -> memref<10240x16xf32, #tpu.memory_space<vmem_shared>>
        tpu.wait_indirect_dma semaphore(%run_scoped3A : memref<!tpu.dma_semaphore, #tpu.memory_space<semaphore_mem>>) src(%arg9 : memref<128x16xf32, #tpu.memory_space<vmem>>) dst(%dma_wait3A_163 : memref<10240x16xf32, #tpu.memory_space<vmem_shared>>)
        tpu.yield
      }) : () -> ()
      %scan3A_153 = arith.constant 0 : i32
      scf.yield %scan3A_153 : i32
    }
    %scan3A_28 = arith.constant 40 : i32
    %barrier3A_29 = arith.constant 0 : index
    tpu.barrier barrier_id(%barrier3A_29)
    %scan3A_30 = arith.constant 0 : i32
    %scan3A_31 = arith.constant 0 : i32
    %scan3A_32 = arith.constant 128 : i32
    %scan3A_33 = arith.addi %scan3A_31, %scan3A_32 : i32
    %scan3A_34 = arith.constant 1 : i32
    %scan3A_35 = scf.for %scan3A_57 = %scan3A_31 to %scan3A_33 step %scan3A_34 iter_args(%scan3A_58 = %scan3A_30) -> (i32)  : i32 {
      %broadcast_in_dim3A_59 = arith.constant 0.000000e+00 : f32
      %broadcast_in_dim3A_60 = vector.broadcast %broadcast_in_dim3A_59 : f32 to vector<16xf32>
      %swap3A = arith.index_cast %scan3A_57 : i32 to index
      %swap3A_61 = arith.constant 0 : index
      %swap3A_62 = tpu.vector_load %arg9[%swap3A, %swap3A_61] {strides = array<i32>} : memref<128x16xf32, #tpu.memory_space<vmem>>, vector<16xf32>,
      tpu.vector_store %arg9[%swap3A, %swap3A_61], %broadcast_in_dim3A_60 {strides = array<i32>} : memref<128x16xf32, #tpu.memory_space<vmem>>, vector<16xf32>,
      %scan3A_63 = arith.constant 0 : i32
      scf.yield %scan3A_63 : i32
    }
    %scan3A_36 = arith.constant 128 : i32
    %add3A_37 = arith.constant 0 : i32
    %add3A_38 = arith.addi %mul3A_8, %add3A_37 : i32
    "tpu.region"() ({
      %run_scoped3A = tpu.sem_alloc : memref<!tpu.dma_semaphore, #tpu.memory_space<semaphore_mem>>
      %dma_start3A = arith.constant 0 : i32
      %dma_start3A_57 = tpu.memref_slice %arg10[%add3A_38, %dma_start3A] : memref<10240x16xf32, #tpu.memory_space<vmem_shared>> -> memref<128x16xf32, #tpu.memory_space<vmem_shared>>
      %dma_start3A_58 = arith.constant 0 : i32
      %dma_start3A_59 = tpu.memref_slice %arg10[%add3A_38, %dma_start3A_58] : memref<10240x16xf32, #tpu.memory_space<vmem_shared>> -> memref<128x16xf32, #tpu.memory_space<vmem_shared>>
      tpu.enqueue_dma source(%dma_start3A_59 : memref<128x16xf32, #tpu.memory_space<vmem_shared>>) target(%arg9 : memref<128x16xf32, #tpu.memory_space<vmem>>) target_semaphore(%run_scoped3A : memref<!tpu.dma_semaphore, #tpu.memory_space<semaphore_mem>>)
      %dma_wait3A = arith.constant 0 : i32
      %dma_wait3A_60 = tpu.memref_slice %arg10[%add3A_38, %dma_wait3A] : memref<10240x16xf32, #tpu.memory_space<vmem_shared>> -> memref<128x16xf32, #tpu.memory_space<vmem_shared>>
      %dma_wait3A_61 = arith.constant 0 : i32
      %dma_wait3A_62 = tpu.memref_slice %arg10[%add3A_38, %dma_wait3A_61] : memref<10240x16xf32, #tpu.memory_space<vmem_shared>> -> memref<128x16xf32, #tpu.memory_space<vmem_shared>>
      tpu.wait_dma2 semaphore(%run_scoped3A : memref<!tpu.dma_semaphore, #tpu.memory_space<semaphore_mem>>) src(%dma_wait3A_62 : memref<128x16xf32, #tpu.memory_space<vmem_shared>>) dst(%arg9 : memref<128x16xf32, #tpu.memory_space<vmem>>)
      tpu.yield
    }) : () -> ()
    %add3A_39 = arith.constant 0 : i32
    %add3A_40 = arith.addi %mul3A_8, %add3A_39 : i32
    "tpu.region"() ({
      %run_scoped3A = tpu.sem_alloc : memref<!tpu.dma_semaphore, #tpu.memory_space<semaphore_mem>>
      %dma_start3A = arith.constant 0 : i32
      %dma_start3A_57 = tpu.memref_slice %arg5[%arg0, %add3A_40, %dma_start3A] : memref<2x10240x16xf32, #tpu.memory_space<hbm>> -> memref<1x128x16xf32, #tpu.memory_space<hbm>>
      %dma_start3A_58 = tpu.memref_squeeze %dma_start3A_57 : memref<1x128x16xf32, #tpu.memory_space<hbm>> -> memref<128x16xf32, #tpu.memory_space<hbm>>
      %dma_start3A_59 = arith.constant 0 : i32
      %dma_start3A_60 = tpu.memref_slice %arg5[%arg0, %add3A_40, %dma_start3A_59] : memref<2x10240x16xf32, #tpu.memory_space<hbm>> -> memref<1x128x16xf32, #tpu.memory_space<hbm>>
      %dma_start3A_61 = tpu.memref_squeeze %dma_start3A_60 : memref<1x128x16xf32, #tpu.memory_space<hbm>> -> memref<128x16xf32, #tpu.memory_space<hbm>>
      tpu.enqueue_dma source(%arg9 : memref<128x16xf32, #tpu.memory_space<vmem>>) target(%dma_start3A_61 : memref<128x16xf32, #tpu.memory_space<hbm>>) target_semaphore(%run_scoped3A : memref<!tpu.dma_semaphore, #tpu.memory_space<semaphore_mem>>)
      %dma_wait3A = arith.constant 0 : i32
      %dma_wait3A_62 = tpu.memref_slice %arg5[%arg0, %add3A_40, %dma_wait3A] : memref<2x10240x16xf32, #tpu.memory_space<hbm>> -> memref<1x128x16xf32, #tpu.memory_space<hbm>>
      %dma_wait3A_63 = tpu.memref_squeeze %dma_wait3A_62 : memref<1x128x16xf32, #tpu.memory_space<hbm>> -> memref<128x16xf32, #tpu.memory_space<hbm>>
      %dma_wait3A_64 = arith.constant 0 : i32
      %dma_wait3A_65 = tpu.memref_slice %arg5[%arg0, %add3A_40, %dma_wait3A_64] : memref<2x10240x16xf32, #tpu.memory_space<hbm>> -> memref<1x128x16xf32, #tpu.memory_space<hbm>>
      %dma_wait3A_66 = tpu.memref_squeeze %dma_wait3A_65 : memref<1x128x16xf32, #tpu.memory_space<hbm>> -> memref<128x16xf32, #tpu.memory_space<hbm>>
      tpu.wait_dma2 semaphore(%run_scoped3A : memref<!tpu.dma_semaphore, #tpu.memory_space<semaphore_mem>>) src(%arg9 : memref<128x16xf32, #tpu.memory_space<vmem>>) dst(%dma_wait3A_66 : memref<128x16xf32, #tpu.memory_space<hbm>>)
      tpu.yield
    }) : () -> ()
    %add3A_41 = arith.constant 128 : i32
    %add3A_42 = arith.addi %mul3A_8, %add3A_41 : i32
    "tpu.region"() ({
      %run_scoped3A = tpu.sem_alloc : memref<!tpu.dma_semaphore, #tpu.memory_space<semaphore_mem>>
      %dma_start3A = arith.constant 0 : i32
      %dma_start3A_57 = tpu.memref_slice %arg10[%add3A_42, %dma_start3A] : memref<10240x16xf32, #tpu.memory_space<vmem_shared>> -> memref<128x16xf32, #tpu.memory_space<vmem_shared>>
      %dma_start3A_58 = arith.constant 0 : i32
      %dma_start3A_59 = tpu.memref_slice %arg10[%add3A_42, %dma_start3A_58] : memref<10240x16xf32, #tpu.memory_space<vmem_shared>> -> memref<128x16xf32, #tpu.memory_space<vmem_shared>>
      tpu.enqueue_dma source(%dma_start3A_59 : memref<128x16xf32, #tpu.memory_space<vmem_shared>>) target(%arg9 : memref<128x16xf32, #tpu.memory_space<vmem>>) target_semaphore(%run_scoped3A : memref<!tpu.dma_semaphore, #tpu.memory_space<semaphore_mem>>)
      %dma_wait3A = arith.constant 0 : i32
      %dma_wait3A_60 = tpu.memref_slice %arg10[%add3A_42, %dma_wait3A] : memref<10240x16xf32, #tpu.memory_space<vmem_shared>> -> memref<128x16xf32, #tpu.memory_space<vmem_shared>>
      %dma_wait3A_61 = arith.constant 0 : i32
      %dma_wait3A_62 = tpu.memref_slice %arg10[%add3A_42, %dma_wait3A_61] : memref<10240x16xf32, #tpu.memory_space<vmem_shared>> -> memref<128x16xf32, #tpu.memory_space<vmem_shared>>
      tpu.wait_dma2 semaphore(%run_scoped3A : memref<!tpu.dma_semaphore, #tpu.memory_space<semaphore_mem>>) src(%dma_wait3A_62 : memref<128x16xf32, #tpu.memory_space<vmem_shared>>) dst(%arg9 : memref<128x16xf32, #tpu.memory_space<vmem>>)
      tpu.yield
    }) : () -> ()
    %add3A_43 = arith.constant 128 : i32
    %add3A_44 = arith.addi %mul3A_8, %add3A_43 : i32
    "tpu.region"() ({
      %run_scoped3A = tpu.sem_alloc : memref<!tpu.dma_semaphore, #tpu.memory_space<semaphore_mem>>
      %dma_start3A = arith.constant 0 : i32
      %dma_start3A_57 = tpu.memref_slice %arg5[%arg0, %add3A_44, %dma_start3A] : memref<2x10240x16xf32, #tpu.memory_space<hbm>> -> memref<1x128x16xf32, #tpu.memory_space<hbm>>
      %dma_start3A_58 = tpu.memref_squeeze %dma_start3A_57 : memref<1x128x16xf32, #tpu.memory_space<hbm>> -> memref<128x16xf32, #tpu.memory_space<hbm>>
      %dma_start3A_59 = arith.constant 0 : i32
      %dma_start3A_60 = tpu.memref_slice %arg5[%arg0, %add3A_44, %dma_start3A_59] : memref<2x10240x16xf32, #tpu.memory_space<hbm>> -> memref<1x128x16xf32, #tpu.memory_space<hbm>>
      %dma_start3A_61 = tpu.memref_squeeze %dma_start3A_60 : memref<1x128x16xf32, #tpu.memory_space<hbm>> -> memref<128x16xf32, #tpu.memory_space<hbm>>
      tpu.enqueue_dma source(%arg9 : memref<128x16xf32, #tpu.memory_space<vmem>>) target(%dma_start3A_61 : memref<128x16xf32, #tpu.memory_space<hbm>>) target_semaphore(%run_scoped3A : memref<!tpu.dma_semaphore, #tpu.memory_space<semaphore_mem>>)
      %dma_wait3A = arith.constant 0 : i32
      %dma_wait3A_62 = tpu.memref_slice %arg5[%arg0, %add3A_44, %dma_wait3A] : memref<2x10240x16xf32, #tpu.memory_space<hbm>> -> memref<1x128x16xf32, #tpu.memory_space<hbm>>
      %dma_wait3A_63 = tpu.memref_squeeze %dma_wait3A_62 : memref<1x128x16xf32, #tpu.memory_space<hbm>> -> memref<128x16xf32, #tpu.memory_space<hbm>>
      %dma_wait3A_64 = arith.constant 0 : i32
      %dma_wait3A_65 = tpu.memref_slice %arg5[%arg0, %add3A_44, %dma_wait3A_64] : memref<2x10240x16xf32, #tpu.memory_space<hbm>> -> memref<1x128x16xf32, #tpu.memory_space<hbm>>
      %dma_wait3A_66 = tpu.memref_squeeze %dma_wait3A_65 : memref<1x128x16xf32, #tpu.memory_space<hbm>> -> memref<128x16xf32, #tpu.memory_space<hbm>>
      tpu.wait_dma2 semaphore(%run_scoped3A : memref<!tpu.dma_semaphore, #tpu.memory_space<semaphore_mem>>) src(%arg9 : memref<128x16xf32, #tpu.memory_space<vmem>>) dst(%dma_wait3A_66 : memref<128x16xf32, #tpu.memory_space<hbm>>)
      tpu.yield
    }) : () -> ()
    %add3A_45 = arith.constant 256 : i32
    %add3A_46 = arith.addi %mul3A_8, %add3A_45 : i32
    "tpu.region"() ({
      %run_scoped3A = tpu.sem_alloc : memref<!tpu.dma_semaphore, #tpu.memory_space<semaphore_mem>>
      %dma_start3A = arith.constant 0 : i32
      %dma_start3A_57 = tpu.memref_slice %arg10[%add3A_46, %dma_start3A] : memref<10240x16xf32, #tpu.memory_space<vmem_shared>> -> memref<128x16xf32, #tpu.memory_space<vmem_shared>>
      %dma_start3A_58 = arith.constant 0 : i32
      %dma_start3A_59 = tpu.memref_slice %arg10[%add3A_46, %dma_start3A_58] : memref<10240x16xf32, #tpu.memory_space<vmem_shared>> -> memref<128x16xf32, #tpu.memory_space<vmem_shared>>
      tpu.enqueue_dma source(%dma_start3A_59 : memref<128x16xf32, #tpu.memory_space<vmem_shared>>) target(%arg9 : memref<128x16xf32, #tpu.memory_space<vmem>>) target_semaphore(%run_scoped3A : memref<!tpu.dma_semaphore, #tpu.memory_space<semaphore_mem>>)
      %dma_wait3A = arith.constant 0 : i32
      %dma_wait3A_60 = tpu.memref_slice %arg10[%add3A_46, %dma_wait3A] : memref<10240x16xf32, #tpu.memory_space<vmem_shared>> -> memref<128x16xf32, #tpu.memory_space<vmem_shared>>
      %dma_wait3A_61 = arith.constant 0 : i32
      %dma_wait3A_62 = tpu.memref_slice %arg10[%add3A_46, %dma_wait3A_61] : memref<10240x16xf32, #tpu.memory_space<vmem_shared>> -> memref<128x16xf32, #tpu.memory_space<vmem_shared>>
      tpu.wait_dma2 semaphore(%run_scoped3A : memref<!tpu.dma_semaphore, #tpu.memory_space<semaphore_mem>>) src(%dma_wait3A_62 : memref<128x16xf32, #tpu.memory_space<vmem_shared>>) dst(%arg9 : memref<128x16xf32, #tpu.memory_space<vmem>>)
      tpu.yield
    }) : () -> ()
    %add3A_47 = arith.constant 256 : i32
    %add3A_48 = arith.addi %mul3A_8, %add3A_47 : i32
    "tpu.region"() ({
      %run_scoped3A = tpu.sem_alloc : memref<!tpu.dma_semaphore, #tpu.memory_space<semaphore_mem>>
      %dma_start3A = arith.constant 0 : i32
      %dma_start3A_57 = tpu.memref_slice %arg5[%arg0, %add3A_48, %dma_start3A] : memref<2x10240x16xf32, #tpu.memory_space<hbm>> -> memref<1x128x16xf32, #tpu.memory_space<hbm>>
      %dma_start3A_58 = tpu.memref_squeeze %dma_start3A_57 : memref<1x128x16xf32, #tpu.memory_space<hbm>> -> memref<128x16xf32, #tpu.memory_space<hbm>>
      %dma_start3A_59 = arith.constant 0 : i32
      %dma_start3A_60 = tpu.memref_slice %arg5[%arg0, %add3A_48, %dma_start3A_59] : memref<2x10240x16xf32, #tpu.memory_space<hbm>> -> memref<1x128x16xf32, #tpu.memory_space<hbm>>
      %dma_start3A_61 = tpu.memref_squeeze %dma_start3A_60 : memref<1x128x16xf32, #tpu.memory_space<hbm>> -> memref<128x16xf32, #tpu.memory_space<hbm>>
      tpu.enqueue_dma source(%arg9 : memref<128x16xf32, #tpu.memory_space<vmem>>) target(%dma_start3A_61 : memref<128x16xf32, #tpu.memory_space<hbm>>) target_semaphore(%run_scoped3A : memref<!tpu.dma_semaphore, #tpu.memory_space<semaphore_mem>>)
      %dma_wait3A = arith.constant 0 : i32
      %dma_wait3A_62 = tpu.memref_slice %arg5[%arg0, %add3A_48, %dma_wait3A] : memref<2x10240x16xf32, #tpu.memory_space<hbm>> -> memref<1x128x16xf32, #tpu.memory_space<hbm>>
      %dma_wait3A_63 = tpu.memref_squeeze %dma_wait3A_62 : memref<1x128x16xf32, #tpu.memory_space<hbm>> -> memref<128x16xf32, #tpu.memory_space<hbm>>
      %dma_wait3A_64 = arith.constant 0 : i32
      %dma_wait3A_65 = tpu.memref_slice %arg5[%arg0, %add3A_48, %dma_wait3A_64] : memref<2x10240x16xf32, #tpu.memory_space<hbm>> -> memref<1x128x16xf32, #tpu.memory_space<hbm>>
      %dma_wait3A_66 = tpu.memref_squeeze %dma_wait3A_65 : memref<1x128x16xf32, #tpu.memory_space<hbm>> -> memref<128x16xf32, #tpu.memory_space<hbm>>
      tpu.wait_dma2 semaphore(%run_scoped3A : memref<!tpu.dma_semaphore, #tpu.memory_space<semaphore_mem>>) src(%arg9 : memref<128x16xf32, #tpu.memory_space<vmem>>) dst(%dma_wait3A_66 : memref<128x16xf32, #tpu.memory_space<hbm>>)
      tpu.yield
    }) : () -> ()
    %add3A_49 = arith.constant 384 : i32
    %add3A_50 = arith.addi %mul3A_8, %add3A_49 : i32
    "tpu.region"() ({
      %run_scoped3A = tpu.sem_alloc : memref<!tpu.dma_semaphore, #tpu.memory_space<semaphore_mem>>
      %dma_start3A = arith.constant 0 : i32
      %dma_start3A_57 = tpu.memref_slice %arg10[%add3A_50, %dma_start3A] : memref<10240x16xf32, #tpu.memory_space<vmem_shared>> -> memref<128x16xf32, #tpu.memory_space<vmem_shared>>
      %dma_start3A_58 = arith.constant 0 : i32
      %dma_start3A_59 = tpu.memref_slice %arg10[%add3A_50, %dma_start3A_58] : memref<10240x16xf32, #tpu.memory_space<vmem_shared>> -> memref<128x16xf32, #tpu.memory_space<vmem_shared>>
      tpu.enqueue_dma source(%dma_start3A_59 : memref<128x16xf32, #tpu.memory_space<vmem_shared>>) target(%arg9 : memref<128x16xf32, #tpu.memory_space<vmem>>) target_semaphore(%run_scoped3A : memref<!tpu.dma_semaphore, #tpu.memory_space<semaphore_mem>>)
      %dma_wait3A = arith.constant 0 : i32
      %dma_wait3A_60 = tpu.memref_slice %arg10[%add3A_50, %dma_wait3A] : memref<10240x16xf32, #tpu.memory_space<vmem_shared>> -> memref<128x16xf32, #tpu.memory_space<vmem_shared>>
      %dma_wait3A_61 = arith.constant 0 : i32
      %dma_wait3A_62 = tpu.memref_slice %arg10[%add3A_50, %dma_wait3A_61] : memref<10240x16xf32, #tpu.memory_space<vmem_shared>> -> memref<128x16xf32, #tpu.memory_space<vmem_shared>>
      tpu.wait_dma2 semaphore(%run_scoped3A : memref<!tpu.dma_semaphore, #tpu.memory_space<semaphore_mem>>) src(%dma_wait3A_62 : memref<128x16xf32, #tpu.memory_space<vmem_shared>>) dst(%arg9 : memref<128x16xf32, #tpu.memory_space<vmem>>)
      tpu.yield
    }) : () -> ()
    %add3A_51 = arith.constant 384 : i32
    %add3A_52 = arith.addi %mul3A_8, %add3A_51 : i32
    "tpu.region"() ({
      %run_scoped3A = tpu.sem_alloc : memref<!tpu.dma_semaphore, #tpu.memory_space<semaphore_mem>>
      %dma_start3A = arith.constant 0 : i32
      %dma_start3A_57 = tpu.memref_slice %arg5[%arg0, %add3A_52, %dma_start3A] : memref<2x10240x16xf32, #tpu.memory_space<hbm>> -> memref<1x128x16xf32, #tpu.memory_space<hbm>>
      %dma_start3A_58 = tpu.memref_squeeze %dma_start3A_57 : memref<1x128x16xf32, #tpu.memory_space<hbm>> -> memref<128x16xf32, #tpu.memory_space<hbm>>
      %dma_start3A_59 = arith.constant 0 : i32
      %dma_start3A_60 = tpu.memref_slice %arg5[%arg0, %add3A_52, %dma_start3A_59] : memref<2x10240x16xf32, #tpu.memory_space<hbm>> -> memref<1x128x16xf32, #tpu.memory_space<hbm>>
      %dma_start3A_61 = tpu.memref_squeeze %dma_start3A_60 : memref<1x128x16xf32, #tpu.memory_space<hbm>> -> memref<128x16xf32, #tpu.memory_space<hbm>>
      tpu.enqueue_dma source(%arg9 : memref<128x16xf32, #tpu.memory_space<vmem>>) target(%dma_start3A_61 : memref<128x16xf32, #tpu.memory_space<hbm>>) target_semaphore(%run_scoped3A : memref<!tpu.dma_semaphore, #tpu.memory_space<semaphore_mem>>)
      %dma_wait3A = arith.constant 0 : i32
      %dma_wait3A_62 = tpu.memref_slice %arg5[%arg0, %add3A_52, %dma_wait3A] : memref<2x10240x16xf32, #tpu.memory_space<hbm>> -> memref<1x128x16xf32, #tpu.memory_space<hbm>>
      %dma_wait3A_63 = tpu.memref_squeeze %dma_wait3A_62 : memref<1x128x16xf32, #tpu.memory_space<hbm>> -> memref<128x16xf32, #tpu.memory_space<hbm>>
      %dma_wait3A_64 = arith.constant 0 : i32
      %dma_wait3A_65 = tpu.memref_slice %arg5[%arg0, %add3A_52, %dma_wait3A_64] : memref<2x10240x16xf32, #tpu.memory_space<hbm>> -> memref<1x128x16xf32, #tpu.memory_space<hbm>>
      %dma_wait3A_66 = tpu.memref_squeeze %dma_wait3A_65 : memref<1x128x16xf32, #tpu.memory_space<hbm>> -> memref<128x16xf32, #tpu.memory_space<hbm>>
      tpu.wait_dma2 semaphore(%run_scoped3A : memref<!tpu.dma_semaphore, #tpu.memory_space<semaphore_mem>>) src(%arg9 : memref<128x16xf32, #tpu.memory_space<vmem>>) dst(%dma_wait3A_66 : memref<128x16xf32, #tpu.memory_space<hbm>>)
      tpu.yield
    }) : () -> ()
    %add3A_53 = arith.constant 512 : i32
    %add3A_54 = arith.addi %mul3A_8, %add3A_53 : i32
    "tpu.region"() ({
      %run_scoped3A = tpu.sem_alloc : memref<!tpu.dma_semaphore, #tpu.memory_space<semaphore_mem>>
      %dma_start3A = arith.constant 0 : i32
      %dma_start3A_57 = tpu.memref_slice %arg10[%add3A_54, %dma_start3A] : memref<10240x16xf32, #tpu.memory_space<vmem_shared>> -> memref<128x16xf32, #tpu.memory_space<vmem_shared>>
      %dma_start3A_58 = arith.constant 0 : i32
      %dma_start3A_59 = tpu.memref_slice %arg10[%add3A_54, %dma_start3A_58] : memref<10240x16xf32, #tpu.memory_space<vmem_shared>> -> memref<128x16xf32, #tpu.memory_space<vmem_shared>>
      tpu.enqueue_dma source(%dma_start3A_59 : memref<128x16xf32, #tpu.memory_space<vmem_shared>>) target(%arg9 : memref<128x16xf32, #tpu.memory_space<vmem>>) target_semaphore(%run_scoped3A : memref<!tpu.dma_semaphore, #tpu.memory_space<semaphore_mem>>)
      %dma_wait3A = arith.constant 0 : i32
      %dma_wait3A_60 = tpu.memref_slice %arg10[%add3A_54, %dma_wait3A] : memref<10240x16xf32, #tpu.memory_space<vmem_shared>> -> memref<128x16xf32, #tpu.memory_space<vmem_shared>>
      %dma_wait3A_61 = arith.constant 0 : i32
      %dma_wait3A_62 = tpu.memref_slice %arg10[%add3A_54, %dma_wait3A_61] : memref<10240x16xf32, #tpu.memory_space<vmem_shared>> -> memref<128x16xf32, #tpu.memory_space<vmem_shared>>
      tpu.wait_dma2 semaphore(%run_scoped3A : memref<!tpu.dma_semaphore, #tpu.memory_space<semaphore_mem>>) src(%dma_wait3A_62 : memref<128x16xf32, #tpu.memory_space<vmem_shared>>) dst(%arg9 : memref<128x16xf32, #tpu.memory_space<vmem>>)
      tpu.yield
    }) : () -> ()
    %add3A_55 = arith.constant 512 : i32
    %add3A_56 = arith.addi %mul3A_8, %add3A_55 : i32
    "tpu.region"() ({
      %run_scoped3A = tpu.sem_alloc : memref<!tpu.dma_semaphore, #tpu.memory_space<semaphore_mem>>
      %dma_start3A = arith.constant 0 : i32
      %dma_start3A_57 = tpu.memref_slice %arg5[%arg0, %add3A_56, %dma_start3A] : memref<2x10240x16xf32, #tpu.memory_space<hbm>> -> memref<1x128x16xf32, #tpu.memory_space<hbm>>
      %dma_start3A_58 = tpu.memref_squeeze %dma_start3A_57 : memref<1x128x16xf32, #tpu.memory_space<hbm>> -> memref<128x16xf32, #tpu.memory_space<hbm>>
      %dma_start3A_59 = arith.constant 0 : i32
      %dma_start3A_60 = tpu.memref_slice %arg5[%arg0, %add3A_56, %dma_start3A_59] : memref<2x10240x16xf32, #tpu.memory_space<hbm>> -> memref<1x128x16xf32, #tpu.memory_space<hbm>>
      %dma_start3A_61 = tpu.memref_squeeze %dma_start3A_60 : memref<1x128x16xf32, #tpu.memory_space<hbm>> -> memref<128x16xf32, #tpu.memory_space<hbm>>
      tpu.enqueue_dma source(%arg9 : memref<128x16xf32, #tpu.memory_space<vmem>>) target(%dma_start3A_61 : memref<128x16xf32, #tpu.memory_space<hbm>>) target_semaphore(%run_scoped3A : memref<!tpu.dma_semaphore, #tpu.memory_space<semaphore_mem>>)
      %dma_wait3A = arith.constant 0 : i32
      %dma_wait3A_62 = tpu.memref_slice %arg5[%arg0, %add3A_56, %dma_wait3A] : memref<2x10240x16xf32, #tpu.memory_space<hbm>> -> memref<1x128x16xf32, #tpu.memory_space<hbm>>
      %dma_wait3A_63 = tpu.memref_squeeze %dma_wait3A_62 : memref<1x128x16xf32, #tpu.memory_space<hbm>> -> memref<128x16xf32, #tpu.memory_space<hbm>>
      %dma_wait3A_64 = arith.constant 0 : i32
      %dma_wait3A_65 = tpu.memref_slice %arg5[%arg0, %add3A_56, %dma_wait3A_64] : memref<2x10240x16xf32, #tpu.memory_space<hbm>> -> memref<1x128x16xf32, #tpu.memory_space<hbm>>
      %dma_wait3A_66 = tpu.memref_squeeze %dma_wait3A_65 : memref<1x128x16xf32, #tpu.memory_space<hbm>> -> memref<128x16xf32, #tpu.memory_space<hbm>>
      tpu.wait_dma2 semaphore(%run_scoped3A : memref<!tpu.dma_semaphore, #tpu.memory_space<semaphore_mem>>) src(%arg9 : memref<128x16xf32, #tpu.memory_space<vmem>>) dst(%dma_wait3A_66 : memref<128x16xf32, #tpu.memory_space<hbm>>)
      tpu.yield
    }) : () -> ()
    return
  }
}

#map = affine_map<(d0, d1) -> (0, 0, 0)>
module attributes {stable_mosaic.version = 14 : i64} {
  func.func @_sc_degree(%arg0: i32, %arg1: i32, %arg2: memref<32x40x128xi32, #tpu.memory_space<hbm>>, %arg3: memref<2x10240x16xf32, #tpu.memory_space<hbm>>, %arg4: memref<40x128xi32, #tpu.memory_space<vmem>>, %arg5: memref<128x16xf32, #tpu.memory_space<vmem>>, %arg6: memref<10240x16xf32, #tpu.memory_space<vmem_shared>>) attributes {dimension_semantics = [#tpu.dimension_semantics<core_parallel>, #tpu.dimension_semantics<subcore_parallel>], iteration_bounds = array<i64: 2, 16>, scalar_prefetch = 0 : i64, scratch_operands = 3 : i64, tpu.core_type = #tpu.core_type<sc_vector_subcore>, window_params = [{transform_indices = #map}, {transform_indices = #map}]} {
    %mul3A = arith.constant 2 : i32
    %mul3A_0 = arith.muli %arg1, %mul3A : i32
    %add3A = arith.addi %mul3A_0, %arg0 : i32
    "tpu.region"() ({
      %run_scoped3A = tpu.sem_alloc : memref<!tpu.dma_semaphore, #tpu.memory_space<semaphore_mem>>
      %dma_start3A = arith.constant 0 : i32
      %dma_start3A_61 = arith.constant 0 : i32
      %dma_start3A_62 = tpu.memref_slice %arg2[%add3A, %dma_start3A, %dma_start3A_61] : memref<32x40x128xi32, #tpu.memory_space<hbm>> -> memref<1x40x128xi32, #tpu.memory_space<hbm>>
      %dma_start3A_63 = tpu.memref_squeeze %dma_start3A_62 : memref<1x40x128xi32, #tpu.memory_space<hbm>> -> memref<40x128xi32, #tpu.memory_space<hbm>>
      %dma_start3A_64 = arith.constant 0 : i32
      %dma_start3A_65 = arith.constant 0 : i32
      %dma_start3A_66 = tpu.memref_slice %arg2[%add3A, %dma_start3A_64, %dma_start3A_65] : memref<32x40x128xi32, #tpu.memory_space<hbm>> -> memref<1x40x128xi32, #tpu.memory_space<hbm>>
      %dma_start3A_67 = tpu.memref_squeeze %dma_start3A_66 : memref<1x40x128xi32, #tpu.memory_space<hbm>> -> memref<40x128xi32, #tpu.memory_space<hbm>>
      tpu.enqueue_dma source(%dma_start3A_67 : memref<40x128xi32, #tpu.memory_space<hbm>>) target(%arg4 : memref<40x128xi32, #tpu.memory_space<vmem>>) target_semaphore(%run_scoped3A : memref<!tpu.dma_semaphore, #tpu.memory_space<semaphore_mem>>)
      %dma_wait3A = arith.constant 0 : i32
      %dma_wait3A_68 = arith.constant 0 : i32
      %dma_wait3A_69 = tpu.memref_slice %arg2[%add3A, %dma_wait3A, %dma_wait3A_68] : memref<32x40x128xi32, #tpu.memory_space<hbm>> -> memref<1x40x128xi32, #tpu.memory_space<hbm>>
      %dma_wait3A_70 = tpu.memref_squeeze %dma_wait3A_69 : memref<1x40x128xi32, #tpu.memory_space<hbm>> -> memref<40x128xi32, #tpu.memory_space<hbm>>
      %dma_wait3A_71 = arith.constant 0 : i32
      %dma_wait3A_72 = arith.constant 0 : i32
      %dma_wait3A_73 = tpu.memref_slice %arg2[%add3A, %dma_wait3A_71, %dma_wait3A_72] : memref<32x40x128xi32, #tpu.memory_space<hbm>> -> memref<1x40x128xi32, #tpu.memory_space<hbm>>
      %dma_wait3A_74 = tpu.memref_squeeze %dma_wait3A_73 : memref<1x40x128xi32, #tpu.memory_space<hbm>> -> memref<40x128xi32, #tpu.memory_space<hbm>>
      tpu.wait_dma2 semaphore(%run_scoped3A : memref<!tpu.dma_semaphore, #tpu.memory_space<semaphore_mem>>) src(%dma_wait3A_74 : memref<40x128xi32, #tpu.memory_space<hbm>>) dst(%arg4 : memref<40x128xi32, #tpu.memory_space<vmem>>)
      tpu.yield
    }) : () -> ()
    %scan3A = arith.constant 0 : i32
    %scan3A_1 = arith.constant 0 : i32
    %scan3A_2 = arith.constant 128 : i32
    %scan3A_3 = arith.addi %scan3A_1, %scan3A_2 : i32
    %scan3A_4 = arith.constant 1 : i32
    %scan3A_5 = scf.for %scan3A_61 = %scan3A_1 to %scan3A_3 step %scan3A_4 iter_args(%scan3A_62 = %scan3A) -> (i32)  : i32 {
      %broadcast_in_dim3A = arith.constant 0.000000e+00 : f32
      %broadcast_in_dim3A_63 = vector.broadcast %broadcast_in_dim3A : f32 to vector<16xf32>
      %swap3A = arith.index_cast %scan3A_61 : i32 to index
      %swap3A_64 = arith.constant 0 : index
      %swap3A_65 = tpu.vector_load %arg5[%swap3A, %swap3A_64] {strides = array<i32>} : memref<128x16xf32, #tpu.memory_space<vmem>>, vector<16xf32>,
      tpu.vector_store %arg5[%swap3A, %swap3A_64], %broadcast_in_dim3A_63 {strides = array<i32>} : memref<128x16xf32, #tpu.memory_space<vmem>>, vector<16xf32>,
      %scan3A_66 = arith.constant 0 : i32
      scf.yield %scan3A_66 : i32
    }
    %scan3A_6 = arith.constant 128 : i32
    %mul3A_7 = arith.constant 640 : i32
    %mul3A_8 = arith.muli %arg1, %mul3A_7 : i32
    %add3A_9 = arith.constant 0 : i32
    %add3A_10 = arith.addi %mul3A_8, %add3A_9 : i32
    "tpu.region"() ({
      %run_scoped3A = tpu.sem_alloc : memref<!tpu.dma_semaphore, #tpu.memory_space<semaphore_mem>>
      %dma_start3A = arith.constant 0 : i32
      %dma_start3A_61 = tpu.memref_slice %arg6[%add3A_10, %dma_start3A] : memref<10240x16xf32, #tpu.memory_space<vmem_shared>> -> memref<128x16xf32, #tpu.memory_space<vmem_shared>>
      %dma_start3A_62 = arith.constant 0 : i32
      %dma_start3A_63 = tpu.memref_slice %arg6[%add3A_10, %dma_start3A_62] : memref<10240x16xf32, #tpu.memory_space<vmem_shared>> -> memref<128x16xf32, #tpu.memory_space<vmem_shared>>
      tpu.enqueue_dma source(%arg5 : memref<128x16xf32, #tpu.memory_space<vmem>>) target(%dma_start3A_63 : memref<128x16xf32, #tpu.memory_space<vmem_shared>>) target_semaphore(%run_scoped3A : memref<!tpu.dma_semaphore, #tpu.memory_space<semaphore_mem>>)
      %dma_wait3A = arith.constant 0 : i32
      %dma_wait3A_64 = tpu.memref_slice %arg6[%add3A_10, %dma_wait3A] : memref<10240x16xf32, #tpu.memory_space<vmem_shared>> -> memref<128x16xf32, #tpu.memory_space<vmem_shared>>
      %dma_wait3A_65 = arith.constant 0 : i32
      %dma_wait3A_66 = tpu.memref_slice %arg6[%add3A_10, %dma_wait3A_65] : memref<10240x16xf32, #tpu.memory_space<vmem_shared>> -> memref<128x16xf32, #tpu.memory_space<vmem_shared>>
      tpu.wait_dma2 semaphore(%run_scoped3A : memref<!tpu.dma_semaphore, #tpu.memory_space<semaphore_mem>>) src(%arg5 : memref<128x16xf32, #tpu.memory_space<vmem>>) dst(%dma_wait3A_66 : memref<128x16xf32, #tpu.memory_space<vmem_shared>>)
      tpu.yield
    }) : () -> ()
    %add3A_11 = arith.constant 128 : i32
    %add3A_12 = arith.addi %mul3A_8, %add3A_11 : i32
    "tpu.region"() ({
      %run_scoped3A = tpu.sem_alloc : memref<!tpu.dma_semaphore, #tpu.memory_space<semaphore_mem>>
      %dma_start3A = arith.constant 0 : i32
      %dma_start3A_61 = tpu.memref_slice %arg6[%add3A_12, %dma_start3A] : memref<10240x16xf32, #tpu.memory_space<vmem_shared>> -> memref<128x16xf32, #tpu.memory_space<vmem_shared>>
      %dma_start3A_62 = arith.constant 0 : i32
      %dma_start3A_63 = tpu.memref_slice %arg6[%add3A_12, %dma_start3A_62] : memref<10240x16xf32, #tpu.memory_space<vmem_shared>> -> memref<128x16xf32, #tpu.memory_space<vmem_shared>>
      tpu.enqueue_dma source(%arg5 : memref<128x16xf32, #tpu.memory_space<vmem>>) target(%dma_start3A_63 : memref<128x16xf32, #tpu.memory_space<vmem_shared>>) target_semaphore(%run_scoped3A : memref<!tpu.dma_semaphore, #tpu.memory_space<semaphore_mem>>)
      %dma_wait3A = arith.constant 0 : i32
      %dma_wait3A_64 = tpu.memref_slice %arg6[%add3A_12, %dma_wait3A] : memref<10240x16xf32, #tpu.memory_space<vmem_shared>> -> memref<128x16xf32, #tpu.memory_space<vmem_shared>>
      %dma_wait3A_65 = arith.constant 0 : i32
      %dma_wait3A_66 = tpu.memref_slice %arg6[%add3A_12, %dma_wait3A_65] : memref<10240x16xf32, #tpu.memory_space<vmem_shared>> -> memref<128x16xf32, #tpu.memory_space<vmem_shared>>
      tpu.wait_dma2 semaphore(%run_scoped3A : memref<!tpu.dma_semaphore, #tpu.memory_space<semaphore_mem>>) src(%arg5 : memref<128x16xf32, #tpu.memory_space<vmem>>) dst(%dma_wait3A_66 : memref<128x16xf32, #tpu.memory_space<vmem_shared>>)
      tpu.yield
    }) : () -> ()
    %add3A_13 = arith.constant 256 : i32
    %add3A_14 = arith.addi %mul3A_8, %add3A_13 : i32
    "tpu.region"() ({
      %run_scoped3A = tpu.sem_alloc : memref<!tpu.dma_semaphore, #tpu.memory_space<semaphore_mem>>
      %dma_start3A = arith.constant 0 : i32
      %dma_start3A_61 = tpu.memref_slice %arg6[%add3A_14, %dma_start3A] : memref<10240x16xf32, #tpu.memory_space<vmem_shared>> -> memref<128x16xf32, #tpu.memory_space<vmem_shared>>
      %dma_start3A_62 = arith.constant 0 : i32
      %dma_start3A_63 = tpu.memref_slice %arg6[%add3A_14, %dma_start3A_62] : memref<10240x16xf32, #tpu.memory_space<vmem_shared>> -> memref<128x16xf32, #tpu.memory_space<vmem_shared>>
      tpu.enqueue_dma source(%arg5 : memref<128x16xf32, #tpu.memory_space<vmem>>) target(%dma_start3A_63 : memref<128x16xf32, #tpu.memory_space<vmem_shared>>) target_semaphore(%run_scoped3A : memref<!tpu.dma_semaphore, #tpu.memory_space<semaphore_mem>>)
      %dma_wait3A = arith.constant 0 : i32
      %dma_wait3A_64 = tpu.memref_slice %arg6[%add3A_14, %dma_wait3A] : memref<10240x16xf32, #tpu.memory_space<vmem_shared>> -> memref<128x16xf32, #tpu.memory_space<vmem_shared>>
      %dma_wait3A_65 = arith.constant 0 : i32
      %dma_wait3A_66 = tpu.memref_slice %arg6[%add3A_14, %dma_wait3A_65] : memref<10240x16xf32, #tpu.memory_space<vmem_shared>> -> memref<128x16xf32, #tpu.memory_space<vmem_shared>>
      tpu.wait_dma2 semaphore(%run_scoped3A : memref<!tpu.dma_semaphore, #tpu.memory_space<semaphore_mem>>) src(%arg5 : memref<128x16xf32, #tpu.memory_space<vmem>>) dst(%dma_wait3A_66 : memref<128x16xf32, #tpu.memory_space<vmem_shared>>)
      tpu.yield
    }) : () -> ()
    %add3A_15 = arith.constant 384 : i32
    %add3A_16 = arith.addi %mul3A_8, %add3A_15 : i32
    "tpu.region"() ({
      %run_scoped3A = tpu.sem_alloc : memref<!tpu.dma_semaphore, #tpu.memory_space<semaphore_mem>>
      %dma_start3A = arith.constant 0 : i32
      %dma_start3A_61 = tpu.memref_slice %arg6[%add3A_16, %dma_start3A] : memref<10240x16xf32, #tpu.memory_space<vmem_shared>> -> memref<128x16xf32, #tpu.memory_space<vmem_shared>>
      %dma_start3A_62 = arith.constant 0 : i32
      %dma_start3A_63 = tpu.memref_slice %arg6[%add3A_16, %dma_start3A_62] : memref<10240x16xf32, #tpu.memory_space<vmem_shared>> -> memref<128x16xf32, #tpu.memory_space<vmem_shared>>
      tpu.enqueue_dma source(%arg5 : memref<128x16xf32, #tpu.memory_space<vmem>>) target(%dma_start3A_63 : memref<128x16xf32, #tpu.memory_space<vmem_shared>>) target_semaphore(%run_scoped3A : memref<!tpu.dma_semaphore, #tpu.memory_space<semaphore_mem>>)
      %dma_wait3A = arith.constant 0 : i32
      %dma_wait3A_64 = tpu.memref_slice %arg6[%add3A_16, %dma_wait3A] : memref<10240x16xf32, #tpu.memory_space<vmem_shared>> -> memref<128x16xf32, #tpu.memory_space<vmem_shared>>
      %dma_wait3A_65 = arith.constant 0 : i32
      %dma_wait3A_66 = tpu.memref_slice %arg6[%add3A_16, %dma_wait3A_65] : memref<10240x16xf32, #tpu.memory_space<vmem_shared>> -> memref<128x16xf32, #tpu.memory_space<vmem_shared>>
      tpu.wait_dma2 semaphore(%run_scoped3A : memref<!tpu.dma_semaphore, #tpu.memory_space<semaphore_mem>>) src(%arg5 : memref<128x16xf32, #tpu.memory_space<vmem>>) dst(%dma_wait3A_66 : memref<128x16xf32, #tpu.memory_space<vmem_shared>>)
      tpu.yield
    }) : () -> ()
    %add3A_17 = arith.constant 512 : i32
    %add3A_18 = arith.addi %mul3A_8, %add3A_17 : i32
    "tpu.region"() ({
      %run_scoped3A = tpu.sem_alloc : memref<!tpu.dma_semaphore, #tpu.memory_space<semaphore_mem>>
      %dma_start3A = arith.constant 0 : i32
      %dma_start3A_61 = tpu.memref_slice %arg6[%add3A_18, %dma_start3A] : memref<10240x16xf32, #tpu.memory_space<vmem_shared>> -> memref<128x16xf32, #tpu.memory_space<vmem_shared>>
      %dma_start3A_62 = arith.constant 0 : i32
      %dma_start3A_63 = tpu.memref_slice %arg6[%add3A_18, %dma_start3A_62] : memref<10240x16xf32, #tpu.memory_space<vmem_shared>> -> memref<128x16xf32, #tpu.memory_space<vmem_shared>>
      tpu.enqueue_dma source(%arg5 : memref<128x16xf32, #tpu.memory_space<vmem>>) target(%dma_start3A_63 : memref<128x16xf32, #tpu.memory_space<vmem_shared>>) target_semaphore(%run_scoped3A : memref<!tpu.dma_semaphore, #tpu.memory_space<semaphore_mem>>)
      %dma_wait3A = arith.constant 0 : i32
      %dma_wait3A_64 = tpu.memref_slice %arg6[%add3A_18, %dma_wait3A] : memref<10240x16xf32, #tpu.memory_space<vmem_shared>> -> memref<128x16xf32, #tpu.memory_space<vmem_shared>>
      %dma_wait3A_65 = arith.constant 0 : i32
      %dma_wait3A_66 = tpu.memref_slice %arg6[%add3A_18, %dma_wait3A_65] : memref<10240x16xf32, #tpu.memory_space<vmem_shared>> -> memref<128x16xf32, #tpu.memory_space<vmem_shared>>
      tpu.wait_dma2 semaphore(%run_scoped3A : memref<!tpu.dma_semaphore, #tpu.memory_space<semaphore_mem>>) src(%arg5 : memref<128x16xf32, #tpu.memory_space<vmem>>) dst(%dma_wait3A_66 : memref<128x16xf32, #tpu.memory_space<vmem_shared>>)
      tpu.yield
    }) : () -> ()
    %barrier3A = arith.constant 0 : index
    tpu.barrier barrier_id(%barrier3A)
    %scan3A_19 = arith.constant 0 : i32
    %scan3A_20 = arith.constant 0 : i32
    %scan3A_21 = arith.constant 128 : i32
    %scan3A_22 = arith.addi %scan3A_20, %scan3A_21 : i32
    %scan3A_23 = arith.constant 1 : i32
    %scan3A_24 = scf.for %scan3A_61 = %scan3A_20 to %scan3A_22 step %scan3A_23 iter_args(%scan3A_62 = %scan3A_19) -> (i32)  : i32 {
      %broadcast_in_dim3A = arith.constant 1.000000e+00 : f32
      %broadcast_in_dim3A_63 = vector.broadcast %broadcast_in_dim3A : f32 to vector<16xf32>
      %swap3A = arith.index_cast %scan3A_61 : i32 to index
      %swap3A_64 = arith.constant 0 : index
      %swap3A_65 = tpu.vector_load %arg5[%swap3A, %swap3A_64] {strides = array<i32>} : memref<128x16xf32, #tpu.memory_space<vmem>>, vector<16xf32>,
      tpu.vector_store %arg5[%swap3A, %swap3A_64], %broadcast_in_dim3A_63 {strides = array<i32>} : memref<128x16xf32, #tpu.memory_space<vmem>>, vector<16xf32>,
      %scan3A_66 = arith.constant 0 : i32
      scf.yield %scan3A_66 : i32
    }
    %scan3A_25 = arith.constant 128 : i32
    %scan3A_26 = arith.constant 0 : i32
    %scan3A_27 = arith.constant 0 : i32
    %scan3A_28 = arith.constant 40 : i32
    %scan3A_29 = arith.addi %scan3A_27, %scan3A_28 : i32
    %scan3A_30 = arith.constant 1 : i32
    %scan3A_31 = scf.for %scan3A_61 = %scan3A_27 to %scan3A_29 step %scan3A_30 iter_args(%scan3A_62 = %scan3A_26) -> (i32)  : i32 {
      "tpu.region"() ({
        %run_scoped3A = tpu.sem_alloc : memref<!tpu.dma_semaphore, #tpu.memory_space<semaphore_mem>>
        %dma_start3A = arith.constant 0 : i32
        %dma_start3A_64 = tpu.memref_slice %arg4[%scan3A_61, %dma_start3A] : memref<40x128xi32, #tpu.memory_space<vmem>> -> memref<1x128xi32, #tpu.memory_space<vmem>>
        %dma_start3A_65 = tpu.memref_squeeze %dma_start3A_64 : memref<1x128xi32, #tpu.memory_space<vmem>> -> memref<128xi32, #tpu.memory_space<vmem>>
        %dma_start3A_66 = arith.constant 0 : i32
        %dma_start3A_67 = arith.constant 0 : i32
        %dma_start3A_68 = tpu.memref_slice %arg6[%dma_start3A_66, %dma_start3A_67] : memref<10240x16xf32, #tpu.memory_space<vmem_shared>> -> memref<10240x16xf32, #tpu.memory_space<vmem_shared>>
        tpu.enqueue_indirect_dma source(%arg5 : memref<128x16xf32, #tpu.memory_space<vmem>>) target(%dma_start3A_68 : memref<10240x16xf32, #tpu.memory_space<vmem_shared>>) offsets(%dma_start3A_65 : memref<128xi32, #tpu.memory_space<vmem>>) semaphore(%run_scoped3A : memref<!tpu.dma_semaphore, #tpu.memory_space<semaphore_mem>>) {add = true}
        %dma_wait3A = arith.constant 0 : i32
        %dma_wait3A_69 = tpu.memref_slice %arg4[%scan3A_61, %dma_wait3A] : memref<40x128xi32, #tpu.memory_space<vmem>> -> memref<1x128xi32, #tpu.memory_space<vmem>>
        %dma_wait3A_70 = tpu.memref_squeeze %dma_wait3A_69 : memref<1x128xi32, #tpu.memory_space<vmem>> -> memref<128xi32, #tpu.memory_space<vmem>>
        %dma_wait3A_71 = arith.constant 0 : i32
        %dma_wait3A_72 = arith.constant 0 : i32
        %dma_wait3A_73 = tpu.memref_slice %arg6[%dma_wait3A_71, %dma_wait3A_72] : memref<10240x16xf32, #tpu.memory_space<vmem_shared>> -> memref<10240x16xf32, #tpu.memory_space<vmem_shared>>
        tpu.wait_indirect_dma semaphore(%run_scoped3A : memref<!tpu.dma_semaphore, #tpu.memory_space<semaphore_mem>>) src(%arg5 : memref<128x16xf32, #tpu.memory_space<vmem>>) dst(%dma_wait3A_73 : memref<10240x16xf32, #tpu.memory_space<vmem_shared>>)
        tpu.yield
      }) : () -> ()
      %scan3A_63 = arith.constant 0 : i32
      scf.yield %scan3A_63 : i32
    }
    %scan3A_32 = arith.constant 40 : i32
    %barrier3A_33 = arith.constant 0 : index
    tpu.barrier barrier_id(%barrier3A_33)
    %scan3A_34 = arith.constant 0 : i32
    %scan3A_35 = arith.constant 0 : i32
    %scan3A_36 = arith.constant 128 : i32
    %scan3A_37 = arith.addi %scan3A_35, %scan3A_36 : i32
    %scan3A_38 = arith.constant 1 : i32
    %scan3A_39 = scf.for %scan3A_61 = %scan3A_35 to %scan3A_37 step %scan3A_38 iter_args(%scan3A_62 = %scan3A_34) -> (i32)  : i32 {
      %broadcast_in_dim3A = arith.constant 0.000000e+00 : f32
      %broadcast_in_dim3A_63 = vector.broadcast %broadcast_in_dim3A : f32 to vector<16xf32>
      %swap3A = arith.index_cast %scan3A_61 : i32 to index
      %swap3A_64 = arith.constant 0 : index
      %swap3A_65 = tpu.vector_load %arg5[%swap3A, %swap3A_64] {strides = array<i32>} : memref<128x16xf32, #tpu.memory_space<vmem>>, vector<16xf32>,
      tpu.vector_store %arg5[%swap3A, %swap3A_64], %broadcast_in_dim3A_63 {strides = array<i32>} : memref<128x16xf32, #tpu.memory_space<vmem>>, vector<16xf32>,
      %scan3A_66 = arith.constant 0 : i32
      scf.yield %scan3A_66 : i32
    }
    %scan3A_40 = arith.constant 128 : i32
    %add3A_41 = arith.constant 0 : i32
    %add3A_42 = arith.addi %mul3A_8, %add3A_41 : i32
    "tpu.region"() ({
      %run_scoped3A = tpu.sem_alloc : memref<!tpu.dma_semaphore, #tpu.memory_space<semaphore_mem>>
      %dma_start3A = arith.constant 0 : i32
      %dma_start3A_61 = tpu.memref_slice %arg6[%add3A_42, %dma_start3A] : memref<10240x16xf32, #tpu.memory_space<vmem_shared>> -> memref<128x16xf32, #tpu.memory_space<vmem_shared>>
      %dma_start3A_62 = arith.constant 0 : i32
      %dma_start3A_63 = tpu.memref_slice %arg6[%add3A_42, %dma_start3A_62] : memref<10240x16xf32, #tpu.memory_space<vmem_shared>> -> memref<128x16xf32, #tpu.memory_space<vmem_shared>>
      tpu.enqueue_dma source(%dma_start3A_63 : memref<128x16xf32, #tpu.memory_space<vmem_shared>>) target(%arg5 : memref<128x16xf32, #tpu.memory_space<vmem>>) target_semaphore(%run_scoped3A : memref<!tpu.dma_semaphore, #tpu.memory_space<semaphore_mem>>)
      %dma_wait3A = arith.constant 0 : i32
      %dma_wait3A_64 = tpu.memref_slice %arg6[%add3A_42, %dma_wait3A] : memref<10240x16xf32, #tpu.memory_space<vmem_shared>> -> memref<128x16xf32, #tpu.memory_space<vmem_shared>>
      %dma_wait3A_65 = arith.constant 0 : i32
      %dma_wait3A_66 = tpu.memref_slice %arg6[%add3A_42, %dma_wait3A_65] : memref<10240x16xf32, #tpu.memory_space<vmem_shared>> -> memref<128x16xf32, #tpu.memory_space<vmem_shared>>
      tpu.wait_dma2 semaphore(%run_scoped3A : memref<!tpu.dma_semaphore, #tpu.memory_space<semaphore_mem>>) src(%dma_wait3A_66 : memref<128x16xf32, #tpu.memory_space<vmem_shared>>) dst(%arg5 : memref<128x16xf32, #tpu.memory_space<vmem>>)
      tpu.yield
    }) : () -> ()
    %add3A_43 = arith.constant 0 : i32
    %add3A_44 = arith.addi %mul3A_8, %add3A_43 : i32
    "tpu.region"() ({
      %run_scoped3A = tpu.sem_alloc : memref<!tpu.dma_semaphore, #tpu.memory_space<semaphore_mem>>
      %dma_start3A = arith.constant 0 : i32
      %dma_start3A_61 = tpu.memref_slice %arg3[%arg0, %add3A_44, %dma_start3A] : memref<2x10240x16xf32, #tpu.memory_space<hbm>> -> memref<1x128x16xf32, #tpu.memory_space<hbm>>
      %dma_start3A_62 = tpu.memref_squeeze %dma_start3A_61 : memref<1x128x16xf32, #tpu.memory_space<hbm>> -> memref<128x16xf32, #tpu.memory_space<hbm>>
      %dma_start3A_63 = arith.constant 0 : i32
      %dma_start3A_64 = tpu.memref_slice %arg3[%arg0, %add3A_44, %dma_start3A_63] : memref<2x10240x16xf32, #tpu.memory_space<hbm>> -> memref<1x128x16xf32, #tpu.memory_space<hbm>>
      %dma_start3A_65 = tpu.memref_squeeze %dma_start3A_64 : memref<1x128x16xf32, #tpu.memory_space<hbm>> -> memref<128x16xf32, #tpu.memory_space<hbm>>
      tpu.enqueue_dma source(%arg5 : memref<128x16xf32, #tpu.memory_space<vmem>>) target(%dma_start3A_65 : memref<128x16xf32, #tpu.memory_space<hbm>>) target_semaphore(%run_scoped3A : memref<!tpu.dma_semaphore, #tpu.memory_space<semaphore_mem>>)
      %dma_wait3A = arith.constant 0 : i32
      %dma_wait3A_66 = tpu.memref_slice %arg3[%arg0, %add3A_44, %dma_wait3A] : memref<2x10240x16xf32, #tpu.memory_space<hbm>> -> memref<1x128x16xf32, #tpu.memory_space<hbm>>
      %dma_wait3A_67 = tpu.memref_squeeze %dma_wait3A_66 : memref<1x128x16xf32, #tpu.memory_space<hbm>> -> memref<128x16xf32, #tpu.memory_space<hbm>>
      %dma_wait3A_68 = arith.constant 0 : i32
      %dma_wait3A_69 = tpu.memref_slice %arg3[%arg0, %add3A_44, %dma_wait3A_68] : memref<2x10240x16xf32, #tpu.memory_space<hbm>> -> memref<1x128x16xf32, #tpu.memory_space<hbm>>
      %dma_wait3A_70 = tpu.memref_squeeze %dma_wait3A_69 : memref<1x128x16xf32, #tpu.memory_space<hbm>> -> memref<128x16xf32, #tpu.memory_space<hbm>>
      tpu.wait_dma2 semaphore(%run_scoped3A : memref<!tpu.dma_semaphore, #tpu.memory_space<semaphore_mem>>) src(%arg5 : memref<128x16xf32, #tpu.memory_space<vmem>>) dst(%dma_wait3A_70 : memref<128x16xf32, #tpu.memory_space<hbm>>)
      tpu.yield
    }) : () -> ()
    %add3A_45 = arith.constant 128 : i32
    %add3A_46 = arith.addi %mul3A_8, %add3A_45 : i32
    "tpu.region"() ({
      %run_scoped3A = tpu.sem_alloc : memref<!tpu.dma_semaphore, #tpu.memory_space<semaphore_mem>>
      %dma_start3A = arith.constant 0 : i32
      %dma_start3A_61 = tpu.memref_slice %arg6[%add3A_46, %dma_start3A] : memref<10240x16xf32, #tpu.memory_space<vmem_shared>> -> memref<128x16xf32, #tpu.memory_space<vmem_shared>>
      %dma_start3A_62 = arith.constant 0 : i32
      %dma_start3A_63 = tpu.memref_slice %arg6[%add3A_46, %dma_start3A_62] : memref<10240x16xf32, #tpu.memory_space<vmem_shared>> -> memref<128x16xf32, #tpu.memory_space<vmem_shared>>
      tpu.enqueue_dma source(%dma_start3A_63 : memref<128x16xf32, #tpu.memory_space<vmem_shared>>) target(%arg5 : memref<128x16xf32, #tpu.memory_space<vmem>>) target_semaphore(%run_scoped3A : memref<!tpu.dma_semaphore, #tpu.memory_space<semaphore_mem>>)
      %dma_wait3A = arith.constant 0 : i32
      %dma_wait3A_64 = tpu.memref_slice %arg6[%add3A_46, %dma_wait3A] : memref<10240x16xf32, #tpu.memory_space<vmem_shared>> -> memref<128x16xf32, #tpu.memory_space<vmem_shared>>
      %dma_wait3A_65 = arith.constant 0 : i32
      %dma_wait3A_66 = tpu.memref_slice %arg6[%add3A_46, %dma_wait3A_65] : memref<10240x16xf32, #tpu.memory_space<vmem_shared>> -> memref<128x16xf32, #tpu.memory_space<vmem_shared>>
      tpu.wait_dma2 semaphore(%run_scoped3A : memref<!tpu.dma_semaphore, #tpu.memory_space<semaphore_mem>>) src(%dma_wait3A_66 : memref<128x16xf32, #tpu.memory_space<vmem_shared>>) dst(%arg5 : memref<128x16xf32, #tpu.memory_space<vmem>>)
      tpu.yield
    }) : () -> ()
    %add3A_47 = arith.constant 128 : i32
    %add3A_48 = arith.addi %mul3A_8, %add3A_47 : i32
    "tpu.region"() ({
      %run_scoped3A = tpu.sem_alloc : memref<!tpu.dma_semaphore, #tpu.memory_space<semaphore_mem>>
      %dma_start3A = arith.constant 0 : i32
      %dma_start3A_61 = tpu.memref_slice %arg3[%arg0, %add3A_48, %dma_start3A] : memref<2x10240x16xf32, #tpu.memory_space<hbm>> -> memref<1x128x16xf32, #tpu.memory_space<hbm>>
      %dma_start3A_62 = tpu.memref_squeeze %dma_start3A_61 : memref<1x128x16xf32, #tpu.memory_space<hbm>> -> memref<128x16xf32, #tpu.memory_space<hbm>>
      %dma_start3A_63 = arith.constant 0 : i32
      %dma_start3A_64 = tpu.memref_slice %arg3[%arg0, %add3A_48, %dma_start3A_63] : memref<2x10240x16xf32, #tpu.memory_space<hbm>> -> memref<1x128x16xf32, #tpu.memory_space<hbm>>
      %dma_start3A_65 = tpu.memref_squeeze %dma_start3A_64 : memref<1x128x16xf32, #tpu.memory_space<hbm>> -> memref<128x16xf32, #tpu.memory_space<hbm>>
      tpu.enqueue_dma source(%arg5 : memref<128x16xf32, #tpu.memory_space<vmem>>) target(%dma_start3A_65 : memref<128x16xf32, #tpu.memory_space<hbm>>) target_semaphore(%run_scoped3A : memref<!tpu.dma_semaphore, #tpu.memory_space<semaphore_mem>>)
      %dma_wait3A = arith.constant 0 : i32
      %dma_wait3A_66 = tpu.memref_slice %arg3[%arg0, %add3A_48, %dma_wait3A] : memref<2x10240x16xf32, #tpu.memory_space<hbm>> -> memref<1x128x16xf32, #tpu.memory_space<hbm>>
      %dma_wait3A_67 = tpu.memref_squeeze %dma_wait3A_66 : memref<1x128x16xf32, #tpu.memory_space<hbm>> -> memref<128x16xf32, #tpu.memory_space<hbm>>
      %dma_wait3A_68 = arith.constant 0 : i32
      %dma_wait3A_69 = tpu.memref_slice %arg3[%arg0, %add3A_48, %dma_wait3A_68] : memref<2x10240x16xf32, #tpu.memory_space<hbm>> -> memref<1x128x16xf32, #tpu.memory_space<hbm>>
      %dma_wait3A_70 = tpu.memref_squeeze %dma_wait3A_69 : memref<1x128x16xf32, #tpu.memory_space<hbm>> -> memref<128x16xf32, #tpu.memory_space<hbm>>
      tpu.wait_dma2 semaphore(%run_scoped3A : memref<!tpu.dma_semaphore, #tpu.memory_space<semaphore_mem>>) src(%arg5 : memref<128x16xf32, #tpu.memory_space<vmem>>) dst(%dma_wait3A_70 : memref<128x16xf32, #tpu.memory_space<hbm>>)
      tpu.yield
    }) : () -> ()
    %add3A_49 = arith.constant 256 : i32
    %add3A_50 = arith.addi %mul3A_8, %add3A_49 : i32
    "tpu.region"() ({
      %run_scoped3A = tpu.sem_alloc : memref<!tpu.dma_semaphore, #tpu.memory_space<semaphore_mem>>
      %dma_start3A = arith.constant 0 : i32
      %dma_start3A_61 = tpu.memref_slice %arg6[%add3A_50, %dma_start3A] : memref<10240x16xf32, #tpu.memory_space<vmem_shared>> -> memref<128x16xf32, #tpu.memory_space<vmem_shared>>
      %dma_start3A_62 = arith.constant 0 : i32
      %dma_start3A_63 = tpu.memref_slice %arg6[%add3A_50, %dma_start3A_62] : memref<10240x16xf32, #tpu.memory_space<vmem_shared>> -> memref<128x16xf32, #tpu.memory_space<vmem_shared>>
      tpu.enqueue_dma source(%dma_start3A_63 : memref<128x16xf32, #tpu.memory_space<vmem_shared>>) target(%arg5 : memref<128x16xf32, #tpu.memory_space<vmem>>) target_semaphore(%run_scoped3A : memref<!tpu.dma_semaphore, #tpu.memory_space<semaphore_mem>>)
      %dma_wait3A = arith.constant 0 : i32
      %dma_wait3A_64 = tpu.memref_slice %arg6[%add3A_50, %dma_wait3A] : memref<10240x16xf32, #tpu.memory_space<vmem_shared>> -> memref<128x16xf32, #tpu.memory_space<vmem_shared>>
      %dma_wait3A_65 = arith.constant 0 : i32
      %dma_wait3A_66 = tpu.memref_slice %arg6[%add3A_50, %dma_wait3A_65] : memref<10240x16xf32, #tpu.memory_space<vmem_shared>> -> memref<128x16xf32, #tpu.memory_space<vmem_shared>>
      tpu.wait_dma2 semaphore(%run_scoped3A : memref<!tpu.dma_semaphore, #tpu.memory_space<semaphore_mem>>) src(%dma_wait3A_66 : memref<128x16xf32, #tpu.memory_space<vmem_shared>>) dst(%arg5 : memref<128x16xf32, #tpu.memory_space<vmem>>)
      tpu.yield
    }) : () -> ()
    %add3A_51 = arith.constant 256 : i32
    %add3A_52 = arith.addi %mul3A_8, %add3A_51 : i32
    "tpu.region"() ({
      %run_scoped3A = tpu.sem_alloc : memref<!tpu.dma_semaphore, #tpu.memory_space<semaphore_mem>>
      %dma_start3A = arith.constant 0 : i32
      %dma_start3A_61 = tpu.memref_slice %arg3[%arg0, %add3A_52, %dma_start3A] : memref<2x10240x16xf32, #tpu.memory_space<hbm>> -> memref<1x128x16xf32, #tpu.memory_space<hbm>>
      %dma_start3A_62 = tpu.memref_squeeze %dma_start3A_61 : memref<1x128x16xf32, #tpu.memory_space<hbm>> -> memref<128x16xf32, #tpu.memory_space<hbm>>
      %dma_start3A_63 = arith.constant 0 : i32
      %dma_start3A_64 = tpu.memref_slice %arg3[%arg0, %add3A_52, %dma_start3A_63] : memref<2x10240x16xf32, #tpu.memory_space<hbm>> -> memref<1x128x16xf32, #tpu.memory_space<hbm>>
      %dma_start3A_65 = tpu.memref_squeeze %dma_start3A_64 : memref<1x128x16xf32, #tpu.memory_space<hbm>> -> memref<128x16xf32, #tpu.memory_space<hbm>>
      tpu.enqueue_dma source(%arg5 : memref<128x16xf32, #tpu.memory_space<vmem>>) target(%dma_start3A_65 : memref<128x16xf32, #tpu.memory_space<hbm>>) target_semaphore(%run_scoped3A : memref<!tpu.dma_semaphore, #tpu.memory_space<semaphore_mem>>)
      %dma_wait3A = arith.constant 0 : i32
      %dma_wait3A_66 = tpu.memref_slice %arg3[%arg0, %add3A_52, %dma_wait3A] : memref<2x10240x16xf32, #tpu.memory_space<hbm>> -> memref<1x128x16xf32, #tpu.memory_space<hbm>>
      %dma_wait3A_67 = tpu.memref_squeeze %dma_wait3A_66 : memref<1x128x16xf32, #tpu.memory_space<hbm>> -> memref<128x16xf32, #tpu.memory_space<hbm>>
      %dma_wait3A_68 = arith.constant 0 : i32
      %dma_wait3A_69 = tpu.memref_slice %arg3[%arg0, %add3A_52, %dma_wait3A_68] : memref<2x10240x16xf32, #tpu.memory_space<hbm>> -> memref<1x128x16xf32, #tpu.memory_space<hbm>>
      %dma_wait3A_70 = tpu.memref_squeeze %dma_wait3A_69 : memref<1x128x16xf32, #tpu.memory_space<hbm>> -> memref<128x16xf32, #tpu.memory_space<hbm>>
      tpu.wait_dma2 semaphore(%run_scoped3A : memref<!tpu.dma_semaphore, #tpu.memory_space<semaphore_mem>>) src(%arg5 : memref<128x16xf32, #tpu.memory_space<vmem>>) dst(%dma_wait3A_70 : memref<128x16xf32, #tpu.memory_space<hbm>>)
      tpu.yield
    }) : () -> ()
    %add3A_53 = arith.constant 384 : i32
    %add3A_54 = arith.addi %mul3A_8, %add3A_53 : i32
    "tpu.region"() ({
      %run_scoped3A = tpu.sem_alloc : memref<!tpu.dma_semaphore, #tpu.memory_space<semaphore_mem>>
      %dma_start3A = arith.constant 0 : i32
      %dma_start3A_61 = tpu.memref_slice %arg6[%add3A_54, %dma_start3A] : memref<10240x16xf32, #tpu.memory_space<vmem_shared>> -> memref<128x16xf32, #tpu.memory_space<vmem_shared>>
      %dma_start3A_62 = arith.constant 0 : i32
      %dma_start3A_63 = tpu.memref_slice %arg6[%add3A_54, %dma_start3A_62] : memref<10240x16xf32, #tpu.memory_space<vmem_shared>> -> memref<128x16xf32, #tpu.memory_space<vmem_shared>>
      tpu.enqueue_dma source(%dma_start3A_63 : memref<128x16xf32, #tpu.memory_space<vmem_shared>>) target(%arg5 : memref<128x16xf32, #tpu.memory_space<vmem>>) target_semaphore(%run_scoped3A : memref<!tpu.dma_semaphore, #tpu.memory_space<semaphore_mem>>)
      %dma_wait3A = arith.constant 0 : i32
      %dma_wait3A_64 = tpu.memref_slice %arg6[%add3A_54, %dma_wait3A] : memref<10240x16xf32, #tpu.memory_space<vmem_shared>> -> memref<128x16xf32, #tpu.memory_space<vmem_shared>>
      %dma_wait3A_65 = arith.constant 0 : i32
      %dma_wait3A_66 = tpu.memref_slice %arg6[%add3A_54, %dma_wait3A_65] : memref<10240x16xf32, #tpu.memory_space<vmem_shared>> -> memref<128x16xf32, #tpu.memory_space<vmem_shared>>
      tpu.wait_dma2 semaphore(%run_scoped3A : memref<!tpu.dma_semaphore, #tpu.memory_space<semaphore_mem>>) src(%dma_wait3A_66 : memref<128x16xf32, #tpu.memory_space<vmem_shared>>) dst(%arg5 : memref<128x16xf32, #tpu.memory_space<vmem>>)
      tpu.yield
    }) : () -> ()
    %add3A_55 = arith.constant 384 : i32
    %add3A_56 = arith.addi %mul3A_8, %add3A_55 : i32
    "tpu.region"() ({
      %run_scoped3A = tpu.sem_alloc : memref<!tpu.dma_semaphore, #tpu.memory_space<semaphore_mem>>
      %dma_start3A = arith.constant 0 : i32
      %dma_start3A_61 = tpu.memref_slice %arg3[%arg0, %add3A_56, %dma_start3A] : memref<2x10240x16xf32, #tpu.memory_space<hbm>> -> memref<1x128x16xf32, #tpu.memory_space<hbm>>
      %dma_start3A_62 = tpu.memref_squeeze %dma_start3A_61 : memref<1x128x16xf32, #tpu.memory_space<hbm>> -> memref<128x16xf32, #tpu.memory_space<hbm>>
      %dma_start3A_63 = arith.constant 0 : i32
      %dma_start3A_64 = tpu.memref_slice %arg3[%arg0, %add3A_56, %dma_start3A_63] : memref<2x10240x16xf32, #tpu.memory_space<hbm>> -> memref<1x128x16xf32, #tpu.memory_space<hbm>>
      %dma_start3A_65 = tpu.memref_squeeze %dma_start3A_64 : memref<1x128x16xf32, #tpu.memory_space<hbm>> -> memref<128x16xf32, #tpu.memory_space<hbm>>
      tpu.enqueue_dma source(%arg5 : memref<128x16xf32, #tpu.memory_space<vmem>>) target(%dma_start3A_65 : memref<128x16xf32, #tpu.memory_space<hbm>>) target_semaphore(%run_scoped3A : memref<!tpu.dma_semaphore, #tpu.memory_space<semaphore_mem>>)
      %dma_wait3A = arith.constant 0 : i32
      %dma_wait3A_66 = tpu.memref_slice %arg3[%arg0, %add3A_56, %dma_wait3A] : memref<2x10240x16xf32, #tpu.memory_space<hbm>> -> memref<1x128x16xf32, #tpu.memory_space<hbm>>
      %dma_wait3A_67 = tpu.memref_squeeze %dma_wait3A_66 : memref<1x128x16xf32, #tpu.memory_space<hbm>> -> memref<128x16xf32, #tpu.memory_space<hbm>>
      %dma_wait3A_68 = arith.constant 0 : i32
      %dma_wait3A_69 = tpu.memref_slice %arg3[%arg0, %add3A_56, %dma_wait3A_68] : memref<2x10240x16xf32, #tpu.memory_space<hbm>> -> memref<1x128x16xf32, #tpu.memory_space<hbm>>
      %dma_wait3A_70 = tpu.memref_squeeze %dma_wait3A_69 : memref<1x128x16xf32, #tpu.memory_space<hbm>> -> memref<128x16xf32, #tpu.memory_space<hbm>>
      tpu.wait_dma2 semaphore(%run_scoped3A : memref<!tpu.dma_semaphore, #tpu.memory_space<semaphore_mem>>) src(%arg5 : memref<128x16xf32, #tpu.memory_space<vmem>>) dst(%dma_wait3A_70 : memref<128x16xf32, #tpu.memory_space<hbm>>)
      tpu.yield
    }) : () -> ()
    %add3A_57 = arith.constant 512 : i32
    %add3A_58 = arith.addi %mul3A_8, %add3A_57 : i32
    "tpu.region"() ({
      %run_scoped3A = tpu.sem_alloc : memref<!tpu.dma_semaphore, #tpu.memory_space<semaphore_mem>>
      %dma_start3A = arith.constant 0 : i32
      %dma_start3A_61 = tpu.memref_slice %arg6[%add3A_58, %dma_start3A] : memref<10240x16xf32, #tpu.memory_space<vmem_shared>> -> memref<128x16xf32, #tpu.memory_space<vmem_shared>>
      %dma_start3A_62 = arith.constant 0 : i32
      %dma_start3A_63 = tpu.memref_slice %arg6[%add3A_58, %dma_start3A_62] : memref<10240x16xf32, #tpu.memory_space<vmem_shared>> -> memref<128x16xf32, #tpu.memory_space<vmem_shared>>
      tpu.enqueue_dma source(%dma_start3A_63 : memref<128x16xf32, #tpu.memory_space<vmem_shared>>) target(%arg5 : memref<128x16xf32, #tpu.memory_space<vmem>>) target_semaphore(%run_scoped3A : memref<!tpu.dma_semaphore, #tpu.memory_space<semaphore_mem>>)
      %dma_wait3A = arith.constant 0 : i32
      %dma_wait3A_64 = tpu.memref_slice %arg6[%add3A_58, %dma_wait3A] : memref<10240x16xf32, #tpu.memory_space<vmem_shared>> -> memref<128x16xf32, #tpu.memory_space<vmem_shared>>
      %dma_wait3A_65 = arith.constant 0 : i32
      %dma_wait3A_66 = tpu.memref_slice %arg6[%add3A_58, %dma_wait3A_65] : memref<10240x16xf32, #tpu.memory_space<vmem_shared>> -> memref<128x16xf32, #tpu.memory_space<vmem_shared>>
      tpu.wait_dma2 semaphore(%run_scoped3A : memref<!tpu.dma_semaphore, #tpu.memory_space<semaphore_mem>>) src(%dma_wait3A_66 : memref<128x16xf32, #tpu.memory_space<vmem_shared>>) dst(%arg5 : memref<128x16xf32, #tpu.memory_space<vmem>>)
      tpu.yield
    }) : () -> ()
    %add3A_59 = arith.constant 512 : i32
    %add3A_60 = arith.addi %mul3A_8, %add3A_59 : i32
    "tpu.region"() ({
      %run_scoped3A = tpu.sem_alloc : memref<!tpu.dma_semaphore, #tpu.memory_space<semaphore_mem>>
      %dma_start3A = arith.constant 0 : i32
      %dma_start3A_61 = tpu.memref_slice %arg3[%arg0, %add3A_60, %dma_start3A] : memref<2x10240x16xf32, #tpu.memory_space<hbm>> -> memref<1x128x16xf32, #tpu.memory_space<hbm>>
      %dma_start3A_62 = tpu.memref_squeeze %dma_start3A_61 : memref<1x128x16xf32, #tpu.memory_space<hbm>> -> memref<128x16xf32, #tpu.memory_space<hbm>>
      %dma_start3A_63 = arith.constant 0 : i32
      %dma_start3A_64 = tpu.memref_slice %arg3[%arg0, %add3A_60, %dma_start3A_63] : memref<2x10240x16xf32, #tpu.memory_space<hbm>> -> memref<1x128x16xf32, #tpu.memory_space<hbm>>
      %dma_start3A_65 = tpu.memref_squeeze %dma_start3A_64 : memref<1x128x16xf32, #tpu.memory_space<hbm>> -> memref<128x16xf32, #tpu.memory_space<hbm>>
      tpu.enqueue_dma source(%arg5 : memref<128x16xf32, #tpu.memory_space<vmem>>) target(%dma_start3A_65 : memref<128x16xf32, #tpu.memory_space<hbm>>) target_semaphore(%run_scoped3A : memref<!tpu.dma_semaphore, #tpu.memory_space<semaphore_mem>>)
      %dma_wait3A = arith.constant 0 : i32
      %dma_wait3A_66 = tpu.memref_slice %arg3[%arg0, %add3A_60, %dma_wait3A] : memref<2x10240x16xf32, #tpu.memory_space<hbm>> -> memref<1x128x16xf32, #tpu.memory_space<hbm>>
      %dma_wait3A_67 = tpu.memref_squeeze %dma_wait3A_66 : memref<1x128x16xf32, #tpu.memory_space<hbm>> -> memref<128x16xf32, #tpu.memory_space<hbm>>
      %dma_wait3A_68 = arith.constant 0 : i32
      %dma_wait3A_69 = tpu.memref_slice %arg3[%arg0, %add3A_60, %dma_wait3A_68] : memref<2x10240x16xf32, #tpu.memory_space<hbm>> -> memref<1x128x16xf32, #tpu.memory_space<hbm>>
      %dma_wait3A_70 = tpu.memref_squeeze %dma_wait3A_69 : memref<1x128x16xf32, #tpu.memory_space<hbm>> -> memref<128x16xf32, #tpu.memory_space<hbm>>
      tpu.wait_dma2 semaphore(%run_scoped3A : memref<!tpu.dma_semaphore, #tpu.memory_space<semaphore_mem>>) src(%arg5 : memref<128x16xf32, #tpu.memory_space<vmem>>) dst(%dma_wait3A_70 : memref<128x16xf32, #tpu.memory_space<hbm>>)
      tpu.yield
    }) : () -> ()
    return
  }
}

#map = affine_map<(d0, d1) -> (0, 0, 0)>
#map1 = affine_map<(d0, d1) -> (0, 0)>
module attributes {stable_mosaic.version = 14 : i64} {
  func.func @_sc_main(%arg0: i32, %arg1: i32, %arg2: memref<32x40x128xi32, #tpu.memory_space<hbm>>, %arg3: memref<32x40x128xi32, #tpu.memory_space<hbm>>, %arg4: memref<10240x128xf32, #tpu.memory_space<hbm>>, %arg5: memref<2x10240x128xf32, #tpu.memory_space<hbm>>, %arg6: memref<40x128xi32, #tpu.memory_space<vmem>>, %arg7: memref<40x128xi32, #tpu.memory_space<vmem>>, %arg8: memref<128x128xf32, #tpu.memory_space<vmem>>, %arg9: memref<10240x128xf32, #tpu.memory_space<vmem_shared>>, %arg10: memref<!tpu.dma_semaphore, #tpu.memory_space<semaphore_mem>>) attributes {dimension_semantics = [#tpu.dimension_semantics<core_parallel>, #tpu.dimension_semantics<subcore_parallel>], iteration_bounds = array<i64: 2, 16>, scalar_prefetch = 0 : i64, scratch_operands = 5 : i64, tpu.core_type = #tpu.core_type<sc_vector_subcore>, window_params = [{transform_indices = #map}, {transform_indices = #map}, {transform_indices = #map1}, {transform_indices = #map}]} {
    %mul3A = arith.constant 2 : i32
    %mul3A_0 = arith.muli %arg1, %mul3A : i32
    %add3A = arith.addi %mul3A_0, %arg0 : i32
    "tpu.region"() ({
      %run_scoped3A = tpu.sem_alloc : memref<!tpu.dma_semaphore, #tpu.memory_space<semaphore_mem>>
      %dma_start3A = arith.constant 0 : i32
      %dma_start3A_47 = arith.constant 0 : i32
      %dma_start3A_48 = tpu.memref_slice %arg2[%add3A, %dma_start3A, %dma_start3A_47] : memref<32x40x128xi32, #tpu.memory_space<hbm>> -> memref<1x40x128xi32, #tpu.memory_space<hbm>>
      %dma_start3A_49 = tpu.memref_squeeze %dma_start3A_48 : memref<1x40x128xi32, #tpu.memory_space<hbm>> -> memref<40x128xi32, #tpu.memory_space<hbm>>
      %dma_start3A_50 = arith.constant 0 : i32
      %dma_start3A_51 = arith.constant 0 : i32
      %dma_start3A_52 = tpu.memref_slice %arg2[%add3A, %dma_start3A_50, %dma_start3A_51] : memref<32x40x128xi32, #tpu.memory_space<hbm>> -> memref<1x40x128xi32, #tpu.memory_space<hbm>>
      %dma_start3A_53 = tpu.memref_squeeze %dma_start3A_52 : memref<1x40x128xi32, #tpu.memory_space<hbm>> -> memref<40x128xi32, #tpu.memory_space<hbm>>
      tpu.enqueue_dma source(%dma_start3A_53 : memref<40x128xi32, #tpu.memory_space<hbm>>) target(%arg6 : memref<40x128xi32, #tpu.memory_space<vmem>>) target_semaphore(%run_scoped3A : memref<!tpu.dma_semaphore, #tpu.memory_space<semaphore_mem>>)
      %dma_wait3A = arith.constant 0 : i32
      %dma_wait3A_54 = arith.constant 0 : i32
      %dma_wait3A_55 = tpu.memref_slice %arg2[%add3A, %dma_wait3A, %dma_wait3A_54] : memref<32x40x128xi32, #tpu.memory_space<hbm>> -> memref<1x40x128xi32, #tpu.memory_space<hbm>>
      %dma_wait3A_56 = tpu.memref_squeeze %dma_wait3A_55 : memref<1x40x128xi32, #tpu.memory_space<hbm>> -> memref<40x128xi32, #tpu.memory_space<hbm>>
      %dma_wait3A_57 = arith.constant 0 : i32
      %dma_wait3A_58 = arith.constant 0 : i32
      %dma_wait3A_59 = tpu.memref_slice %arg2[%add3A, %dma_wait3A_57, %dma_wait3A_58] : memref<32x40x128xi32, #tpu.memory_space<hbm>> -> memref<1x40x128xi32, #tpu.memory_space<hbm>>
      %dma_wait3A_60 = tpu.memref_squeeze %dma_wait3A_59 : memref<1x40x128xi32, #tpu.memory_space<hbm>> -> memref<40x128xi32, #tpu.memory_space<hbm>>
      tpu.wait_dma2 semaphore(%run_scoped3A : memref<!tpu.dma_semaphore, #tpu.memory_space<semaphore_mem>>) src(%dma_wait3A_60 : memref<40x128xi32, #tpu.memory_space<hbm>>) dst(%arg6 : memref<40x128xi32, #tpu.memory_space<vmem>>)
      tpu.yield
    }) : () -> ()
    "tpu.region"() ({
      %run_scoped3A = tpu.sem_alloc : memref<!tpu.dma_semaphore, #tpu.memory_space<semaphore_mem>>
      %dma_start3A = arith.constant 0 : i32
      %dma_start3A_47 = arith.constant 0 : i32
      %dma_start3A_48 = tpu.memref_slice %arg3[%add3A, %dma_start3A, %dma_start3A_47] : memref<32x40x128xi32, #tpu.memory_space<hbm>> -> memref<1x40x128xi32, #tpu.memory_space<hbm>>
      %dma_start3A_49 = tpu.memref_squeeze %dma_start3A_48 : memref<1x40x128xi32, #tpu.memory_space<hbm>> -> memref<40x128xi32, #tpu.memory_space<hbm>>
      %dma_start3A_50 = arith.constant 0 : i32
      %dma_start3A_51 = arith.constant 0 : i32
      %dma_start3A_52 = tpu.memref_slice %arg3[%add3A, %dma_start3A_50, %dma_start3A_51] : memref<32x40x128xi32, #tpu.memory_space<hbm>> -> memref<1x40x128xi32, #tpu.memory_space<hbm>>
      %dma_start3A_53 = tpu.memref_squeeze %dma_start3A_52 : memref<1x40x128xi32, #tpu.memory_space<hbm>> -> memref<40x128xi32, #tpu.memory_space<hbm>>
      tpu.enqueue_dma source(%dma_start3A_53 : memref<40x128xi32, #tpu.memory_space<hbm>>) target(%arg7 : memref<40x128xi32, #tpu.memory_space<vmem>>) target_semaphore(%run_scoped3A : memref<!tpu.dma_semaphore, #tpu.memory_space<semaphore_mem>>)
      %dma_wait3A = arith.constant 0 : i32
      %dma_wait3A_54 = arith.constant 0 : i32
      %dma_wait3A_55 = tpu.memref_slice %arg3[%add3A, %dma_wait3A, %dma_wait3A_54] : memref<32x40x128xi32, #tpu.memory_space<hbm>> -> memref<1x40x128xi32, #tpu.memory_space<hbm>>
      %dma_wait3A_56 = tpu.memref_squeeze %dma_wait3A_55 : memref<1x40x128xi32, #tpu.memory_space<hbm>> -> memref<40x128xi32, #tpu.memory_space<hbm>>
      %dma_wait3A_57 = arith.constant 0 : i32
      %dma_wait3A_58 = arith.constant 0 : i32
      %dma_wait3A_59 = tpu.memref_slice %arg3[%add3A, %dma_wait3A_57, %dma_wait3A_58] : memref<32x40x128xi32, #tpu.memory_space<hbm>> -> memref<1x40x128xi32, #tpu.memory_space<hbm>>
      %dma_wait3A_60 = tpu.memref_squeeze %dma_wait3A_59 : memref<1x40x128xi32, #tpu.memory_space<hbm>> -> memref<40x128xi32, #tpu.memory_space<hbm>>
      tpu.wait_dma2 semaphore(%run_scoped3A : memref<!tpu.dma_semaphore, #tpu.memory_space<semaphore_mem>>) src(%dma_wait3A_60 : memref<40x128xi32, #tpu.memory_space<hbm>>) dst(%arg7 : memref<40x128xi32, #tpu.memory_space<vmem>>)
      tpu.yield
    }) : () -> ()
    %scan3A = arith.constant 0 : i32
    %scan3A_1 = arith.constant 0 : i32
    %scan3A_2 = arith.constant 128 : i32
    %scan3A_3 = arith.addi %scan3A_1, %scan3A_2 : i32
    %scan3A_4 = arith.constant 1 : i32
    %scan3A_5 = scf.for %scan3A_47 = %scan3A_1 to %scan3A_3 step %scan3A_4 iter_args(%scan3A_48 = %scan3A) -> (i32)  : i32 {
      %broadcast_in_dim3A = arith.constant 0.000000e+00 : f32
      %broadcast_in_dim3A_49 = vector.broadcast %broadcast_in_dim3A : f32 to vector<16xf32>
      %swap3A = arith.index_cast %scan3A_47 : i32 to index
      %swap3A_50 = arith.constant 0 : index
      %swap3A_51 = tpu.vector_load %arg8[%swap3A, %swap3A_50] {strides = array<i32>} : memref<128x128xf32, #tpu.memory_space<vmem>>, vector<16xf32>,
      tpu.vector_store %arg8[%swap3A, %swap3A_50], %broadcast_in_dim3A_49 {strides = array<i32>} : memref<128x128xf32, #tpu.memory_space<vmem>>, vector<16xf32>,
      %broadcast_in_dim3A_52 = arith.constant 0.000000e+00 : f32
      %broadcast_in_dim3A_53 = vector.broadcast %broadcast_in_dim3A_52 : f32 to vector<16xf32>
      %swap3A_54 = arith.index_cast %scan3A_47 : i32 to index
      %swap3A_55 = arith.constant 16 : index
      %swap3A_56 = tpu.vector_load %arg8[%swap3A_54, %swap3A_55] {strides = array<i32>} : memref<128x128xf32, #tpu.memory_space<vmem>>, vector<16xf32>,
      tpu.vector_store %arg8[%swap3A_54, %swap3A_55], %broadcast_in_dim3A_53 {strides = array<i32>} : memref<128x128xf32, #tpu.memory_space<vmem>>, vector<16xf32>,
      %broadcast_in_dim3A_57 = arith.constant 0.000000e+00 : f32
      %broadcast_in_dim3A_58 = vector.broadcast %broadcast_in_dim3A_57 : f32 to vector<16xf32>
      %swap3A_59 = arith.index_cast %scan3A_47 : i32 to index
      %swap3A_60 = arith.constant 32 : index
      %swap3A_61 = tpu.vector_load %arg8[%swap3A_59, %swap3A_60] {strides = array<i32>} : memref<128x128xf32, #tpu.memory_space<vmem>>, vector<16xf32>,
      tpu.vector_store %arg8[%swap3A_59, %swap3A_60], %broadcast_in_dim3A_58 {strides = array<i32>} : memref<128x128xf32, #tpu.memory_space<vmem>>, vector<16xf32>,
      %broadcast_in_dim3A_62 = arith.constant 0.000000e+00 : f32
      %broadcast_in_dim3A_63 = vector.broadcast %broadcast_in_dim3A_62 : f32 to vector<16xf32>
      %swap3A_64 = arith.index_cast %scan3A_47 : i32 to index
      %swap3A_65 = arith.constant 48 : index
      %swap3A_66 = tpu.vector_load %arg8[%swap3A_64, %swap3A_65] {strides = array<i32>} : memref<128x128xf32, #tpu.memory_space<vmem>>, vector<16xf32>,
      tpu.vector_store %arg8[%swap3A_64, %swap3A_65], %broadcast_in_dim3A_63 {strides = array<i32>} : memref<128x128xf32, #tpu.memory_space<vmem>>, vector<16xf32>,
      %broadcast_in_dim3A_67 = arith.constant 0.000000e+00 : f32
      %broadcast_in_dim3A_68 = vector.broadcast %broadcast_in_dim3A_67 : f32 to vector<16xf32>
      %swap3A_69 = arith.index_cast %scan3A_47 : i32 to index
      %swap3A_70 = arith.constant 64 : index
      %swap3A_71 = tpu.vector_load %arg8[%swap3A_69, %swap3A_70] {strides = array<i32>} : memref<128x128xf32, #tpu.memory_space<vmem>>, vector<16xf32>,
      tpu.vector_store %arg8[%swap3A_69, %swap3A_70], %broadcast_in_dim3A_68 {strides = array<i32>} : memref<128x128xf32, #tpu.memory_space<vmem>>, vector<16xf32>,
      %broadcast_in_dim3A_72 = arith.constant 0.000000e+00 : f32
      %broadcast_in_dim3A_73 = vector.broadcast %broadcast_in_dim3A_72 : f32 to vector<16xf32>
      %swap3A_74 = arith.index_cast %scan3A_47 : i32 to index
      %swap3A_75 = arith.constant 80 : index
      %swap3A_76 = tpu.vector_load %arg8[%swap3A_74, %swap3A_75] {strides = array<i32>} : memref<128x128xf32, #tpu.memory_space<vmem>>, vector<16xf32>,
      tpu.vector_store %arg8[%swap3A_74, %swap3A_75], %broadcast_in_dim3A_73 {strides = array<i32>} : memref<128x128xf32, #tpu.memory_space<vmem>>, vector<16xf32>,
      %broadcast_in_dim3A_77 = arith.constant 0.000000e+00 : f32
      %broadcast_in_dim3A_78 = vector.broadcast %broadcast_in_dim3A_77 : f32 to vector<16xf32>
      %swap3A_79 = arith.index_cast %scan3A_47 : i32 to index
      %swap3A_80 = arith.constant 96 : index
      %swap3A_81 = tpu.vector_load %arg8[%swap3A_79, %swap3A_80] {strides = array<i32>} : memref<128x128xf32, #tpu.memory_space<vmem>>, vector<16xf32>,
      tpu.vector_store %arg8[%swap3A_79, %swap3A_80], %broadcast_in_dim3A_78 {strides = array<i32>} : memref<128x128xf32, #tpu.memory_space<vmem>>, vector<16xf32>,
      %broadcast_in_dim3A_82 = arith.constant 0.000000e+00 : f32
      %broadcast_in_dim3A_83 = vector.broadcast %broadcast_in_dim3A_82 : f32 to vector<16xf32>
      %swap3A_84 = arith.index_cast %scan3A_47 : i32 to index
      %swap3A_85 = arith.constant 112 : index
      %swap3A_86 = tpu.vector_load %arg8[%swap3A_84, %swap3A_85] {strides = array<i32>} : memref<128x128xf32, #tpu.memory_space<vmem>>, vector<16xf32>,
      tpu.vector_store %arg8[%swap3A_84, %swap3A_85], %broadcast_in_dim3A_83 {strides = array<i32>} : memref<128x128xf32, #tpu.memory_space<vmem>>, vector<16xf32>,
      %scan3A_87 = arith.constant 0 : i32
      scf.yield %scan3A_87 : i32
    }
    %scan3A_6 = arith.constant 128 : i32
    %mul3A_7 = arith.constant 640 : i32
    %mul3A_8 = arith.muli %arg1, %mul3A_7 : i32
    %add3A_9 = arith.constant 0 : i32
    %add3A_10 = arith.addi %mul3A_8, %add3A_9 : i32
    "tpu.region"() ({
      %run_scoped3A = tpu.sem_alloc : memref<!tpu.dma_semaphore, #tpu.memory_space<semaphore_mem>>
      %dma_start3A = arith.constant 0 : i32
      %dma_start3A_47 = tpu.memref_slice %arg9[%add3A_10, %dma_start3A] : memref<10240x128xf32, #tpu.memory_space<vmem_shared>> -> memref<128x128xf32, #tpu.memory_space<vmem_shared>>
      %dma_start3A_48 = arith.constant 0 : i32
      %dma_start3A_49 = tpu.memref_slice %arg9[%add3A_10, %dma_start3A_48] : memref<10240x128xf32, #tpu.memory_space<vmem_shared>> -> memref<128x128xf32, #tpu.memory_space<vmem_shared>>
      tpu.enqueue_dma source(%arg8 : memref<128x128xf32, #tpu.memory_space<vmem>>) target(%dma_start3A_49 : memref<128x128xf32, #tpu.memory_space<vmem_shared>>) target_semaphore(%run_scoped3A : memref<!tpu.dma_semaphore, #tpu.memory_space<semaphore_mem>>)
      %dma_wait3A = arith.constant 0 : i32
      %dma_wait3A_50 = tpu.memref_slice %arg9[%add3A_10, %dma_wait3A] : memref<10240x128xf32, #tpu.memory_space<vmem_shared>> -> memref<128x128xf32, #tpu.memory_space<vmem_shared>>
      %dma_wait3A_51 = arith.constant 0 : i32
      %dma_wait3A_52 = tpu.memref_slice %arg9[%add3A_10, %dma_wait3A_51] : memref<10240x128xf32, #tpu.memory_space<vmem_shared>> -> memref<128x128xf32, #tpu.memory_space<vmem_shared>>
      tpu.wait_dma2 semaphore(%run_scoped3A : memref<!tpu.dma_semaphore, #tpu.memory_space<semaphore_mem>>) src(%arg8 : memref<128x128xf32, #tpu.memory_space<vmem>>) dst(%dma_wait3A_52 : memref<128x128xf32, #tpu.memory_space<vmem_shared>>)
      tpu.yield
    }) : () -> ()
    %add3A_11 = arith.constant 128 : i32
    %add3A_12 = arith.addi %mul3A_8, %add3A_11 : i32
    "tpu.region"() ({
      %run_scoped3A = tpu.sem_alloc : memref<!tpu.dma_semaphore, #tpu.memory_space<semaphore_mem>>
      %dma_start3A = arith.constant 0 : i32
      %dma_start3A_47 = tpu.memref_slice %arg9[%add3A_12, %dma_start3A] : memref<10240x128xf32, #tpu.memory_space<vmem_shared>> -> memref<128x128xf32, #tpu.memory_space<vmem_shared>>
      %dma_start3A_48 = arith.constant 0 : i32
      %dma_start3A_49 = tpu.memref_slice %arg9[%add3A_12, %dma_start3A_48] : memref<10240x128xf32, #tpu.memory_space<vmem_shared>> -> memref<128x128xf32, #tpu.memory_space<vmem_shared>>
      tpu.enqueue_dma source(%arg8 : memref<128x128xf32, #tpu.memory_space<vmem>>) target(%dma_start3A_49 : memref<128x128xf32, #tpu.memory_space<vmem_shared>>) target_semaphore(%run_scoped3A : memref<!tpu.dma_semaphore, #tpu.memory_space<semaphore_mem>>)
      %dma_wait3A = arith.constant 0 : i32
      %dma_wait3A_50 = tpu.memref_slice %arg9[%add3A_12, %dma_wait3A] : memref<10240x128xf32, #tpu.memory_space<vmem_shared>> -> memref<128x128xf32, #tpu.memory_space<vmem_shared>>
      %dma_wait3A_51 = arith.constant 0 : i32
      %dma_wait3A_52 = tpu.memref_slice %arg9[%add3A_12, %dma_wait3A_51] : memref<10240x128xf32, #tpu.memory_space<vmem_shared>> -> memref<128x128xf32, #tpu.memory_space<vmem_shared>>
      tpu.wait_dma2 semaphore(%run_scoped3A : memref<!tpu.dma_semaphore, #tpu.memory_space<semaphore_mem>>) src(%arg8 : memref<128x128xf32, #tpu.memory_space<vmem>>) dst(%dma_wait3A_52 : memref<128x128xf32, #tpu.memory_space<vmem_shared>>)
      tpu.yield
    }) : () -> ()
    %add3A_13 = arith.constant 256 : i32
    %add3A_14 = arith.addi %mul3A_8, %add3A_13 : i32
    "tpu.region"() ({
      %run_scoped3A = tpu.sem_alloc : memref<!tpu.dma_semaphore, #tpu.memory_space<semaphore_mem>>
      %dma_start3A = arith.constant 0 : i32
      %dma_start3A_47 = tpu.memref_slice %arg9[%add3A_14, %dma_start3A] : memref<10240x128xf32, #tpu.memory_space<vmem_shared>> -> memref<128x128xf32, #tpu.memory_space<vmem_shared>>
      %dma_start3A_48 = arith.constant 0 : i32
      %dma_start3A_49 = tpu.memref_slice %arg9[%add3A_14, %dma_start3A_48] : memref<10240x128xf32, #tpu.memory_space<vmem_shared>> -> memref<128x128xf32, #tpu.memory_space<vmem_shared>>
      tpu.enqueue_dma source(%arg8 : memref<128x128xf32, #tpu.memory_space<vmem>>) target(%dma_start3A_49 : memref<128x128xf32, #tpu.memory_space<vmem_shared>>) target_semaphore(%run_scoped3A : memref<!tpu.dma_semaphore, #tpu.memory_space<semaphore_mem>>)
      %dma_wait3A = arith.constant 0 : i32
      %dma_wait3A_50 = tpu.memref_slice %arg9[%add3A_14, %dma_wait3A] : memref<10240x128xf32, #tpu.memory_space<vmem_shared>> -> memref<128x128xf32, #tpu.memory_space<vmem_shared>>
      %dma_wait3A_51 = arith.constant 0 : i32
      %dma_wait3A_52 = tpu.memref_slice %arg9[%add3A_14, %dma_wait3A_51] : memref<10240x128xf32, #tpu.memory_space<vmem_shared>> -> memref<128x128xf32, #tpu.memory_space<vmem_shared>>
      tpu.wait_dma2 semaphore(%run_scoped3A : memref<!tpu.dma_semaphore, #tpu.memory_space<semaphore_mem>>) src(%arg8 : memref<128x128xf32, #tpu.memory_space<vmem>>) dst(%dma_wait3A_52 : memref<128x128xf32, #tpu.memory_space<vmem_shared>>)
      tpu.yield
    }) : () -> ()
    %add3A_15 = arith.constant 384 : i32
    %add3A_16 = arith.addi %mul3A_8, %add3A_15 : i32
    "tpu.region"() ({
      %run_scoped3A = tpu.sem_alloc : memref<!tpu.dma_semaphore, #tpu.memory_space<semaphore_mem>>
      %dma_start3A = arith.constant 0 : i32
      %dma_start3A_47 = tpu.memref_slice %arg9[%add3A_16, %dma_start3A] : memref<10240x128xf32, #tpu.memory_space<vmem_shared>> -> memref<128x128xf32, #tpu.memory_space<vmem_shared>>
      %dma_start3A_48 = arith.constant 0 : i32
      %dma_start3A_49 = tpu.memref_slice %arg9[%add3A_16, %dma_start3A_48] : memref<10240x128xf32, #tpu.memory_space<vmem_shared>> -> memref<128x128xf32, #tpu.memory_space<vmem_shared>>
      tpu.enqueue_dma source(%arg8 : memref<128x128xf32, #tpu.memory_space<vmem>>) target(%dma_start3A_49 : memref<128x128xf32, #tpu.memory_space<vmem_shared>>) target_semaphore(%run_scoped3A : memref<!tpu.dma_semaphore, #tpu.memory_space<semaphore_mem>>)
      %dma_wait3A = arith.constant 0 : i32
      %dma_wait3A_50 = tpu.memref_slice %arg9[%add3A_16, %dma_wait3A] : memref<10240x128xf32, #tpu.memory_space<vmem_shared>> -> memref<128x128xf32, #tpu.memory_space<vmem_shared>>
      %dma_wait3A_51 = arith.constant 0 : i32
      %dma_wait3A_52 = tpu.memref_slice %arg9[%add3A_16, %dma_wait3A_51] : memref<10240x128xf32, #tpu.memory_space<vmem_shared>> -> memref<128x128xf32, #tpu.memory_space<vmem_shared>>
      tpu.wait_dma2 semaphore(%run_scoped3A : memref<!tpu.dma_semaphore, #tpu.memory_space<semaphore_mem>>) src(%arg8 : memref<128x128xf32, #tpu.memory_space<vmem>>) dst(%dma_wait3A_52 : memref<128x128xf32, #tpu.memory_space<vmem_shared>>)
      tpu.yield
    }) : () -> ()
    %add3A_17 = arith.constant 512 : i32
    %add3A_18 = arith.addi %mul3A_8, %add3A_17 : i32
    "tpu.region"() ({
      %run_scoped3A = tpu.sem_alloc : memref<!tpu.dma_semaphore, #tpu.memory_space<semaphore_mem>>
      %dma_start3A = arith.constant 0 : i32
      %dma_start3A_47 = tpu.memref_slice %arg9[%add3A_18, %dma_start3A] : memref<10240x128xf32, #tpu.memory_space<vmem_shared>> -> memref<128x128xf32, #tpu.memory_space<vmem_shared>>
      %dma_start3A_48 = arith.constant 0 : i32
      %dma_start3A_49 = tpu.memref_slice %arg9[%add3A_18, %dma_start3A_48] : memref<10240x128xf32, #tpu.memory_space<vmem_shared>> -> memref<128x128xf32, #tpu.memory_space<vmem_shared>>
      tpu.enqueue_dma source(%arg8 : memref<128x128xf32, #tpu.memory_space<vmem>>) target(%dma_start3A_49 : memref<128x128xf32, #tpu.memory_space<vmem_shared>>) target_semaphore(%run_scoped3A : memref<!tpu.dma_semaphore, #tpu.memory_space<semaphore_mem>>)
      %dma_wait3A = arith.constant 0 : i32
      %dma_wait3A_50 = tpu.memref_slice %arg9[%add3A_18, %dma_wait3A] : memref<10240x128xf32, #tpu.memory_space<vmem_shared>> -> memref<128x128xf32, #tpu.memory_space<vmem_shared>>
      %dma_wait3A_51 = arith.constant 0 : i32
      %dma_wait3A_52 = tpu.memref_slice %arg9[%add3A_18, %dma_wait3A_51] : memref<10240x128xf32, #tpu.memory_space<vmem_shared>> -> memref<128x128xf32, #tpu.memory_space<vmem_shared>>
      tpu.wait_dma2 semaphore(%run_scoped3A : memref<!tpu.dma_semaphore, #tpu.memory_space<semaphore_mem>>) src(%arg8 : memref<128x128xf32, #tpu.memory_space<vmem>>) dst(%dma_wait3A_52 : memref<128x128xf32, #tpu.memory_space<vmem_shared>>)
      tpu.yield
    }) : () -> ()
    %barrier3A = arith.constant 0 : index
    tpu.barrier barrier_id(%barrier3A)
    %scan3A_19 = arith.constant 0 : i32
    %scan3A_20 = arith.constant 0 : i32
    %scan3A_21 = arith.constant 40 : i32
    %scan3A_22 = arith.addi %scan3A_20, %scan3A_21 : i32
    %scan3A_23 = arith.constant 1 : i32
    %scan3A_24 = scf.for %scan3A_47 = %scan3A_20 to %scan3A_22 step %scan3A_23 iter_args(%scan3A_48 = %scan3A_19) -> (i32)  : i32 {
      %dma_start3A = arith.constant 0 : i32
      %dma_start3A_49 = tpu.memref_slice %arg6[%scan3A_47, %dma_start3A] : memref<40x128xi32, #tpu.memory_space<vmem>> -> memref<1x128xi32, #tpu.memory_space<vmem>>
      %dma_start3A_50 = tpu.memref_squeeze %dma_start3A_49 : memref<1x128xi32, #tpu.memory_space<vmem>> -> memref<128xi32, #tpu.memory_space<vmem>>
      %dma_start3A_51 = arith.constant 0 : i32
      %dma_start3A_52 = arith.constant 0 : i32
      %dma_start3A_53 = tpu.memref_slice %arg4[%dma_start3A_51, %dma_start3A_52] : memref<10240x128xf32, #tpu.memory_space<hbm>> -> memref<10240x128xf32, #tpu.memory_space<hbm>>
      tpu.enqueue_indirect_dma source(%dma_start3A_53 : memref<10240x128xf32, #tpu.memory_space<hbm>>) target(%arg8 : memref<128x128xf32, #tpu.memory_space<vmem>>) offsets(%dma_start3A_50 : memref<128xi32, #tpu.memory_space<vmem>>) semaphore(%arg10 : memref<!tpu.dma_semaphore, #tpu.memory_space<semaphore_mem>>)
      %dma_wait3A = arith.constant 0 : i32
      %dma_wait3A_54 = tpu.memref_slice %arg6[%scan3A_47, %dma_wait3A] : memref<40x128xi32, #tpu.memory_space<vmem>> -> memref<1x128xi32, #tpu.memory_space<vmem>>
      %dma_wait3A_55 = tpu.memref_squeeze %dma_wait3A_54 : memref<1x128xi32, #tpu.memory_space<vmem>> -> memref<128xi32, #tpu.memory_space<vmem>>
      %dma_wait3A_56 = arith.constant 0 : i32
      %dma_wait3A_57 = arith.constant 0 : i32
      %dma_wait3A_58 = tpu.memref_slice %arg4[%dma_wait3A_56, %dma_wait3A_57] : memref<10240x128xf32, #tpu.memory_space<hbm>> -> memref<10240x128xf32, #tpu.memory_space<hbm>>
      tpu.wait_indirect_dma semaphore(%arg10 : memref<!tpu.dma_semaphore, #tpu.memory_space<semaphore_mem>>) src(%dma_wait3A_58 : memref<10240x128xf32, #tpu.memory_space<hbm>>) dst(%arg8 : memref<128x128xf32, #tpu.memory_space<vmem>>)
      "tpu.region"() ({
        %run_scoped3A = tpu.sem_alloc : memref<!tpu.dma_semaphore, #tpu.memory_space<semaphore_mem>>
        %dma_start3A_60 = arith.constant 0 : i32
        %dma_start3A_61 = tpu.memref_slice %arg7[%scan3A_47, %dma_start3A_60] : memref<40x128xi32, #tpu.memory_space<vmem>> -> memref<1x128xi32, #tpu.memory_space<vmem>>
        %dma_start3A_62 = tpu.memref_squeeze %dma_start3A_61 : memref<1x128xi32, #tpu.memory_space<vmem>> -> memref<128xi32, #tpu.memory_space<vmem>>
        %dma_start3A_63 = arith.constant 0 : i32
        %dma_start3A_64 = arith.constant 0 : i32
        %dma_start3A_65 = tpu.memref_slice %arg9[%dma_start3A_63, %dma_start3A_64] : memref<10240x128xf32, #tpu.memory_space<vmem_shared>> -> memref<10240x128xf32, #tpu.memory_space<vmem_shared>>
        tpu.enqueue_indirect_dma source(%arg8 : memref<128x128xf32, #tpu.memory_space<vmem>>) target(%dma_start3A_65 : memref<10240x128xf32, #tpu.memory_space<vmem_shared>>) offsets(%dma_start3A_62 : memref<128xi32, #tpu.memory_space<vmem>>) semaphore(%run_scoped3A : memref<!tpu.dma_semaphore, #tpu.memory_space<semaphore_mem>>) {add = true}
        %dma_wait3A_66 = arith.constant 0 : i32
        %dma_wait3A_67 = tpu.memref_slice %arg7[%scan3A_47, %dma_wait3A_66] : memref<40x128xi32, #tpu.memory_space<vmem>> -> memref<1x128xi32, #tpu.memory_space<vmem>>
        %dma_wait3A_68 = tpu.memref_squeeze %dma_wait3A_67 : memref<1x128xi32, #tpu.memory_space<vmem>> -> memref<128xi32, #tpu.memory_space<vmem>>
        %dma_wait3A_69 = arith.constant 0 : i32
        %dma_wait3A_70 = arith.constant 0 : i32
        %dma_wait3A_71 = tpu.memref_slice %arg9[%dma_wait3A_69, %dma_wait3A_70] : memref<10240x128xf32, #tpu.memory_space<vmem_shared>> -> memref<10240x128xf32, #tpu.memory_space<vmem_shared>>
        tpu.wait_indirect_dma semaphore(%run_scoped3A : memref<!tpu.dma_semaphore, #tpu.memory_space<semaphore_mem>>) src(%arg8 : memref<128x128xf32, #tpu.memory_space<vmem>>) dst(%dma_wait3A_71 : memref<10240x128xf32, #tpu.memory_space<vmem_shared>>)
        tpu.yield
      }) : () -> ()
      %scan3A_59 = arith.constant 0 : i32
      scf.yield %scan3A_59 : i32
    }
    %scan3A_25 = arith.constant 40 : i32
    %barrier3A_26 = arith.constant 0 : index
    tpu.barrier barrier_id(%barrier3A_26)
    %add3A_27 = arith.constant 0 : i32
    %add3A_28 = arith.addi %mul3A_8, %add3A_27 : i32
    "tpu.region"() ({
      %run_scoped3A = tpu.sem_alloc : memref<!tpu.dma_semaphore, #tpu.memory_space<semaphore_mem>>
      %dma_start3A = arith.constant 0 : i32
      %dma_start3A_47 = tpu.memref_slice %arg9[%add3A_28, %dma_start3A] : memref<10240x128xf32, #tpu.memory_space<vmem_shared>> -> memref<128x128xf32, #tpu.memory_space<vmem_shared>>
      %dma_start3A_48 = arith.constant 0 : i32
      %dma_start3A_49 = tpu.memref_slice %arg9[%add3A_28, %dma_start3A_48] : memref<10240x128xf32, #tpu.memory_space<vmem_shared>> -> memref<128x128xf32, #tpu.memory_space<vmem_shared>>
      tpu.enqueue_dma source(%dma_start3A_49 : memref<128x128xf32, #tpu.memory_space<vmem_shared>>) target(%arg8 : memref<128x128xf32, #tpu.memory_space<vmem>>) target_semaphore(%run_scoped3A : memref<!tpu.dma_semaphore, #tpu.memory_space<semaphore_mem>>)
      %dma_wait3A = arith.constant 0 : i32
      %dma_wait3A_50 = tpu.memref_slice %arg9[%add3A_28, %dma_wait3A] : memref<10240x128xf32, #tpu.memory_space<vmem_shared>> -> memref<128x128xf32, #tpu.memory_space<vmem_shared>>
      %dma_wait3A_51 = arith.constant 0 : i32
      %dma_wait3A_52 = tpu.memref_slice %arg9[%add3A_28, %dma_wait3A_51] : memref<10240x128xf32, #tpu.memory_space<vmem_shared>> -> memref<128x128xf32, #tpu.memory_space<vmem_shared>>
      tpu.wait_dma2 semaphore(%run_scoped3A : memref<!tpu.dma_semaphore, #tpu.memory_space<semaphore_mem>>) src(%dma_wait3A_52 : memref<128x128xf32, #tpu.memory_space<vmem_shared>>) dst(%arg8 : memref<128x128xf32, #tpu.memory_space<vmem>>)
      tpu.yield
    }) : () -> ()
    %add3A_29 = arith.constant 0 : i32
    %add3A_30 = arith.addi %mul3A_8, %add3A_29 : i32
    "tpu.region"() ({
      %run_scoped3A = tpu.sem_alloc : memref<!tpu.dma_semaphore, #tpu.memory_space<semaphore_mem>>
      %dma_start3A = arith.constant 0 : i32
      %dma_start3A_47 = tpu.memref_slice %arg5[%arg0, %add3A_30, %dma_start3A] : memref<2x10240x128xf32, #tpu.memory_space<hbm>> -> memref<1x128x128xf32, #tpu.memory_space<hbm>>
      %dma_start3A_48 = tpu.memref_squeeze %dma_start3A_47 : memref<1x128x128xf32, #tpu.memory_space<hbm>> -> memref<128x128xf32, #tpu.memory_space<hbm>>
      %dma_start3A_49 = arith.constant 0 : i32
      %dma_start3A_50 = tpu.memref_slice %arg5[%arg0, %add3A_30, %dma_start3A_49] : memref<2x10240x128xf32, #tpu.memory_space<hbm>> -> memref<1x128x128xf32, #tpu.memory_space<hbm>>
      %dma_start3A_51 = tpu.memref_squeeze %dma_start3A_50 : memref<1x128x128xf32, #tpu.memory_space<hbm>> -> memref<128x128xf32, #tpu.memory_space<hbm>>
      tpu.enqueue_dma source(%arg8 : memref<128x128xf32, #tpu.memory_space<vmem>>) target(%dma_start3A_51 : memref<128x128xf32, #tpu.memory_space<hbm>>) target_semaphore(%run_scoped3A : memref<!tpu.dma_semaphore, #tpu.memory_space<semaphore_mem>>)
      %dma_wait3A = arith.constant 0 : i32
      %dma_wait3A_52 = tpu.memref_slice %arg5[%arg0, %add3A_30, %dma_wait3A] : memref<2x10240x128xf32, #tpu.memory_space<hbm>> -> memref<1x128x128xf32, #tpu.memory_space<hbm>>
      %dma_wait3A_53 = tpu.memref_squeeze %dma_wait3A_52 : memref<1x128x128xf32, #tpu.memory_space<hbm>> -> memref<128x128xf32, #tpu.memory_space<hbm>>
      %dma_wait3A_54 = arith.constant 0 : i32
      %dma_wait3A_55 = tpu.memref_slice %arg5[%arg0, %add3A_30, %dma_wait3A_54] : memref<2x10240x128xf32, #tpu.memory_space<hbm>> -> memref<1x128x128xf32, #tpu.memory_space<hbm>>
      %dma_wait3A_56 = tpu.memref_squeeze %dma_wait3A_55 : memref<1x128x128xf32, #tpu.memory_space<hbm>> -> memref<128x128xf32, #tpu.memory_space<hbm>>
      tpu.wait_dma2 semaphore(%run_scoped3A : memref<!tpu.dma_semaphore, #tpu.memory_space<semaphore_mem>>) src(%arg8 : memref<128x128xf32, #tpu.memory_space<vmem>>) dst(%dma_wait3A_56 : memref<128x128xf32, #tpu.memory_space<hbm>>)
      tpu.yield
    }) : () -> ()
    %add3A_31 = arith.constant 128 : i32
    %add3A_32 = arith.addi %mul3A_8, %add3A_31 : i32
    "tpu.region"() ({
      %run_scoped3A = tpu.sem_alloc : memref<!tpu.dma_semaphore, #tpu.memory_space<semaphore_mem>>
      %dma_start3A = arith.constant 0 : i32
      %dma_start3A_47 = tpu.memref_slice %arg9[%add3A_32, %dma_start3A] : memref<10240x128xf32, #tpu.memory_space<vmem_shared>> -> memref<128x128xf32, #tpu.memory_space<vmem_shared>>
      %dma_start3A_48 = arith.constant 0 : i32
      %dma_start3A_49 = tpu.memref_slice %arg9[%add3A_32, %dma_start3A_48] : memref<10240x128xf32, #tpu.memory_space<vmem_shared>> -> memref<128x128xf32, #tpu.memory_space<vmem_shared>>
      tpu.enqueue_dma source(%dma_start3A_49 : memref<128x128xf32, #tpu.memory_space<vmem_shared>>) target(%arg8 : memref<128x128xf32, #tpu.memory_space<vmem>>) target_semaphore(%run_scoped3A : memref<!tpu.dma_semaphore, #tpu.memory_space<semaphore_mem>>)
      %dma_wait3A = arith.constant 0 : i32
      %dma_wait3A_50 = tpu.memref_slice %arg9[%add3A_32, %dma_wait3A] : memref<10240x128xf32, #tpu.memory_space<vmem_shared>> -> memref<128x128xf32, #tpu.memory_space<vmem_shared>>
      %dma_wait3A_51 = arith.constant 0 : i32
      %dma_wait3A_52 = tpu.memref_slice %arg9[%add3A_32, %dma_wait3A_51] : memref<10240x128xf32, #tpu.memory_space<vmem_shared>> -> memref<128x128xf32, #tpu.memory_space<vmem_shared>>
      tpu.wait_dma2 semaphore(%run_scoped3A : memref<!tpu.dma_semaphore, #tpu.memory_space<semaphore_mem>>) src(%dma_wait3A_52 : memref<128x128xf32, #tpu.memory_space<vmem_shared>>) dst(%arg8 : memref<128x128xf32, #tpu.memory_space<vmem>>)
      tpu.yield
    }) : () -> ()
    %add3A_33 = arith.constant 128 : i32
    %add3A_34 = arith.addi %mul3A_8, %add3A_33 : i32
    "tpu.region"() ({
      %run_scoped3A = tpu.sem_alloc : memref<!tpu.dma_semaphore, #tpu.memory_space<semaphore_mem>>
      %dma_start3A = arith.constant 0 : i32
      %dma_start3A_47 = tpu.memref_slice %arg5[%arg0, %add3A_34, %dma_start3A] : memref<2x10240x128xf32, #tpu.memory_space<hbm>> -> memref<1x128x128xf32, #tpu.memory_space<hbm>>
      %dma_start3A_48 = tpu.memref_squeeze %dma_start3A_47 : memref<1x128x128xf32, #tpu.memory_space<hbm>> -> memref<128x128xf32, #tpu.memory_space<hbm>>
      %dma_start3A_49 = arith.constant 0 : i32
      %dma_start3A_50 = tpu.memref_slice %arg5[%arg0, %add3A_34, %dma_start3A_49] : memref<2x10240x128xf32, #tpu.memory_space<hbm>> -> memref<1x128x128xf32, #tpu.memory_space<hbm>>
      %dma_start3A_51 = tpu.memref_squeeze %dma_start3A_50 : memref<1x128x128xf32, #tpu.memory_space<hbm>> -> memref<128x128xf32, #tpu.memory_space<hbm>>
      tpu.enqueue_dma source(%arg8 : memref<128x128xf32, #tpu.memory_space<vmem>>) target(%dma_start3A_51 : memref<128x128xf32, #tpu.memory_space<hbm>>) target_semaphore(%run_scoped3A : memref<!tpu.dma_semaphore, #tpu.memory_space<semaphore_mem>>)
      %dma_wait3A = arith.constant 0 : i32
      %dma_wait3A_52 = tpu.memref_slice %arg5[%arg0, %add3A_34, %dma_wait3A] : memref<2x10240x128xf32, #tpu.memory_space<hbm>> -> memref<1x128x128xf32, #tpu.memory_space<hbm>>
      %dma_wait3A_53 = tpu.memref_squeeze %dma_wait3A_52 : memref<1x128x128xf32, #tpu.memory_space<hbm>> -> memref<128x128xf32, #tpu.memory_space<hbm>>
      %dma_wait3A_54 = arith.constant 0 : i32
      %dma_wait3A_55 = tpu.memref_slice %arg5[%arg0, %add3A_34, %dma_wait3A_54] : memref<2x10240x128xf32, #tpu.memory_space<hbm>> -> memref<1x128x128xf32, #tpu.memory_space<hbm>>
      %dma_wait3A_56 = tpu.memref_squeeze %dma_wait3A_55 : memref<1x128x128xf32, #tpu.memory_space<hbm>> -> memref<128x128xf32, #tpu.memory_space<hbm>>
      tpu.wait_dma2 semaphore(%run_scoped3A : memref<!tpu.dma_semaphore, #tpu.memory_space<semaphore_mem>>) src(%arg8 : memref<128x128xf32, #tpu.memory_space<vmem>>) dst(%dma_wait3A_56 : memref<128x128xf32, #tpu.memory_space<hbm>>)
      tpu.yield
    }) : () -> ()
    %add3A_35 = arith.constant 256 : i32
    %add3A_36 = arith.addi %mul3A_8, %add3A_35 : i32
    "tpu.region"() ({
      %run_scoped3A = tpu.sem_alloc : memref<!tpu.dma_semaphore, #tpu.memory_space<semaphore_mem>>
      %dma_start3A = arith.constant 0 : i32
      %dma_start3A_47 = tpu.memref_slice %arg9[%add3A_36, %dma_start3A] : memref<10240x128xf32, #tpu.memory_space<vmem_shared>> -> memref<128x128xf32, #tpu.memory_space<vmem_shared>>
      %dma_start3A_48 = arith.constant 0 : i32
      %dma_start3A_49 = tpu.memref_slice %arg9[%add3A_36, %dma_start3A_48] : memref<10240x128xf32, #tpu.memory_space<vmem_shared>> -> memref<128x128xf32, #tpu.memory_space<vmem_shared>>
      tpu.enqueue_dma source(%dma_start3A_49 : memref<128x128xf32, #tpu.memory_space<vmem_shared>>) target(%arg8 : memref<128x128xf32, #tpu.memory_space<vmem>>) target_semaphore(%run_scoped3A : memref<!tpu.dma_semaphore, #tpu.memory_space<semaphore_mem>>)
      %dma_wait3A = arith.constant 0 : i32
      %dma_wait3A_50 = tpu.memref_slice %arg9[%add3A_36, %dma_wait3A] : memref<10240x128xf32, #tpu.memory_space<vmem_shared>> -> memref<128x128xf32, #tpu.memory_space<vmem_shared>>
      %dma_wait3A_51 = arith.constant 0 : i32
      %dma_wait3A_52 = tpu.memref_slice %arg9[%add3A_36, %dma_wait3A_51] : memref<10240x128xf32, #tpu.memory_space<vmem_shared>> -> memref<128x128xf32, #tpu.memory_space<vmem_shared>>
      tpu.wait_dma2 semaphore(%run_scoped3A : memref<!tpu.dma_semaphore, #tpu.memory_space<semaphore_mem>>) src(%dma_wait3A_52 : memref<128x128xf32, #tpu.memory_space<vmem_shared>>) dst(%arg8 : memref<128x128xf32, #tpu.memory_space<vmem>>)
      tpu.yield
    }) : () -> ()
    %add3A_37 = arith.constant 256 : i32
    %add3A_38 = arith.addi %mul3A_8, %add3A_37 : i32
    "tpu.region"() ({
      %run_scoped3A = tpu.sem_alloc : memref<!tpu.dma_semaphore, #tpu.memory_space<semaphore_mem>>
      %dma_start3A = arith.constant 0 : i32
      %dma_start3A_47 = tpu.memref_slice %arg5[%arg0, %add3A_38, %dma_start3A] : memref<2x10240x128xf32, #tpu.memory_space<hbm>> -> memref<1x128x128xf32, #tpu.memory_space<hbm>>
      %dma_start3A_48 = tpu.memref_squeeze %dma_start3A_47 : memref<1x128x128xf32, #tpu.memory_space<hbm>> -> memref<128x128xf32, #tpu.memory_space<hbm>>
      %dma_start3A_49 = arith.constant 0 : i32
      %dma_start3A_50 = tpu.memref_slice %arg5[%arg0, %add3A_38, %dma_start3A_49] : memref<2x10240x128xf32, #tpu.memory_space<hbm>> -> memref<1x128x128xf32, #tpu.memory_space<hbm>>
      %dma_start3A_51 = tpu.memref_squeeze %dma_start3A_50 : memref<1x128x128xf32, #tpu.memory_space<hbm>> -> memref<128x128xf32, #tpu.memory_space<hbm>>
      tpu.enqueue_dma source(%arg8 : memref<128x128xf32, #tpu.memory_space<vmem>>) target(%dma_start3A_51 : memref<128x128xf32, #tpu.memory_space<hbm>>) target_semaphore(%run_scoped3A : memref<!tpu.dma_semaphore, #tpu.memory_space<semaphore_mem>>)
      %dma_wait3A = arith.constant 0 : i32
      %dma_wait3A_52 = tpu.memref_slice %arg5[%arg0, %add3A_38, %dma_wait3A] : memref<2x10240x128xf32, #tpu.memory_space<hbm>> -> memref<1x128x128xf32, #tpu.memory_space<hbm>>
      %dma_wait3A_53 = tpu.memref_squeeze %dma_wait3A_52 : memref<1x128x128xf32, #tpu.memory_space<hbm>> -> memref<128x128xf32, #tpu.memory_space<hbm>>
      %dma_wait3A_54 = arith.constant 0 : i32
      %dma_wait3A_55 = tpu.memref_slice %arg5[%arg0, %add3A_38, %dma_wait3A_54] : memref<2x10240x128xf32, #tpu.memory_space<hbm>> -> memref<1x128x128xf32, #tpu.memory_space<hbm>>
      %dma_wait3A_56 = tpu.memref_squeeze %dma_wait3A_55 : memref<1x128x128xf32, #tpu.memory_space<hbm>> -> memref<128x128xf32, #tpu.memory_space<hbm>>
      tpu.wait_dma2 semaphore(%run_scoped3A : memref<!tpu.dma_semaphore, #tpu.memory_space<semaphore_mem>>) src(%arg8 : memref<128x128xf32, #tpu.memory_space<vmem>>) dst(%dma_wait3A_56 : memref<128x128xf32, #tpu.memory_space<hbm>>)
      tpu.yield
    }) : () -> ()
    %add3A_39 = arith.constant 384 : i32
    %add3A_40 = arith.addi %mul3A_8, %add3A_39 : i32
    "tpu.region"() ({
      %run_scoped3A = tpu.sem_alloc : memref<!tpu.dma_semaphore, #tpu.memory_space<semaphore_mem>>
      %dma_start3A = arith.constant 0 : i32
      %dma_start3A_47 = tpu.memref_slice %arg9[%add3A_40, %dma_start3A] : memref<10240x128xf32, #tpu.memory_space<vmem_shared>> -> memref<128x128xf32, #tpu.memory_space<vmem_shared>>
      %dma_start3A_48 = arith.constant 0 : i32
      %dma_start3A_49 = tpu.memref_slice %arg9[%add3A_40, %dma_start3A_48] : memref<10240x128xf32, #tpu.memory_space<vmem_shared>> -> memref<128x128xf32, #tpu.memory_space<vmem_shared>>
      tpu.enqueue_dma source(%dma_start3A_49 : memref<128x128xf32, #tpu.memory_space<vmem_shared>>) target(%arg8 : memref<128x128xf32, #tpu.memory_space<vmem>>) target_semaphore(%run_scoped3A : memref<!tpu.dma_semaphore, #tpu.memory_space<semaphore_mem>>)
      %dma_wait3A = arith.constant 0 : i32
      %dma_wait3A_50 = tpu.memref_slice %arg9[%add3A_40, %dma_wait3A] : memref<10240x128xf32, #tpu.memory_space<vmem_shared>> -> memref<128x128xf32, #tpu.memory_space<vmem_shared>>
      %dma_wait3A_51 = arith.constant 0 : i32
      %dma_wait3A_52 = tpu.memref_slice %arg9[%add3A_40, %dma_wait3A_51] : memref<10240x128xf32, #tpu.memory_space<vmem_shared>> -> memref<128x128xf32, #tpu.memory_space<vmem_shared>>
      tpu.wait_dma2 semaphore(%run_scoped3A : memref<!tpu.dma_semaphore, #tpu.memory_space<semaphore_mem>>) src(%dma_wait3A_52 : memref<128x128xf32, #tpu.memory_space<vmem_shared>>) dst(%arg8 : memref<128x128xf32, #tpu.memory_space<vmem>>)
      tpu.yield
    }) : () -> ()
    %add3A_41 = arith.constant 384 : i32
    %add3A_42 = arith.addi %mul3A_8, %add3A_41 : i32
    "tpu.region"() ({
      %run_scoped3A = tpu.sem_alloc : memref<!tpu.dma_semaphore, #tpu.memory_space<semaphore_mem>>
      %dma_start3A = arith.constant 0 : i32
      %dma_start3A_47 = tpu.memref_slice %arg5[%arg0, %add3A_42, %dma_start3A] : memref<2x10240x128xf32, #tpu.memory_space<hbm>> -> memref<1x128x128xf32, #tpu.memory_space<hbm>>
      %dma_start3A_48 = tpu.memref_squeeze %dma_start3A_47 : memref<1x128x128xf32, #tpu.memory_space<hbm>> -> memref<128x128xf32, #tpu.memory_space<hbm>>
      %dma_start3A_49 = arith.constant 0 : i32
      %dma_start3A_50 = tpu.memref_slice %arg5[%arg0, %add3A_42, %dma_start3A_49] : memref<2x10240x128xf32, #tpu.memory_space<hbm>> -> memref<1x128x128xf32, #tpu.memory_space<hbm>>
      %dma_start3A_51 = tpu.memref_squeeze %dma_start3A_50 : memref<1x128x128xf32, #tpu.memory_space<hbm>> -> memref<128x128xf32, #tpu.memory_space<hbm>>
      tpu.enqueue_dma source(%arg8 : memref<128x128xf32, #tpu.memory_space<vmem>>) target(%dma_start3A_51 : memref<128x128xf32, #tpu.memory_space<hbm>>) target_semaphore(%run_scoped3A : memref<!tpu.dma_semaphore, #tpu.memory_space<semaphore_mem>>)
      %dma_wait3A = arith.constant 0 : i32
      %dma_wait3A_52 = tpu.memref_slice %arg5[%arg0, %add3A_42, %dma_wait3A] : memref<2x10240x128xf32, #tpu.memory_space<hbm>> -> memref<1x128x128xf32, #tpu.memory_space<hbm>>
      %dma_wait3A_53 = tpu.memref_squeeze %dma_wait3A_52 : memref<1x128x128xf32, #tpu.memory_space<hbm>> -> memref<128x128xf32, #tpu.memory_space<hbm>>
      %dma_wait3A_54 = arith.constant 0 : i32
      %dma_wait3A_55 = tpu.memref_slice %arg5[%arg0, %add3A_42, %dma_wait3A_54] : memref<2x10240x128xf32, #tpu.memory_space<hbm>> -> memref<1x128x128xf32, #tpu.memory_space<hbm>>
      %dma_wait3A_56 = tpu.memref_squeeze %dma_wait3A_55 : memref<1x128x128xf32, #tpu.memory_space<hbm>> -> memref<128x128xf32, #tpu.memory_space<hbm>>
      tpu.wait_dma2 semaphore(%run_scoped3A : memref<!tpu.dma_semaphore, #tpu.memory_space<semaphore_mem>>) src(%arg8 : memref<128x128xf32, #tpu.memory_space<vmem>>) dst(%dma_wait3A_56 : memref<128x128xf32, #tpu.memory_space<hbm>>)
      tpu.yield
    }) : () -> ()
    %add3A_43 = arith.constant 512 : i32
    %add3A_44 = arith.addi %mul3A_8, %add3A_43 : i32
    "tpu.region"() ({
      %run_scoped3A = tpu.sem_alloc : memref<!tpu.dma_semaphore, #tpu.memory_space<semaphore_mem>>
      %dma_start3A = arith.constant 0 : i32
      %dma_start3A_47 = tpu.memref_slice %arg9[%add3A_44, %dma_start3A] : memref<10240x128xf32, #tpu.memory_space<vmem_shared>> -> memref<128x128xf32, #tpu.memory_space<vmem_shared>>
      %dma_start3A_48 = arith.constant 0 : i32
      %dma_start3A_49 = tpu.memref_slice %arg9[%add3A_44, %dma_start3A_48] : memref<10240x128xf32, #tpu.memory_space<vmem_shared>> -> memref<128x128xf32, #tpu.memory_space<vmem_shared>>
      tpu.enqueue_dma source(%dma_start3A_49 : memref<128x128xf32, #tpu.memory_space<vmem_shared>>) target(%arg8 : memref<128x128xf32, #tpu.memory_space<vmem>>) target_semaphore(%run_scoped3A : memref<!tpu.dma_semaphore, #tpu.memory_space<semaphore_mem>>)
      %dma_wait3A = arith.constant 0 : i32
      %dma_wait3A_50 = tpu.memref_slice %arg9[%add3A_44, %dma_wait3A] : memref<10240x128xf32, #tpu.memory_space<vmem_shared>> -> memref<128x128xf32, #tpu.memory_space<vmem_shared>>
      %dma_wait3A_51 = arith.constant 0 : i32
      %dma_wait3A_52 = tpu.memref_slice %arg9[%add3A_44, %dma_wait3A_51] : memref<10240x128xf32, #tpu.memory_space<vmem_shared>> -> memref<128x128xf32, #tpu.memory_space<vmem_shared>>
      tpu.wait_dma2 semaphore(%run_scoped3A : memref<!tpu.dma_semaphore, #tpu.memory_space<semaphore_mem>>) src(%dma_wait3A_52 : memref<128x128xf32, #tpu.memory_space<vmem_shared>>) dst(%arg8 : memref<128x128xf32, #tpu.memory_space<vmem>>)
      tpu.yield
    }) : () -> ()
    %add3A_45 = arith.constant 512 : i32
    %add3A_46 = arith.addi %mul3A_8, %add3A_45 : i32
    "tpu.region"() ({
      %run_scoped3A = tpu.sem_alloc : memref<!tpu.dma_semaphore, #tpu.memory_space<semaphore_mem>>
      %dma_start3A = arith.constant 0 : i32
      %dma_start3A_47 = tpu.memref_slice %arg5[%arg0, %add3A_46, %dma_start3A] : memref<2x10240x128xf32, #tpu.memory_space<hbm>> -> memref<1x128x128xf32, #tpu.memory_space<hbm>>
      %dma_start3A_48 = tpu.memref_squeeze %dma_start3A_47 : memref<1x128x128xf32, #tpu.memory_space<hbm>> -> memref<128x128xf32, #tpu.memory_space<hbm>>
      %dma_start3A_49 = arith.constant 0 : i32
      %dma_start3A_50 = tpu.memref_slice %arg5[%arg0, %add3A_46, %dma_start3A_49] : memref<2x10240x128xf32, #tpu.memory_space<hbm>> -> memref<1x128x128xf32, #tpu.memory_space<hbm>>
      %dma_start3A_51 = tpu.memref_squeeze %dma_start3A_50 : memref<1x128x128xf32, #tpu.memory_space<hbm>> -> memref<128x128xf32, #tpu.memory_space<hbm>>
      tpu.enqueue_dma source(%arg8 : memref<128x128xf32, #tpu.memory_space<vmem>>) target(%dma_start3A_51 : memref<128x128xf32, #tpu.memory_space<hbm>>) target_semaphore(%run_scoped3A : memref<!tpu.dma_semaphore, #tpu.memory_space<semaphore_mem>>)
      %dma_wait3A = arith.constant 0 : i32
      %dma_wait3A_52 = tpu.memref_slice %arg5[%arg0, %add3A_46, %dma_wait3A] : memref<2x10240x128xf32, #tpu.memory_space<hbm>> -> memref<1x128x128xf32, #tpu.memory_space<hbm>>
      %dma_wait3A_53 = tpu.memref_squeeze %dma_wait3A_52 : memref<1x128x128xf32, #tpu.memory_space<hbm>> -> memref<128x128xf32, #tpu.memory_space<hbm>>
      %dma_wait3A_54 = arith.constant 0 : i32
      %dma_wait3A_55 = tpu.memref_slice %arg5[%arg0, %add3A_46, %dma_wait3A_54] : memref<2x10240x128xf32, #tpu.memory_space<hbm>> -> memref<1x128x128xf32, #tpu.memory_space<hbm>>
      %dma_wait3A_56 = tpu.memref_squeeze %dma_wait3A_55 : memref<1x128x128xf32, #tpu.memory_space<hbm>> -> memref<128x128xf32, #tpu.memory_space<hbm>>
      tpu.wait_dma2 semaphore(%run_scoped3A : memref<!tpu.dma_semaphore, #tpu.memory_space<semaphore_mem>>) src(%arg8 : memref<128x128xf32, #tpu.memory_space<vmem>>) dst(%dma_wait3A_56 : memref<128x128xf32, #tpu.memory_space<hbm>>)
      tpu.yield
    }) : () -> ()
    return
  }
}

module attributes {stable_mosaic.version = 14 : i64} {
  func.func @_tc_proj_body(%arg0: i32, %arg1: memref<1280x128xf32, #tpu.memory_space<vmem>>, %arg2: memref<128x128xf32, #tpu.memory_space<vmem>>, %arg3: memref<1280x128xf32, #tpu.memory_space<vmem>>) attributes {dimension_semantics = [#tpu.dimension_semantics<arbitrary>], iteration_bounds = array<i64: 8>, scalar_prefetch = 0 : i64, scratch_operands = 0 : i64, tpu.core_type = #tpu.core_type<tc>, window_params = [{transform_indices = @transform_0, window_bounds = array<i64: 1280, 128>}, {pipeline_mode = #tpu.pipeline_mode<synchronous>, transform_indices = @transform_1, window_bounds = array<i64: 128, 128>}, {transform_indices = @transform_2, window_bounds = array<i64: 1280, 128>}]} {
    %get3A = arith.constant 0 : index
    %get3A_0 = arith.constant 0 : index
    %get3A_1 = vector.load %arg1[%get3A, %get3A_0] : memref<1280x128xf32, #tpu.memory_space<vmem>>, vector<1280x128xf32>
    %get3A_2 = arith.constant 0 : index
    %get3A_3 = arith.constant 0 : index
    %get3A_4 = vector.load %arg2[%get3A_2, %get3A_3] : memref<128x128xf32, #tpu.memory_space<vmem>>, vector<128x128xf32>
    %dot_general3A = arith.constant dense<0.000000e+00> : vector<1280x128xf32>
    %dot_general3A_5 = tpu.matmul %get3A_1, %get3A_4, %dot_general3A {dimension_numbers = #tpu.dot_dimension_numbers<[1], [0], [0], [1], [0, 0, 1, 1], [], []>, transpose_lhs_hint = false} : vector<1280x128xf32>, vector<128x128xf32>, vector<1280x128xf32> -> vector<1280x128xf32>
    %swap3A = arith.constant 0 : index
    %swap3A_6 = arith.constant 0 : index
    %swap3A_7 = vector.load %arg3[%swap3A, %swap3A_6] : memref<1280x128xf32, #tpu.memory_space<vmem>>, vector<1280x128xf32>
    tpu.vector_store %arg3[%swap3A, %swap3A_6], %dot_general3A_5 {strides = array<i32>} : memref<1280x128xf32, #tpu.memory_space<vmem>>, vector<1280x128xf32>,
    return
  }
  func.func @transform_0(%arg0: i32) -> (i32, i32) {
    %c0_i32 = arith.constant 0 : i32
    %c0_i32_0 = arith.constant 0 : i32
    return %arg0, %c0_i32 : i32, i32
  }
  func.func @transform_1(%arg0: i32) -> (i32, i32) {
    %c0_i32 = arith.constant 0 : i32
    %c0_i32_0 = arith.constant 0 : i32
    %c0_i32_1 = arith.constant 0 : i32
    return %c0_i32, %c0_i32_0 : i32, i32
  }
  func.func @transform_2(%arg0: i32) -> (i32, i32) {
    %c0_i32 = arith.constant 0 : i32
    %c0_i32_0 = arith.constant 0 : i32
    return %arg0, %c0_i32 : i32, i32
  }
}

module attributes {stable_mosaic.version = 14 : i64} {
  func.func @_tc_gate_body(%arg0: i32, %arg1: memref<2x1280x16xf32, #tpu.memory_space<vmem>>, %arg2: memref<1280x128xf32, #tpu.memory_space<vmem>>, %arg3: memref<1280x2xf32, #tpu.memory_space<vmem>>) attributes {dimension_semantics = [#tpu.dimension_semantics<arbitrary>], iteration_bounds = array<i64: 8>, scalar_prefetch = 0 : i64, scratch_operands = 0 : i64, tpu.core_type = #tpu.core_type<tc>, window_params = [{transform_indices = @transform_0, window_bounds = array<i64: 2, 1280, 16>}, {transform_indices = @transform_1, window_bounds = array<i64: 1280, 128>}, {transform_indices = @transform_2, window_bounds = array<i64: 1280, 2>}]} {
    %get3A = arith.constant 0 : index
    %get3A_0 = arith.constant 0 : index
    %get3A_1 = arith.constant 0 : index
    %get3A_2 = vector.load %arg1[%get3A, %get3A_0, %get3A_1] : memref<2x1280x16xf32, #tpu.memory_space<vmem>>, vector<1x1280x1xf32>
    %get3A_3 = vector.shape_cast %get3A_2 : vector<1x1280x1xf32> to vector<1280x1xf32>
    %get3A_4 = arith.constant 1 : index
    %get3A_5 = arith.constant 0 : index
    %get3A_6 = arith.constant 0 : index
    %get3A_7 = vector.load %arg1[%get3A_4, %get3A_5, %get3A_6] : memref<2x1280x16xf32, #tpu.memory_space<vmem>>, vector<1x1280x1xf32>
    %get3A_8 = vector.shape_cast %get3A_7 : vector<1x1280x1xf32> to vector<1280x1xf32>
    %add3A = arith.addf %get3A_3, %get3A_8 : vector<1280x1xf32>
    %add3A_9 = arith.constant 1.000000e+00 : f32
    %add3A_10 = vector.broadcast %add3A_9 : f32 to vector<1280x1xf32>
    %add3A_11 = arith.addf %add3A, %add3A_10 : vector<1280x1xf32>
    %rsqrt3A = math.rsqrt %add3A_11 : vector<1280x1xf32>
    %get3A_12 = arith.constant 0 : index
    %get3A_13 = arith.constant 64 : index
    %get3A_14 = vector.load %arg2[%get3A_12, %get3A_13] : memref<1280x128xf32, #tpu.memory_space<vmem>>, vector<1280x2xf32>
    %mul3A = vector.broadcast %rsqrt3A : vector<1280x1xf32> to vector<1280x2xf32>
    %mul3A_15 = arith.mulf %mul3A, %get3A_14 : vector<1280x2xf32>
    %swap3A = arith.constant 0 : index
    %swap3A_16 = arith.constant 0 : index
    %swap3A_17 = vector.load %arg3[%swap3A, %swap3A_16] : memref<1280x2xf32, #tpu.memory_space<vmem>>, vector<1280x2xf32>
    tpu.vector_store %arg3[%swap3A, %swap3A_16], %mul3A_15 {strides = array<i32>} : memref<1280x2xf32, #tpu.memory_space<vmem>>, vector<1280x2xf32>,
    return
  }
  func.func @transform_0(%arg0: i32) -> (i32, i32, i32) {
    %c0_i32 = arith.constant 0 : i32
    %c0_i32_0 = arith.constant 0 : i32
    %c0_i32_1 = arith.constant 0 : i32
    return %c0_i32, %arg0, %c0_i32_0 : i32, i32, i32
  }
  func.func @transform_1(%arg0: i32) -> (i32, i32) {
    %c0_i32 = arith.constant 0 : i32
    %c0_i32_0 = arith.constant 0 : i32
    return %arg0, %c0_i32 : i32, i32
  }
  func.func @transform_2(%arg0: i32) -> (i32, i32) {
    %c0_i32 = arith.constant 0 : i32
    %c0_i32_0 = arith.constant 0 : i32
    return %arg0, %c0_i32 : i32, i32
  }
}

module attributes {stable_mosaic.version = 14 : i64} {
  func.func @_tc_z_body(%arg0: i32, %arg1: memref<2x1280x16xf32, #tpu.memory_space<vmem>>, %arg2: memref<2x1280x16xf32, #tpu.memory_space<vmem>>, %arg3: memref<1280x128xf32, #tpu.memory_space<vmem>>, %arg4: memref<1280x128xf32, #tpu.memory_space<vmem>>, %arg5: memref<1280x16xf32, #tpu.memory_space<vmem>>) attributes {dimension_semantics = [#tpu.dimension_semantics<arbitrary>], iteration_bounds = array<i64: 8>, scalar_prefetch = 0 : i64, scratch_operands = 0 : i64, tpu.core_type = #tpu.core_type<tc>, window_params = [{transform_indices = @transform_0, window_bounds = array<i64: 2, 1280, 16>}, {transform_indices = @transform_1, window_bounds = array<i64: 2, 1280, 16>}, {transform_indices = @transform_2, window_bounds = array<i64: 1280, 128>}, {transform_indices = @transform_3, window_bounds = array<i64: 1280, 128>}, {transform_indices = @transform_4, window_bounds = array<i64: 1280, 16>}]} {
    %get3A = arith.constant 0 : index
    %get3A_0 = arith.constant 0 : index
    %get3A_1 = arith.constant 0 : index
    %get3A_2 = vector.load %arg1[%get3A, %get3A_0, %get3A_1] : memref<2x1280x16xf32, #tpu.memory_space<vmem>>, vector<1x1280x1xf32>
    %get3A_3 = vector.shape_cast %get3A_2 : vector<1x1280x1xf32> to vector<1280x1xf32>
    %get3A_4 = arith.constant 1 : index
    %get3A_5 = arith.constant 0 : index
    %get3A_6 = arith.constant 0 : index
    %get3A_7 = vector.load %arg1[%get3A_4, %get3A_5, %get3A_6] : memref<2x1280x16xf32, #tpu.memory_space<vmem>>, vector<1x1280x1xf32>
    %get3A_8 = vector.shape_cast %get3A_7 : vector<1x1280x1xf32> to vector<1280x1xf32>
    %add3A = arith.addf %get3A_3, %get3A_8 : vector<1280x1xf32>
    %add3A_9 = arith.constant 1.000000e+00 : f32
    %add3A_10 = vector.broadcast %add3A_9 : f32 to vector<1280x1xf32>
    %add3A_11 = arith.addf %add3A, %add3A_10 : vector<1280x1xf32>
    %rsqrt3A = math.rsqrt %add3A_11 : vector<1280x1xf32>
    %get3A_12 = arith.constant 0 : index
    %get3A_13 = arith.constant 64 : index
    %get3A_14 = vector.load %arg3[%get3A_12, %get3A_13] : memref<1280x128xf32, #tpu.memory_space<vmem>>, vector<1280x2xf32>
    %get3A_15 = arith.constant 0 : index
    %get3A_16 = arith.constant 0 : index
    %get3A_17 = arith.constant 0 : index
    %get3A_18 = vector.load %arg2[%get3A_15, %get3A_16, %get3A_17] : memref<2x1280x16xf32, #tpu.memory_space<vmem>>, vector<1x1280x2xf32>
    %get3A_19 = vector.shape_cast %get3A_18 : vector<1x1280x2xf32> to vector<1280x2xf32>
    %get3A_20 = arith.constant 1 : index
    %get3A_21 = arith.constant 0 : index
    %get3A_22 = arith.constant 0 : index
    %get3A_23 = vector.load %arg2[%get3A_20, %get3A_21, %get3A_22] : memref<2x1280x16xf32, #tpu.memory_space<vmem>>, vector<1x1280x2xf32>
    %get3A_24 = vector.shape_cast %get3A_23 : vector<1x1280x2xf32> to vector<1280x2xf32>
    %add3A_25 = arith.addf %get3A_19, %get3A_24 : vector<1280x2xf32>
    %mul3A = vector.broadcast %rsqrt3A : vector<1280x1xf32> to vector<1280x2xf32>
    %mul3A_26 = arith.mulf %mul3A, %add3A_25 : vector<1280x2xf32>
    %mul3A_27 = arith.mulf %rsqrt3A, %rsqrt3A : vector<1280x1xf32>
    %mul3A_28 = vector.broadcast %mul3A_27 : vector<1280x1xf32> to vector<1280x2xf32>
    %mul3A_29 = arith.mulf %mul3A_28, %get3A_14 : vector<1280x2xf32>
    %add3A_30 = arith.addf %mul3A_26, %mul3A_29 : vector<1280x2xf32>
    %neg3A = arith.constant 0.000000e+00 : f32
    %neg3A_31 = vector.broadcast %neg3A : f32 to vector<1280x2xf32>
    %neg3A_32 = arith.subf %neg3A_31, %add3A_30 : vector<1280x2xf32>
    %exp3A = math.exp %neg3A_32 : vector<1280x2xf32>
    %add3A_33 = arith.constant 1.000000e+00 : f32
    %add3A_34 = vector.broadcast %add3A_33 : f32 to vector<1280x2xf32>
    %add3A_35 = arith.addf %add3A_34, %exp3A : vector<1280x2xf32>
    %div3A = arith.constant 1.000000e+00 : f32
    %div3A_36 = vector.broadcast %div3A : f32 to vector<1280x2xf32>
    %div3A_37 = arith.divf %div3A_36, %add3A_35 : vector<1280x2xf32>
    %mul3A_38 = arith.mulf %div3A_37, %div3A_37 : vector<1280x2xf32>
    %get3A_39 = arith.constant 0 : index
    %get3A_40 = arith.constant 0 : index
    %get3A_41 = vector.load %arg3[%get3A_39, %get3A_40] : memref<1280x128xf32, #tpu.memory_space<vmem>>, vector<1280x64xf32>
    %slice3A = vector.extract_strided_slice %mul3A_38 {offsets = [0, 0], sizes = [1280, 1], strides = [1, 1]} : vector<1280x2xf32> to vector<1280x1xf32>
    %mul3A_42 = vector.broadcast %slice3A : vector<1280x1xf32> to vector<1280x64xf32>
    %mul3A_43 = arith.mulf %mul3A_42, %get3A_41 : vector<1280x64xf32>
    %slice3A_44 = vector.extract_strided_slice %mul3A_38 {offsets = [0, 1], sizes = [1280, 1], strides = [1, 1]} : vector<1280x2xf32> to vector<1280x1xf32>
    %mul3A_45 = vector.broadcast %slice3A_44 : vector<1280x1xf32> to vector<1280x64xf32>
    %mul3A_46 = arith.mulf %mul3A_45, %get3A_41 : vector<1280x64xf32>
    %concatenate3A = tpu.concatenate %mul3A_43, %mul3A_46 in 1 : vector<1280x64xf32>, vector<1280x64xf32> -> vector<1280x128xf32>
    %swap3A = arith.constant 0 : index
    %swap3A_47 = arith.constant 0 : index
    %swap3A_48 = vector.load %arg4[%swap3A, %swap3A_47] : memref<1280x128xf32, #tpu.memory_space<vmem>>, vector<1280x128xf32>
    tpu.vector_store %arg4[%swap3A, %swap3A_47], %concatenate3A {strides = array<i32>} : memref<1280x128xf32, #tpu.memory_space<vmem>>, vector<1280x128xf32>,
    %broadcast_in_dim3A = arith.constant 0.000000e+00 : f32
    %broadcast_in_dim3A_49 = vector.broadcast %broadcast_in_dim3A : f32 to vector<1280x14xf32>
    %concatenate3A_50 = tpu.concatenate %div3A_37, %broadcast_in_dim3A_49 in 1 : vector<1280x2xf32>, vector<1280x14xf32> -> vector<1280x16xf32>
    %swap3A_51 = arith.constant 0 : index
    %swap3A_52 = arith.constant 0 : index
    %swap3A_53 = vector.load %arg5[%swap3A_51, %swap3A_52] : memref<1280x16xf32, #tpu.memory_space<vmem>>, vector<1280x16xf32>
    tpu.vector_store %arg5[%swap3A_51, %swap3A_52], %concatenate3A_50 {strides = array<i32>} : memref<1280x16xf32, #tpu.memory_space<vmem>>, vector<1280x16xf32>,
    return
  }
  func.func @transform_0(%arg0: i32) -> (i32, i32, i32) {
    %c0_i32 = arith.constant 0 : i32
    %c0_i32_0 = arith.constant 0 : i32
    %c0_i32_1 = arith.constant 0 : i32
    return %c0_i32, %arg0, %c0_i32_0 : i32, i32, i32
  }
  func.func @transform_1(%arg0: i32) -> (i32, i32, i32) {
    %c0_i32 = arith.constant 0 : i32
    %c0_i32_0 = arith.constant 0 : i32
    %c0_i32_1 = arith.constant 0 : i32
    return %c0_i32, %arg0, %c0_i32_0 : i32, i32, i32
  }
  func.func @transform_2(%arg0: i32) -> (i32, i32) {
    %c0_i32 = arith.constant 0 : i32
    %c0_i32_0 = arith.constant 0 : i32
    return %arg0, %c0_i32 : i32, i32
  }
  func.func @transform_3(%arg0: i32) -> (i32, i32) {
    %c0_i32 = arith.constant 0 : i32
    %c0_i32_0 = arith.constant 0 : i32
    return %arg0, %c0_i32 : i32, i32
  }
  func.func @transform_4(%arg0: i32) -> (i32, i32) {
    %c0_i32 = arith.constant 0 : i32
    %c0_i32_0 = arith.constant 0 : i32
    return %arg0, %c0_i32 : i32, i32
  }
}

module attributes {stable_mosaic.version = 14 : i64} {
  func.func @_tc_out_body(%arg0: i32, %arg1: memref<2x1280x128xf32, #tpu.memory_space<vmem>>, %arg2: memref<1280x16xf32, #tpu.memory_space<vmem>>, %arg3: memref<1280x64xf32, #tpu.memory_space<vmem>>) attributes {dimension_semantics = [#tpu.dimension_semantics<arbitrary>], iteration_bounds = array<i64: 8>, scalar_prefetch = 0 : i64, scratch_operands = 0 : i64, tpu.core_type = #tpu.core_type<tc>, window_params = [{transform_indices = @transform_0, window_bounds = array<i64: 2, 1280, 128>}, {transform_indices = @transform_1, window_bounds = array<i64: 1280, 16>}, {transform_indices = @transform_2, window_bounds = array<i64: 1280, 64>}]} {
    %get3A = arith.constant 0 : index
    %get3A_0 = arith.constant 0 : index
    %get3A_1 = arith.constant 0 : index
    %get3A_2 = vector.load %arg1[%get3A, %get3A_0, %get3A_1] : memref<2x1280x128xf32, #tpu.memory_space<vmem>>, vector<1x1280x64xf32>
    %get3A_3 = vector.shape_cast %get3A_2 : vector<1x1280x64xf32> to vector<1280x64xf32>
    %get3A_4 = arith.constant 1 : index
    %get3A_5 = arith.constant 0 : index
    %get3A_6 = arith.constant 0 : index
    %get3A_7 = vector.load %arg1[%get3A_4, %get3A_5, %get3A_6] : memref<2x1280x128xf32, #tpu.memory_space<vmem>>, vector<1x1280x64xf32>
    %get3A_8 = vector.shape_cast %get3A_7 : vector<1x1280x64xf32> to vector<1280x64xf32>
    %add3A = arith.addf %get3A_3, %get3A_8 : vector<1280x64xf32>
    %get3A_9 = arith.constant 0 : index
    %get3A_10 = arith.constant 0 : index
    %get3A_11 = arith.constant 64 : index
    %get3A_12 = vector.load %arg1[%get3A_9, %get3A_10, %get3A_11] : memref<2x1280x128xf32, #tpu.memory_space<vmem>>, vector<1x1280x64xf32>
    %get3A_13 = vector.shape_cast %get3A_12 : vector<1x1280x64xf32> to vector<1280x64xf32>
    %get3A_14 = arith.constant 1 : index
    %get3A_15 = arith.constant 0 : index
    %get3A_16 = arith.constant 64 : index
    %get3A_17 = vector.load %arg1[%get3A_14, %get3A_15, %get3A_16] : memref<2x1280x128xf32, #tpu.memory_space<vmem>>, vector<1x1280x64xf32>
    %get3A_18 = vector.shape_cast %get3A_17 : vector<1x1280x64xf32> to vector<1280x64xf32>
    %add3A_19 = arith.addf %get3A_13, %get3A_18 : vector<1280x64xf32>
    %get3A_20 = arith.constant 0 : index
    %get3A_21 = arith.constant 0 : index
    %get3A_22 = vector.load %arg2[%get3A_20, %get3A_21] : memref<1280x16xf32, #tpu.memory_space<vmem>>, vector<1280x1xf32>
    %mul3A = vector.broadcast %get3A_22 : vector<1280x1xf32> to vector<1280x64xf32>
    %mul3A_23 = arith.mulf %mul3A, %add3A : vector<1280x64xf32>
    %get3A_24 = arith.constant 0 : index
    %get3A_25 = arith.constant 1 : index
    %get3A_26 = vector.load %arg2[%get3A_24, %get3A_25] : memref<1280x16xf32, #tpu.memory_space<vmem>>, vector<1280x1xf32>
    %mul3A_27 = vector.broadcast %get3A_26 : vector<1280x1xf32> to vector<1280x64xf32>
    %mul3A_28 = arith.mulf %mul3A_27, %add3A_19 : vector<1280x64xf32>
    %add3A_29 = arith.addf %mul3A_23, %mul3A_28 : vector<1280x64xf32>
    %mul3A_30 = arith.constant 5.000000e-01 : f32
    %mul3A_31 = vector.broadcast %mul3A_30 : f32 to vector<1280x64xf32>
    %mul3A_32 = arith.mulf %mul3A_31, %add3A_29 : vector<1280x64xf32>
    %reduce_max3A = arith.constant dense<0xFF800000> : vector<1280xf32>
    %reduce_max3A_33 = vector.multi_reduction <maximumf>, %mul3A_32, %reduce_max3A [1] : vector<1280x64xf32> to vector<1280xf32>
    %broadcast_in_dim3A = vector.shape_cast %reduce_max3A_33 : vector<1280xf32> to vector<1280x1xf32>
    %sub3A = vector.broadcast %broadcast_in_dim3A : vector<1280x1xf32> to vector<1280x64xf32>
    %sub3A_34 = arith.subf %mul3A_32, %sub3A : vector<1280x64xf32>
    %exp3A = math.exp %sub3A_34 : vector<1280x64xf32>
    %reduce_sum3A = arith.constant dense<0.000000e+00> : vector<1280xf32>
    %reduce_sum3A_35 = vector.multi_reduction <add>, %exp3A, %reduce_sum3A [1] : vector<1280x64xf32> to vector<1280xf32>
    %broadcast_in_dim3A_36 = vector.shape_cast %reduce_sum3A_35 : vector<1280xf32> to vector<1280x1xf32>
    %log3A = math.log %broadcast_in_dim3A_36 : vector<1280x1xf32>
    %add3A_37 = arith.addf %log3A, %broadcast_in_dim3A : vector<1280x1xf32>
    %sub3A_38 = vector.broadcast %add3A_37 : vector<1280x1xf32> to vector<1280x64xf32>
    %sub3A_39 = arith.subf %mul3A_32, %sub3A_38 : vector<1280x64xf32>
    %swap3A = arith.constant 0 : index
    %swap3A_40 = arith.constant 0 : index
    %swap3A_41 = vector.load %arg3[%swap3A, %swap3A_40] : memref<1280x64xf32, #tpu.memory_space<vmem>>, vector<1280x64xf32>
    tpu.vector_store %arg3[%swap3A, %swap3A_40], %sub3A_39 {strides = array<i32>} : memref<1280x64xf32, #tpu.memory_space<vmem>>, vector<1280x64xf32>,
    return
  }
  func.func @transform_0(%arg0: i32) -> (i32, i32, i32) {
    %c0_i32 = arith.constant 0 : i32
    %c0_i32_0 = arith.constant 0 : i32
    %c0_i32_1 = arith.constant 0 : i32
    return %c0_i32, %arg0, %c0_i32_0 : i32, i32, i32
  }
  func.func @transform_1(%arg0: i32) -> (i32, i32) {
    %c0_i32 = arith.constant 0 : i32
    %c0_i32_0 = arith.constant 0 : i32
    return %arg0, %c0_i32 : i32, i32
  }
  func.func @transform_2(%arg0: i32) -> (i32, i32) {
    %c0_i32 = arith.constant 0 : i32
    %c0_i32_0 = arith.constant 0 : i32
    return %arg0, %c0_i32 : i32, i32
  }
}

</mosaic_0001>

<sc_bundles>
// kernel: kernel.12.cloned.1.call-start
scs
__scs_entry_jumppad:
0x0: {  	(pc) =	sbr.rel $0x88, $3  }
0x1: {  	(tag) =	ssettag $0x0;
	lr =	simm.s32 $0x1  }
0x2: {  	[smem:$0x3F9D] =	sst lr;
	_ =	strace $0xD0000000  }
0x3: {  	_ = 	snop  }
0x4: {  	_ = 	snop  }
0x5: {  	_ = 	snop  }
0x6: {  	_ = 	snop  }
0x7: {  	_ = 	snop  }
__scs_overlays_trampoline_lowered:
0x8: {  	[smem:$0x3FAC] =	sst s0  }
0x9: {  	[smem:$0x3FAD] =	sst s1  }
0xa: {  	[smem:$0x3FAE] =	sst s2  }
0xb: {  	[smem:$0x3FAF] =	sst s3  }
0xc: {  	[smem:$0x3FB0] =	sst s4  }
0xd: {  	[smem:$0x3FB1] =	sst s5  }
0xe: {  	[smem:$0x3FB2] =	sst s6  }
0xf: {  	[smem:$0x3FB3] =	sst s7  }
0x10: {  	[smem:$0x3FB4] =	sst s8  }
0x11: {  	[smem:$0x3FB5] =	sst s9;
	s0 =	simm.s32 @!p0 $0x0  }
0x12: {  	s1 =	sld [smem:$0x3F9B];
	s0 =	simm.s32 @p0 $0x1  }
0x13: {  	[smem:$0x3FB6] =	sst s0;
	s0 =	simm.s32 @!p1 $0x0  }
0x14: {  	s2 =	sld [smem:$0x3F9A];
	s0 =	simm.s32 @p1 $0x1  }
0x15: {  	[smem:$0x3FB7] =	sst s0;
	s0 =	simm.s32 @!p2 $0x0  }
0x16: {  	s3 =	sld [smem:$0x3FDB];
	s0 =	simm.s32 @p2 $0x1  }
0x17: {  	s4 =	simm.s32 $0x1BF5;
	[smem:$0x3FB9] =	sst s0  }
0x18: {  	s0 =	sld [smem:$0x3F9C];
	_ =	swait.ge [sflag:s4], $0x0  }
0x19: {  	s7 =	sld [smem:$0x3F9D]  }
0x1a: {  	s8 =	sadd.s32 $0xFFFFE003, lr  }
0x1b: {  	s9 =	sadd.s32 $0xFFFFFEF7, lr;
	s5 =	simm.s32 $0xFFFFFFFF;
	p2 =	slt.u32 s8, $0xFFFFF086  }
0x1c: {  	p1 =	slt.u32 s9, $0xF7A;
	s5 =	simm.s32 @!p2 $0x0  }
0x1d: {  	s5 =	simm.s32 @p1 $0x1;
	p0 =	seq.s32 s7, s2  }
0x1e: {  	s7 =	smul.u32 @!p0 $0xF7A, s2;
	p2 =	seq.s32 @!p0 s5, $0x0  }
0x1f: {  	s9 =	smul.u32 $0xF7A, s1;
	s8 =	simm.s32 @!p0 $0x1BF5;
	p2 =	por !p2, p0  }
0x20: {  	[sflag:s8] =	ssyncset.s32 @!p0 $0xFFFFF086;
	s6 =	sadd.s32 @!p0 s3, s7;
	s7 =	simm.s32 @!p0 $0x108  }
0x21: {  	s3 =	sadd.s32 s3, s9;
	s6 =	sadd.s32 @!p0 $0x88, s6;
	s7 =	simm.s32 @p2 $0x1082  }
0x22: {  	[simem:s7], [sflag:s8] =	dma.local @!p0 [hbm:s6], $0xF7A  }
0x23: {  	s9 =	sor.u32 $0xD0000000, s2;
	s6 =	simm.s32 $0x108;
	_ =	swait.ge @!p0 [sflag:s8], $0x0  }
0x24: {  	s3 =	sadd.s32 $0x88, s3;
	s6 =	simm.s32 @!p1 $0x1082;
	[sflag:s4] =	ssyncset.s32 $0xFFFFF086  }
0x25: {  	[simem:s6], [sflag:s4] =	dma.local [hbm:s3], $0xF7A  }
0x26: {  	[smem:$0x3F9D] =	sst s1;
	(tag) =	ssettag s2;
	_ =	strace s9  }
0x27: {  	s1 =	sld [smem:$0x3FAD]  }
0x28: {  	s2 =	sld [smem:$0x3FAE]  }
0x29: {  	s4 =	sld [smem:$0x3FB0]  }
0x2a: {  	p0 =	seq.s32 s5, $0x0;
	s5 =	sld [smem:$0x3FB1]  }
0x2b: {  	s6 =	sld [smem:$0x3FB2]  }
0x2c: {  	s7 =	sld [smem:$0x3FB3]  }
0x2d: {  	s3 =	simm.s32 $0x108;
	s8 =	sld [smem:$0x3FB4]  }
0x2e: {  	s3 =	simm.s32 @!p0 $0x1082;
	s9 =	sld [smem:$0x3FB5]  }
0x2f: {  	lr =	sadd.s32 s0, s3;
	s0 =	sld [smem:$0x3FAC]  }
0x30: {  	s3 =	sld [smem:$0x3FAF]  }
0x31: {  	[smem:$0x3FB8] =	sst s10  }
0x32: {  	s10 =	sld [smem:$0x3FB6];
	_ =	sdelay $0x3  }
0x33: {  	p0 =	seq.s32 s10, $0x1;
	s10 =	sld [smem:$0x3FB8];
	_ =	sdelay $0x3  }
0x34: {  	[smem:$0x3FB8] =	sst s10  }
0x35: {  	s10 =	sld [smem:$0x3FB7];
	_ =	sdelay $0x3  }
0x36: {  	p1 =	seq.s32 s10, $0x1;
	s10 =	sld [smem:$0x3FB8];
	_ =	sdelay $0x3  }
0x37: {  	[smem:$0x3FB8] =	sst s10  }
0x38: {  	s10 =	sld [smem:$0x3FB9]  }
0x39: {  	_ = 	snop;
	(pc) =	sbr.ind lr, $3  }
0x3a: {  	_ = 	snop  }
0x3b: {  	_ = 	snop  }
0x3c: {  	p2 =	seq.s32 s10, $0x1;
	s10 =	sld [smem:$0x3FB8]  }
0x3d: {  	_ =	shalt  }
0x3e: {  	_ =	shalt  }
0x3f: {  	_ =	shalt  }
0x40: {  	_ =	shalt  }
0x41: {  	_ =	shalt  }
0x42: {  	_ =	shalt  }
0x43: {  	_ =	shalt  }
0x44: {  	_ =	shalt  }
0x45: {  	_ =	shalt  }
0x46: {  	_ =	shalt  }
0x47: {  	_ =	shalt  }
0x48: {  	_ =	shalt  }
0x49: {  	_ =	shalt  }
0x4a: {  	_ =	shalt  }
0x4b: {  	_ =	shalt  }
0x4c: {  	_ =	shalt  }
0x4d: {  	_ =	shalt  }
0x4e: {  	_ =	shalt  }
0x4f: {  	_ =	shalt  }
0x50: {  	_ =	shalt  }
0x51: {  	_ =	shalt  }
0x52: {  	_ =	shalt  }
0x53: {  	_ =	shalt  }
0x54: {  	_ =	shalt  }
0x55: {  	_ =	shalt  }
0x56: {  	_ =	shalt  }
0x57: {  	_ =	shalt  }
0x58: {  	_ =	shalt  }
0x59: {  	_ =	shalt  }
0x5a: {  	_ =	shalt  }
0x5b: {  	_ =	shalt  }
0x5c: {  	_ =	shalt  }
0x5d: {  	_ =	shalt  }
0x5e: {  	_ =	shalt  }
0x5f: {  	_ =	shalt  }
0x60: {  	_ =	shalt  }
0x61: {  	_ =	shalt  }
0x62: {  	_ =	shalt  }
0x63: {  	_ =	shalt  }
0x64: {  	_ =	shalt  }
0x65: {  	_ =	shalt  }
0x66: {  	_ =	shalt  }
0x67: {  	_ =	shalt  }
0x68: {  	_ =	shalt  }
0x69: {  	_ =	shalt  }
0x6a: {  	_ =	shalt  }
0x6b: {  	_ =	shalt  }
0x6c: {  	_ =	shalt  }
0x6d: {  	_ =	shalt  }
0x6e: {  	_ =	shalt  }
0x6f: {  	_ =	shalt  }
0x70: {  	_ =	shalt  }
0x71: {  	_ =	shalt  }
0x72: {  	_ =	shalt  }
0x73: {  	_ =	shalt  }
0x74: {  	_ =	shalt  }
0x75: {  	_ =	shalt  }
0x76: {  	_ =	shalt  }
0x77: {  	_ =	shalt  }
0x78: {  	_ =	shalt  }
0x79: {  	_ =	shalt  }
0x7a: {  	_ =	shalt  }
0x7b: {  	_ =	shalt  }
0x7c: {  	_ =	shalt  }
0x7d: {  	_ =	shalt  }
0x7e: {  	_ =	shalt  }
0x7f: {  	_ =	shalt  }
0x80: {  	_ =	shalt  }
0x81: {  	_ =	shalt  }
0x82: {  	_ =	shalt  }
0x83: {  	_ =	shalt  }
0x84: {  	_ =	shalt  }
0x85: {  	_ =	shalt  }
0x86: {  	_ =	shalt  }
0x87: {  	_ =	shalt  }
.Lfunc_end0:
.L_simem_size_0:
called_computation.1_lowered:
.L_overlay_start_0:
0x88: {  	s2 =	sld [smem:$0x3FD9]  }
0x89: {  	s3 =	sld [smem:$0x3FFE];
	_ =	sdelay $0x1  }
0x8a: {  	s1 =	srdreg.scid  }
0x8b: {  	s0 =	sand.u32 $0x1, s1  }
0x8c: {  	s17 =	sshll.u32 s0, $0xA;
	s2 =	sadd.s32 s3, s2  }
0x8d: {  	s2 =	sadd.s32 s2, s17  }
0x8e: {  	[smem:$0x3FC4] =	sst s2  }
0x8f: {  	_ = 	snop  }
0x90: {  	s2 =	sld [smem:$0x3FD0];
	(tm) =	ssettm $0x1  }
0x91: {  	s18 =	sld [smem:$0x3FFB];
	_ =	sdelay $0x3  }
0x92: {  	_ =	strace s18  }
0x93: {  	s3 =	sld [smem:$0x3FFC];
	_ =	sdelay $0x3  }
0x94: {  	_ =	strace s3  }
0x95: {  	s3 =	sld [smem:$0x3FFD];
	_ =	sdelay $0x3  }
0x96: {  	_ =	strace s3  }
0x97: {  	_ =	strace $0x8FFFFFFF  }
0x98: {  	s19 =	sld [smem:$0x3FDB];
	_ =	sdelay $0x1  }
0x99: {  	s4 =	simm.s32 $_scs_section_size  }
0x9a: {  	s5 =	simm.s32 $_size__tile_overlayer_lowered;
	s6 =	simm.s32 $_tile_overlayer_lowered  }
0x9b: {  	s22 =	simm.s32 $0x1BFF;
	s21 =	sshll.u32 s6, $0x1;
	s3 =	sadd.s32 s4, s19  }
0x9c: {  	s7 =	simm.s32 $0x0;
	s20 =	sshll.u32 s5, $0x1;
	s5 =	sadd.s32 s21, s3  }
0x9d: {  	[timem:s7], [sflag:s22] =	dma.local [hbm:s5], s20  }
0x9e: {  	_ =	swait.ge [sflag:s22], s20  }
0x9f: {  	s4 =	ssub.s32 $0x0, s20;
	[sflag:s22] =	ssyncset.done $0x0  }
0xa0: {  	[sflag:s22] =	ssyncadd.s32 s4;
	_ =	sdelay $0x1  }
0xa1: {  	s23 =	simm.s32 $0x1B8B  }
0xa2: {  	_ =	swait.ge [sflag:s23], $0x1  }
0xa3: {  	[sflag:s23] =	ssyncset.done $0x0  }
0xa4: {  	s25 =	simm.s32 $0x1B8E;
	s24 =	sld [smem:$0x3FFE];
	[sflag:s23] =	ssyncadd.s32 $0xFFFFFFFF  }
0xa5: {  	s26 =	simm.s32 $execute0_lowered;
	[smem:$0x3FD2] =	sst s25  }
0xa6: {  	s5 =	sshll.u32 s26, $0x1;
	_ =	strace $0x80000049;
	[dreg:$0x1] =	wrdreg $0xFFFFFFFF  }
0xa7: {  	s28 =	simm.s32 $_size_execute0_lowered;
	s3 =	sadd.s32 s3, s5;
	[dreg:$0x0] =	wrdreg $0x0  }
0xa8: {  	s5 =	sshll.u32 s28, $0x1;
	[dreg:$0x2] =	wrdreg s3  }
0xa9: {  	[dreg:$0x3] =	wrdreg s5  }
0xaa: {  	[dreg:$0x4] =	wrdreg $0xC0  }
0xab: {  	_ =	task [dreg:s7], $0x5FFFF  }
0xac: {  	[dreg:$0x1] =	wrdreg $0xFFFFFFFF  }
0xad: {  	[dreg:$0x0] =	wrdreg $0x60  }
0xae: {  	[dreg:$0x2] =	wrdreg s24  }
0xaf: {  	[dreg:$0x3] =	wrdreg s2  }
0xb0: {  	[dreg:$0x4] =	wrdreg $0xB8000  }
0xb1: {  	[dreg:$0x5] =	wrdreg $0x9  }
0xb2: {  	_ =	task.clear_ibuf [dreg:s7], $0x6FFFF;
	_ =	strace $0x90000049  }
0xb3: {  	s29 =	simm.s32 $0x9;
	_ =	strace $0x8000004B  }
0xb4: {  	_ =	swait.ge [sflag:s29], $0x1  }
0xb5: {  	[sflag:s29] =	ssyncadd.s32 $0xFFFFFFFF  }
0xb6: {  	_ =	strace $0x9000004B  }
0xb7: {  	_ =	sfence  }
0xb8: {  	s30 =	sld [smem:$0x0];
	_ =	sdelay $0x2  }
0xb9: {  	s31 =	sshll.u32 s1, $0xD;
	s1 =	sshrl.u32 s1, $0x2  }
0xba: {  	s3 =	sand.u32 $0x4000, s31;
	s1 =	sadd.s32 s1, s30  }
0xbb: {  	s0 =	sor.u32 s3, s0;
	s1 =	sshll.u32 s1, $0x11  }
0xbc: {  	s0 =	sor.u32 s1, s0  }
0xbd: {  	s0 =	sadd.s32 $0x8F2B, s0  }
0xbe: {  	[sflag:s0] =	ssyncadd.remote.s32 $0x1  }
0xbf: {  	_ =	sfence.sel $0xFFFF  }
0xc0: {  	[dreg:$0x0] =	wrdreg $0xFFFFFFFF;
	(pc) =	sbr.abs _section_cstart, $3  }
0xc1: {  	[dreg:$0x1] =	wrdreg $0xFFFFFFFF  }
0xc2: {  	_ =	task.clear_ibuf [dreg:s7], $0x2FFFF;
	_ =	strace $0x9FFFFFFF  }
0xc3: {  	(tm) =	ssettm $0x7FFFFFFF  }
tec
execute0_lowered:
.L_overlay_start_1:
0x0: {  	(tag) =	ssettag $0x1  }
0x1: {  	s5 =	rddreg [dreg:$0x0]  }
0x2: {  	s1 =	srdreg.scid;
	s6 =	rddreg [dreg:$0x1]  }
0x3: {  	s0 =	stileid.u32;
	s2 =	rddreg [dreg:$0x2]  }
0x4: {  	s3 =	simm.s32 $0x0;
	s20 =	simm.s32 $0x2800;
	s21 =	simm.s32 $0x7800  }
0x5: {  	s22 =	simm.s32 $0x80;
	s23 =	simm.s32 $0x0;
	s8 =	sand.u32 $0x1, s1  }
0x6: {  	s28 =	sshll.u32 s0, $0x1;
	s1 =	rddreg [dreg:$0x3];
	s11 =	smul.u32 $0x50000, s0  }
0x7: {  	[smem:$0x7FF] =	sst s3;
	s16 =	sadd.s32 $0x56800, s5;
	s12 =	smul.u32 $0x14000, s0  }
0x8: {  	s4 =	sor.u32 s8, s28;
	_ =	strace $0x8000004A;
	s18 =	smul.u32 $0x140000, s8  }
0x9: {  	s10 =	ssub.s32 $0x2, s8;
	s7 =	smul.u32 $0x280, s4;
	s4 =	sadd.s32 $0x55E00, s5  }
0xa: {  	s29 =	sshrl.u32 s10, $0x1;
	s30 =	sshrl.u32 s11, $0x2;
	s31 =	sadd.s32 $0x4000, s12  }
0xb: {  	s14 =	sadd.s32 $0x8000, s12;
	s15 =	sadd.s32 $0xC000, s12;
	s19 =	sadd.s32 $0x10000, s12  }
0xc: {  	s17 =	ssub.s32 s10, s29;
	s8 =	sadd.s32 s31, s2;
	s10 =	sadd.s32 s15, s2  }
0xd: {  	v0 =	vlaneseq.u32;
	s12 =	sadd.s32 s12, s18;
	s13 =	sadd.s32 s18, s31;
	s11 =	sadd.s32 s19, s2  }
0xe: {  	v0 =	vmul.u32 $0x80, v0;
	s15 =	sadd.s32 s18, s15;
	s9 =	sadd.s32 s7, s5;
	s6 =	sadd.s32 s6, s7  }
0xf: {  	v1 =	vimm.f32 $0.0e+00;
	s7 =	sadd.s32 s30, s2;
	s12 =	sshrl.u32 s12, $0x3;
	s13 =	sshrl.u32 s13, $0x3  }
0x10: {  	v2 =	vor.u32 $0x1, v0;
	v3 =	vor.u32 $0x800, v0;
	v4 =	vor.u32 $0x801, v0;
	s15 =	sshrl.u32 s15, $0x3;
	s17 =	smax.u32 s17, $0x1;
	s5 =	sadd.s32 $0xE00, s9  }
0x11: {  	v5 =	vor.u32 $0x1000, v0;
	v6 =	vor.u32 $0x1001, v0;
	v7 =	vor.u32 $0x1800, v0;
	s9 =	sadd.s32 s14, s2;
	s12 =	sadd.s32 s16, s12;
	s13 =	sadd.s32 s16, s13  }
0x12: {  	v8 =	vor.u32 $0x1801, v0;
	v9 =	vor.u32 $0x2000, v0;
	v10 =	vor.u32 $0x2001, v0;
	s14 =	sadd.s32 s18, s14;
	s18 =	sadd.s32 s18, s19;
	s15 =	sadd.s32 s16, s15  }
0x13: {  	v11 =	vor.u32 $0x2800, v0;
	v12 =	vor.u32 $0x2801, v0;
	v13 =	vor.u32 $0x3000, v0;
	s19 =	simm.s32 $0x1400;
	s14 =	sshrl.u32 s14, $0x3;
	s18 =	sshrl.u32 s18, $0x3  }
0x14: {  	v14 =	vor.u32 $0x3001, v0;
	v15 =	vor.u32 $0x3800, v0;
	v16 =	vor.u32 $0x3801, v0;
	s14 =	sadd.s32 s16, s14;
	s16 =	sadd.s32 s16, s18;
	s18 =	simm.s32 $0x1  }
.LBB2_1:
0x15: {  	[tilespmem:s3], [sflag:$0x1] =	stream.linear.gather [hbm4b:s5+s3], $0x1400, $0x38;
	[tilespmem:$0xE000] =	vst v63  }
0x16: {  	_ =	swait.ge [sflag:s18], $0x1400  }
0x17: {  	[sflag:s18] =	ssyncset.done $0x0  }
0x18: {  	[sflag:s18] =	ssyncadd.s32 $0xFFFFEC00  }
0x19: {  	[tilespmem:s19], [sflag:$0x1] =	stream.linear.gather [hbm4b:s6+s3], $0x1400, $0x38;
	[tilespmem:$0xE000] =	vst v63  }
0x1a: {  	_ =	swait.ge [sflag:s18], $0x1400  }
0x1b: {  	[sflag:s18] =	ssyncset.done $0x0  }
0x1c: {  	[sflag:s18] =	ssyncadd.s32 $0xFFFFEC00  }
0x1d: {  	[tilespmem:s20], [sflag:$0x1] =	stream.linear.gather [hbm4b:s4+s3], $0x5000, $0x38;
	[tilespmem:$0xE000] =	vst v63  }
0x1e: {  	_ =	swait.ge [sflag:s18], $0x5000  }
0x1f: {  	[sflag:s18] =	ssyncset.done $0x0  }
0x20: {  	s24 =	simm.s32 $0x200;
	s25 =	simm.s32 $0x0;
	[sflag:s18] =	ssyncadd.s32 $0xFFFFB000  }
.LBB2_2:
0x21: {  	p0 =	sne.s32 s24, $0xFE00;
	[tilespmem:s25+$0x7800] =	vst v1;
	s25 =	smov.u32 s24;
	s24 =	sadd.s32 $0x200, s24  }
.Ltmp0:
0x22: {  	(pc) =	sbr.rel @p0 .LBB2_2-.Ltmp0, $2  }
0x23: {  	_ =	sdelay $0x2  }
0x24: {  	s25 =	sshra.s32 s25, $0x2  }
0x25: {  	[tilespmem:s25+$0x7800] =	vst v1  }
0x26: {  	[spmem:s7] =	stream.linear.scatter [tilespmem:s21], [sflag:$0x1], $0x4000, $0x38;
	[tilespmem:$0xE000] =	vst v63  }
0x27: {  	_ =	swait.ge [sflag:s18], $0x4000  }
0x28: {  	[sflag:s18] =	ssyncset.done $0x0  }
0x29: {  	[sflag:s18] =	ssyncadd.s32 $0xFFFFC000  }
0x2a: {  	[spmem:s8] =	stream.linear.scatter [tilespmem:s21], [sflag:$0x1], $0x4000, $0x38;
	[tilespmem:$0xE000] =	vst v63  }
0x2b: {  	_ =	swait.ge [sflag:s18], $0x4000  }
0x2c: {  	[sflag:s18] =	ssyncset.done $0x0  }
0x2d: {  	[sflag:s18] =	ssyncadd.s32 $0xFFFFC000  }
0x2e: {  	[spmem:s9] =	stream.linear.scatter [tilespmem:s21], [sflag:$0x1], $0x4000, $0x38;
	[tilespmem:$0xE000] =	vst v63  }
0x2f: {  	_ =	swait.ge [sflag:s18], $0x4000  }
0x30: {  	[sflag:s18] =	ssyncset.done $0x0  }
0x31: {  	[sflag:s18] =	ssyncadd.s32 $0xFFFFC000  }
0x32: {  	[spmem:s10] =	stream.linear.scatter [tilespmem:s21], [sflag:$0x1], $0x4000, $0x38;
	[tilespmem:$0xE000] =	vst v63  }
0x33: {  	_ =	swait.ge [sflag:s18], $0x4000  }
0x34: {  	[sflag:s18] =	ssyncset.done $0x0  }
0x35: {  	[sflag:s18] =	ssyncadd.s32 $0xFFFFC000  }
0x36: {  	[spmem:s11] =	stream.linear.scatter [tilespmem:s21], [sflag:$0x1], $0x4000, $0x38;
	[tilespmem:$0xE000] =	vst v63  }
0x37: {  	_ =	swait.ge [sflag:s18], $0x4000  }
0x38: {  	[sflag:s18] =	ssyncset.done $0x0  }
0x39: {  	[sflag:s18] =	ssyncadd.s32 $0xFFFFC000  }
0x3a: {  	s24 =	simm.s32 $0x0;
	[bflag:$0x0] =	sbarrier.arrive $0xFFFF  }
.LBB2_4:
0x3b: {  	s25 =	sshra.s32 s24, $0x2  }
0x3c: {  	v17 =	vld [tilespmem:s25+$0x0];
	_ =	sdelay $0x4  }
0x3d: {  	v17 =	vshll.u32 v17, $0x1  }
0x3e: {  	v18 =	vor.u32 $0x1, v17;
	_ =	sdelay $0x3  }
0x3f: {  	v17 =	vld.idx.msk [tilespmem:v17+s20+$0x0], $0xffff  }
0x40: {  	v18 =	vld.idx.msk [tilespmem:v18+s20+$0x0], $0xffff;
	_ =	sdelay $0x3  }
0x41: {  	[tilespmem:v0+s21+$0x0] =	vst.idx.msk $0xffff, v17  }
0x42: {  	[tilespmem:v2+s21+$0x0] =	vst.idx.msk $0xffff, v18  }
0x43: {  	v17 =	vld [tilespmem:s25+$0x10];
	_ =	sdelay $0x4  }
0x44: {  	v17 =	vshll.u32 v17, $0x1  }
0x45: {  	v18 =	vor.u32 $0x1, v17;
	_ =	sdelay $0x3  }
0x46: {  	v17 =	vld.idx.msk [tilespmem:v17+s20+$0x0], $0xffff  }
0x47: {  	v18 =	vld.idx.msk [tilespmem:v18+s20+$0x0], $0xffff;
	_ =	sdelay $0x3  }
0x48: {  	[tilespmem:v3+s21+$0x0] =	vst.idx.msk $0xffff, v17  }
0x49: {  	[tilespmem:v4+s21+$0x0] =	vst.idx.msk $0xffff, v18  }
0x4a: {  	v17 =	vld [tilespmem:s25+$0x20];
	_ =	sdelay $0x4  }
0x4b: {  	v17 =	vshll.u32 v17, $0x1  }
0x4c: {  	v18 =	vor.u32 $0x1, v17;
	_ =	sdelay $0x3  }
0x4d: {  	v17 =	vld.idx.msk [tilespmem:v17+s20+$0x0], $0xffff  }
0x4e: {  	v18 =	vld.idx.msk [tilespmem:v18+s20+$0x0], $0xffff;
	_ =	sdelay $0x3  }
0x4f: {  	[tilespmem:v5+s21+$0x0] =	vst.idx.msk $0xffff, v17  }
0x50: {  	[tilespmem:v6+s21+$0x0] =	vst.idx.msk $0xffff, v18  }
0x51: {  	v17 =	vld [tilespmem:s25+$0x30];
	_ =	sdelay $0x4  }
0x52: {  	v17 =	vshll.u32 v17, $0x1  }
0x53: {  	v18 =	vor.u32 $0x1, v17;
	_ =	sdelay $0x3  }
0x54: {  	v17 =	vld.idx.msk [tilespmem:v17+s20+$0x0], $0xffff  }
0x55: {  	v18 =	vld.idx.msk [tilespmem:v18+s20+$0x0], $0xffff;
	_ =	sdelay $0x3  }
0x56: {  	[tilespmem:v7+s21+$0x0] =	vst.idx.msk $0xffff, v17  }
0x57: {  	[tilespmem:v8+s21+$0x0] =	vst.idx.msk $0xffff, v18  }
0x58: {  	v17 =	vld [tilespmem:s25+$0x40];
	_ =	sdelay $0x4  }
0x59: {  	v17 =	vshll.u32 v17, $0x1  }
0x5a: {  	v18 =	vor.u32 $0x1, v17;
	_ =	sdelay $0x3  }
0x5b: {  	v17 =	vld.idx.msk [tilespmem:v17+s20+$0x0], $0xffff  }
0x5c: {  	v18 =	vld.idx.msk [tilespmem:v18+s20+$0x0], $0xffff;
	_ =	sdelay $0x3  }
0x5d: {  	[tilespmem:v9+s21+$0x0] =	vst.idx.msk $0xffff, v17  }
0x5e: {  	[tilespmem:v10+s21+$0x0] =	vst.idx.msk $0xffff, v18  }
0x5f: {  	v17 =	vld [tilespmem:s25+$0x50];
	_ =	sdelay $0x4  }
0x60: {  	v17 =	vshll.u32 v17, $0x1  }
0x61: {  	v18 =	vor.u32 $0x1, v17;
	_ =	sdelay $0x3  }
0x62: {  	v17 =	vld.idx.msk [tilespmem:v17+s20+$0x0], $0xffff  }
0x63: {  	v18 =	vld.idx.msk [tilespmem:v18+s20+$0x0], $0xffff;
	_ =	sdelay $0x3  }
0x64: {  	[tilespmem:v11+s21+$0x0] =	vst.idx.msk $0xffff, v17  }
0x65: {  	[tilespmem:v12+s21+$0x0] =	vst.idx.msk $0xffff, v18  }
0x66: {  	v17 =	vld [tilespmem:s25+$0x60];
	_ =	sdelay $0x4  }
0x67: {  	v17 =	vshll.u32 v17, $0x1  }
0x68: {  	v18 =	vor.u32 $0x1, v17;
	_ =	sdelay $0x3  }
0x69: {  	v17 =	vld.idx.msk [tilespmem:v17+s20+$0x0], $0xffff  }
0x6a: {  	v18 =	vld.idx.msk [tilespmem:v18+s20+$0x0], $0xffff;
	_ =	sdelay $0x3  }
0x6b: {  	[tilespmem:v13+s21+$0x0] =	vst.idx.msk $0xffff, v17  }
0x6c: {  	[tilespmem:v14+s21+$0x0] =	vst.idx.msk $0xffff, v18  }
0x6d: {  	v17 =	vld [tilespmem:s25+$0x70];
	_ =	sdelay $0x4  }
0x6e: {  	v17 =	vshll.u32 v17, $0x1  }
0x6f: {  	v18 =	vor.u32 $0x1, v17;
	_ =	sdelay $0x3  }
0x70: {  	v17 =	vld.idx.msk [tilespmem:v17+s20+$0x0], $0xffff  }
0x71: {  	v18 =	vld.idx.msk [tilespmem:v18+s20+$0x0], $0xffff;
	_ =	sdelay $0x3  }
0x72: {  	p0 =	sne.s32 s24, $0x4E00;
	[tilespmem:v15+s21+$0x0] =	vst.idx.msk $0xffff, v17  }
.Ltmp1:
0x73: {  	s25 =	sadd.s32 $0x1400, s25;
	[tilespmem:v16+s21+$0x0] =	vst.idx.msk $0xffff, v18;
	(pc) =	sbr.rel @p0 .LBB2_4-.Ltmp1, $4  }
0x74: {  	[spmem:s2] =	stream.indirect.scatter.add.f32 [tilespmem:s21], [sflag:$0x1], $0x10, s25, s22, $0xb8;
	[tilespmem:$0xE000] =	vst v63  }
0x75: {  	_ =	swait.ge [sflag:s18], $0x800  }
0x76: {  	[sflag:s18] =	ssyncset.done $0x0  }
0x77: {  	s24 =	sadd.s32 $0x200, s24;
	[sflag:s18] =	ssyncadd.s32 $0xFFFFF800  }
0x78: {  	[bflag:$0x0] =	sbarrier.arrive $0xFFFF;
	s24 =	simm.s32 $0x200;
	s25 =	simm.s32 $0x0  }
.LBB2_6:
0x79: {  	p0 =	sne.s32 s24, $0xFE00;
	[tilespmem:s25+$0x7800] =	vst v1;
	s25 =	smov.u32 s24;
	s24 =	sadd.s32 $0x200, s24  }
.Ltmp2:
0x7a: {  	(pc) =	sbr.rel @p0 .LBB2_6-.Ltmp2, $2  }
0x7b: {  	_ =	sdelay $0x2  }
0x7c: {  	s25 =	sshra.s32 s25, $0x2  }
0x7d: {  	[tilespmem:s25+$0x7800] =	vst v1  }
0x7e: {  	[tilespmem:s21], [sflag:$0x1] =	stream.linear.gather [spmem:s7], $0x4000, $0x38;
	[tilespmem:$0xE000] =	vst v63  }
0x7f: {  	_ =	swait.ge [sflag:s18], $0x4000  }
0x80: {  	[sflag:s18] =	ssyncset.done $0x0  }
0x81: {  	[sflag:s18] =	ssyncadd.s32 $0xFFFFC000  }
0x82: {  	[hbm4b:s12+s3] =	stream.linear.scatter [tilespmem:s21], [sflag:$0x1], $0x4000, $0x38;
	[tilespmem:$0xE000] =	vst v63  }
0x83: {  	_ =	swait.ge [sflag:s18], $0x4000  }
0x84: {  	[sflag:s18] =	ssyncset.done $0x0  }
0x85: {  	[sflag:s18] =	ssyncadd.s32 $0xFFFFC000  }
0x86: {  	[tilespmem:s21], [sflag:$0x1] =	stream.linear.gather [spmem:s8], $0x4000, $0x38;
	[tilespmem:$0xE000] =	vst v63  }
0x87: {  	_ =	swait.ge [sflag:s18], $0x4000  }
0x88: {  	[sflag:s18] =	ssyncset.done $0x0  }
0x89: {  	[sflag:s18] =	ssyncadd.s32 $0xFFFFC000  }
0x8a: {  	[hbm4b:s13+s3] =	stream.linear.scatter [tilespmem:s21], [sflag:$0x1], $0x4000, $0x38;
	[tilespmem:$0xE000] =	vst v63  }
0x8b: {  	_ =	swait.ge [sflag:s18], $0x4000  }
0x8c: {  	[sflag:s18] =	ssyncset.done $0x0  }
0x8d: {  	[sflag:s18] =	ssyncadd.s32 $0xFFFFC000  }
0x8e: {  	[tilespmem:s21], [sflag:$0x1] =	stream.linear.gather [spmem:s9], $0x4000, $0x38;
	[tilespmem:$0xE000] =	vst v63  }
0x8f: {  	_ =	swait.ge [sflag:s18], $0x4000  }
0x90: {  	[sflag:s18] =	ssyncset.done $0x0  }
0x91: {  	[sflag:s18] =	ssyncadd.s32 $0xFFFFC000  }
0x92: {  	[hbm4b:s14+s3] =	stream.linear.scatter [tilespmem:s21], [sflag:$0x1], $0x4000, $0x38;
	[tilespmem:$0xE000] =	vst v63  }
0x93: {  	_ =	swait.ge [sflag:s18], $0x4000  }
0x94: {  	[sflag:s18] =	ssyncset.done $0x0  }
0x95: {  	[sflag:s18] =	ssyncadd.s32 $0xFFFFC000  }
0x96: {  	[tilespmem:s21], [sflag:$0x1] =	stream.linear.gather [spmem:s10], $0x4000, $0x38;
	[tilespmem:$0xE000] =	vst v63  }
0x97: {  	_ =	swait.ge [sflag:s18], $0x4000  }
0x98: {  	[sflag:s18] =	ssyncset.done $0x0  }
0x99: {  	[sflag:s18] =	ssyncadd.s32 $0xFFFFC000  }
0x9a: {  	[hbm4b:s15+s3] =	stream.linear.scatter [tilespmem:s21], [sflag:$0x1], $0x4000, $0x38;
	[tilespmem:$0xE000] =	vst v63  }
0x9b: {  	_ =	swait.ge [sflag:s18], $0x4000  }
0x9c: {  	[sflag:s18] =	ssyncset.done $0x0  }
0x9d: {  	[sflag:s18] =	ssyncadd.s32 $0xFFFFC000  }
0x9e: {  	[tilespmem:s21], [sflag:$0x1] =	stream.linear.gather [spmem:s11], $0x4000, $0x38;
	[tilespmem:$0xE000] =	vst v63  }
0x9f: {  	s23 =	sadd.s32 $0x1, s23;
	_ =	swait.ge [sflag:s18], $0x4000  }
0xa0: {  	p0 =	sne.s32 s23, s17;
	[sflag:s18] =	ssyncset.done $0x0  }
.Ltmp3:
0xa1: {  	[sflag:s18] =	ssyncadd.s32 $0xFFFFC000;
	(pc) =	sbr.rel @p0 .LBB2_1-.Ltmp3, $4  }
0xa2: {  	[hbm4b:s16+s3] =	stream.linear.scatter [tilespmem:s21], [sflag:$0x1], $0x4000, $0x38;
	[tilespmem:$0xE000] =	vst v63  }
0xa3: {  	_ =	swait.ge [sflag:s18], $0x4000  }
0xa4: {  	[sflag:s18] =	ssyncset.done $0x0  }
0xa5: {  	[sflag:s18] =	ssyncadd.s32 $0xFFFFC000  }
0xa6: {  	_ =	sfence.sel $0x180000  }
0xa7: {  	[bflag:$0x0] =	sbarrier.arrive $0xFFFF  }
0xa8: {  	p0 =	sne.s32 s0, $0x0;
	_ =	strace $0x9000004A  }
0xa9: {  	s0 =	sadd.s32 @!p0 $0x100000, s1;
	[bflag:$0x2] =	sbarrier.arrive $0xFFFF  }
0xaa: {  	[sflag:s0] =	ssyncadd.tile.s32 @!p0 $0x1;
	_ =	shalt  }
.Lfunc_end2:
_tile_overlayer_lowered:
.L_overlay_start_2:
0xab: {  	(tag) =	ssettag $0x2  }
0xac: {  	s0 =	rddreg [dreg:$0x0];
	s2 =	stileid.u32  }
0xad: {  	s1 =	rddreg [dreg:$0x1];
	p0 =	sne.s32 s2, $0x0  }
0xae: {  	s3 =	rddreg [dreg:$0x2];
	[bflag:$0x3] =	sbarrier.arrive $0xFFFF;
	s2 =	simm.s32 @!p0 $0x1C01  }
0xaf: {  	[timem:s3], [sflag:s2] =	dma.local @!p0 [hbm:s0], s1  }
0xb0: {  	s0 =	simm.s32 @!p0 $0x1  }
0xb1: {  	_ =	swait.ge @!p0 [sflag:s0], s1  }
0xb2: {  	s1 =	ssub.s32 @!p0 $0x0, s1;
	[sflag:s0] =	ssyncset.done @!p0 $0x0  }
0xb3: {  	[sflag:s0] =	ssyncadd.s32 @!p0 s1  }
0xb4: {  	[bflag:$0x3] =	sbarrier.arrive $0xFFFF  }
0xb5: {  	_ =	shalt  }

// kernel: kernel.15.cloned.1.call-start
scs
__scs_entry_jumppad:
0x0: {  	(pc) =	sbr.rel $0x88, $3  }
0x1: {  	(tag) =	ssettag $0x0;
	lr =	simm.s32 $0x1  }
0x2: {  	[smem:$0x3F9D] =	sst lr;
	_ =	strace $0xD0000000  }
0x3: {  	_ = 	snop  }
0x4: {  	_ = 	snop  }
0x5: {  	_ = 	snop  }
0x6: {  	_ = 	snop  }
0x7: {  	_ = 	snop  }
__scs_overlays_trampoline_lowered:
0x8: {  	[smem:$0x3FAC] =	sst s0  }
0x9: {  	[smem:$0x3FAD] =	sst s1  }
0xa: {  	[smem:$0x3FAE] =	sst s2  }
0xb: {  	[smem:$0x3FAF] =	sst s3  }
0xc: {  	[smem:$0x3FB0] =	sst s4  }
0xd: {  	[smem:$0x3FB1] =	sst s5  }
0xe: {  	[smem:$0x3FB2] =	sst s6  }
0xf: {  	[smem:$0x3FB3] =	sst s7  }
0x10: {  	[smem:$0x3FB4] =	sst s8  }
0x11: {  	[smem:$0x3FB5] =	sst s9;
	s0 =	simm.s32 @!p0 $0x0  }
0x12: {  	s1 =	sld [smem:$0x3F9B];
	s0 =	simm.s32 @p0 $0x1  }
0x13: {  	[smem:$0x3FB6] =	sst s0;
	s0 =	simm.s32 @!p1 $0x0  }
0x14: {  	s2 =	sld [smem:$0x3F9A];
	s0 =	simm.s32 @p1 $0x1  }
0x15: {  	[smem:$0x3FB7] =	sst s0;
	s0 =	simm.s32 @!p2 $0x0  }
0x16: {  	s3 =	sld [smem:$0x3FDB];
	s0 =	simm.s32 @p2 $0x1  }
0x17: {  	s4 =	simm.s32 $0x1BF5;
	[smem:$0x3FB9] =	sst s0  }
0x18: {  	s0 =	sld [smem:$0x3F9C];
	_ =	swait.ge [sflag:s4], $0x0  }
0x19: {  	s7 =	sld [smem:$0x3F9D]  }
0x1a: {  	s8 =	sadd.s32 $0xFFFFE003, lr  }
0x1b: {  	s9 =	sadd.s32 $0xFFFFFEF7, lr;
	s5 =	simm.s32 $0xFFFFFFFF;
	p2 =	slt.u32 s8, $0xFFFFF086  }
0x1c: {  	p1 =	slt.u32 s9, $0xF7A;
	s5 =	simm.s32 @!p2 $0x0  }
0x1d: {  	s5 =	simm.s32 @p1 $0x1;
	p0 =	seq.s32 s7, s2  }
0x1e: {  	s7 =	smul.u32 @!p0 $0xF7A, s2;
	p2 =	seq.s32 @!p0 s5, $0x0  }
0x1f: {  	s9 =	smul.u32 $0xF7A, s1;
	s8 =	simm.s32 @!p0 $0x1BF5;
	p2 =	por !p2, p0  }
0x20: {  	[sflag:s8] =	ssyncset.s32 @!p0 $0xFFFFF086;
	s6 =	sadd.s32 @!p0 s3, s7;
	s7 =	simm.s32 @!p0 $0x108  }
0x21: {  	s3 =	sadd.s32 s3, s9;
	s6 =	sadd.s32 @!p0 $0x88, s6;
	s7 =	simm.s32 @p2 $0x1082  }
0x22: {  	[simem:s7], [sflag:s8] =	dma.local @!p0 [hbm:s6], $0xF7A  }
0x23: {  	s9 =	sor.u32 $0xD0000000, s2;
	s6 =	simm.s32 $0x108;
	_ =	swait.ge @!p0 [sflag:s8], $0x0  }
0x24: {  	s3 =	sadd.s32 $0x88, s3;
	s6 =	simm.s32 @!p1 $0x1082;
	[sflag:s4] =	ssyncset.s32 $0xFFFFF086  }
0x25: {  	[simem:s6], [sflag:s4] =	dma.local [hbm:s3], $0xF7A  }
0x26: {  	[smem:$0x3F9D] =	sst s1;
	(tag) =	ssettag s2;
	_ =	strace s9  }
0x27: {  	s1 =	sld [smem:$0x3FAD]  }
0x28: {  	s2 =	sld [smem:$0x3FAE]  }
0x29: {  	s4 =	sld [smem:$0x3FB0]  }
0x2a: {  	p0 =	seq.s32 s5, $0x0;
	s5 =	sld [smem:$0x3FB1]  }
0x2b: {  	s6 =	sld [smem:$0x3FB2]  }
0x2c: {  	s7 =	sld [smem:$0x3FB3]  }
0x2d: {  	s3 =	simm.s32 $0x108;
	s8 =	sld [smem:$0x3FB4]  }
0x2e: {  	s3 =	simm.s32 @!p0 $0x1082;
	s9 =	sld [smem:$0x3FB5]  }
0x2f: {  	lr =	sadd.s32 s0, s3;
	s0 =	sld [smem:$0x3FAC]  }
0x30: {  	s3 =	sld [smem:$0x3FAF]  }
0x31: {  	[smem:$0x3FB8] =	sst s10  }
0x32: {  	s10 =	sld [smem:$0x3FB6];
	_ =	sdelay $0x3  }
0x33: {  	p0 =	seq.s32 s10, $0x1;
	s10 =	sld [smem:$0x3FB8];
	_ =	sdelay $0x3  }
0x34: {  	[smem:$0x3FB8] =	sst s10  }
0x35: {  	s10 =	sld [smem:$0x3FB7];
	_ =	sdelay $0x3  }
0x36: {  	p1 =	seq.s32 s10, $0x1;
	s10 =	sld [smem:$0x3FB8];
	_ =	sdelay $0x3  }
0x37: {  	[smem:$0x3FB8] =	sst s10  }
0x38: {  	s10 =	sld [smem:$0x3FB9]  }
0x39: {  	_ = 	snop;
	(pc) =	sbr.ind lr, $3  }
0x3a: {  	_ = 	snop  }
0x3b: {  	_ = 	snop  }
0x3c: {  	p2 =	seq.s32 s10, $0x1;
	s10 =	sld [smem:$0x3FB8]  }
0x3d: {  	_ =	shalt  }
0x3e: {  	_ =	shalt  }
0x3f: {  	_ =	shalt  }
0x40: {  	_ =	shalt  }
0x41: {  	_ =	shalt  }
0x42: {  	_ =	shalt  }
0x43: {  	_ =	shalt  }
0x44: {  	_ =	shalt  }
0x45: {  	_ =	shalt  }
0x46: {  	_ =	shalt  }
0x47: {  	_ =	shalt  }
0x48: {  	_ =	shalt  }
0x49: {  	_ =	shalt  }
0x4a: {  	_ =	shalt  }
0x4b: {  	_ =	shalt  }
0x4c: {  	_ =	shalt  }
0x4d: {  	_ =	shalt  }
0x4e: {  	_ =	shalt  }
0x4f: {  	_ =	shalt  }
0x50: {  	_ =	shalt  }
0x51: {  	_ =	shalt  }
0x52: {  	_ =	shalt  }
0x53: {  	_ =	shalt  }
0x54: {  	_ =	shalt  }
0x55: {  	_ =	shalt  }
0x56: {  	_ =	shalt  }
0x57: {  	_ =	shalt  }
0x58: {  	_ =	shalt  }
0x59: {  	_ =	shalt  }
0x5a: {  	_ =	shalt  }
0x5b: {  	_ =	shalt  }
0x5c: {  	_ =	shalt  }
0x5d: {  	_ =	shalt  }
0x5e: {  	_ =	shalt  }
0x5f: {  	_ =	shalt  }
0x60: {  	_ =	shalt  }
0x61: {  	_ =	shalt  }
0x62: {  	_ =	shalt  }
0x63: {  	_ =	shalt  }
0x64: {  	_ =	shalt  }
0x65: {  	_ =	shalt  }
0x66: {  	_ =	shalt  }
0x67: {  	_ =	shalt  }
0x68: {  	_ =	shalt  }
0x69: {  	_ =	shalt  }
0x6a: {  	_ =	shalt  }
0x6b: {  	_ =	shalt  }
0x6c: {  	_ =	shalt  }
0x6d: {  	_ =	shalt  }
0x6e: {  	_ =	shalt  }
0x6f: {  	_ =	shalt  }
0x70: {  	_ =	shalt  }
0x71: {  	_ =	shalt  }
0x72: {  	_ =	shalt  }
0x73: {  	_ =	shalt  }
0x74: {  	_ =	shalt  }
0x75: {  	_ =	shalt  }
0x76: {  	_ =	shalt  }
0x77: {  	_ =	shalt  }
0x78: {  	_ =	shalt  }
0x79: {  	_ =	shalt  }
0x7a: {  	_ =	shalt  }
0x7b: {  	_ =	shalt  }
0x7c: {  	_ =	shalt  }
0x7d: {  	_ =	shalt  }
0x7e: {  	_ =	shalt  }
0x7f: {  	_ =	shalt  }
0x80: {  	_ =	shalt  }
0x81: {  	_ =	shalt  }
0x82: {  	_ =	shalt  }
0x83: {  	_ =	shalt  }
0x84: {  	_ =	shalt  }
0x85: {  	_ =	shalt  }
0x86: {  	_ =	shalt  }
0x87: {  	_ =	shalt  }
.Lfunc_end0:
.L_simem_size_0:
called_computation.2_lowered:
.L_overlay_start_0:
0x88: {  	s2 =	sld [smem:$0x3FD9]  }
0x89: {  	s3 =	sld [smem:$0x3FFE];
	_ =	sdelay $0x1  }
0x8a: {  	s1 =	srdreg.scid  }
0x8b: {  	s0 =	sand.u32 $0x1, s1  }
0x8c: {  	s17 =	sshll.u32 s0, $0xA;
	s2 =	sadd.s32 s3, s2  }
0x8d: {  	s2 =	sadd.s32 s2, s17  }
0x8e: {  	[smem:$0x3FC4] =	sst s2  }
0x8f: {  	_ = 	snop  }
0x90: {  	s2 =	sld [smem:$0x3FD0];
	(tm) =	ssettm $0x1  }
0x91: {  	s18 =	sld [smem:$0x3FFB];
	_ =	sdelay $0x3  }
0x92: {  	_ =	strace s18  }
0x93: {  	s3 =	sld [smem:$0x3FFC];
	_ =	sdelay $0x3  }
0x94: {  	_ =	strace s3  }
0x95: {  	s3 =	sld [smem:$0x3FFD];
	_ =	sdelay $0x3  }
0x96: {  	_ =	strace s3  }
0x97: {  	_ =	strace $0x8FFFFFFF  }
0x98: {  	s19 =	sld [smem:$0x3FDB];
	_ =	sdelay $0x1  }
0x99: {  	s4 =	simm.s32 $_scs_section_size  }
0x9a: {  	s5 =	simm.s32 $_size__tile_overlayer_lowered;
	s6 =	simm.s32 $_tile_overlayer_lowered  }
0x9b: {  	s22 =	simm.s32 $0x1BFF;
	s21 =	sshll.u32 s6, $0x1;
	s3 =	sadd.s32 s4, s19  }
0x9c: {  	s7 =	simm.s32 $0x0;
	s20 =	sshll.u32 s5, $0x1;
	s5 =	sadd.s32 s21, s3  }
0x9d: {  	[timem:s7], [sflag:s22] =	dma.local [hbm:s5], s20  }
0x9e: {  	_ =	swait.ge [sflag:s22], s20  }
0x9f: {  	s4 =	ssub.s32 $0x0, s20;
	[sflag:s22] =	ssyncset.done $0x0  }
0xa0: {  	[sflag:s22] =	ssyncadd.s32 s4;
	_ =	sdelay $0x1  }
0xa1: {  	s23 =	simm.s32 $0x1B8B  }
0xa2: {  	_ =	swait.ge [sflag:s23], $0x1  }
0xa3: {  	[sflag:s23] =	ssyncset.done $0x0  }
0xa4: {  	s25 =	simm.s32 $0x1B8E;
	s24 =	sld [smem:$0x3FFE];
	[sflag:s23] =	ssyncadd.s32 $0xFFFFFFFF  }
0xa5: {  	s26 =	simm.s32 $execute0_lowered;
	[smem:$0x3FD2] =	sst s25  }
0xa6: {  	s5 =	sshll.u32 s26, $0x1;
	_ =	strace $0x8000004C;
	[dreg:$0x1] =	wrdreg $0xFFFFFFFF  }
0xa7: {  	s28 =	simm.s32 $_size_execute0_lowered;
	s3 =	sadd.s32 s3, s5;
	[dreg:$0x0] =	wrdreg $0x0  }
0xa8: {  	s5 =	sshll.u32 s28, $0x1;
	[dreg:$0x2] =	wrdreg s3  }
0xa9: {  	[dreg:$0x3] =	wrdreg s5  }
0xaa: {  	[dreg:$0x4] =	wrdreg $0xC0  }
0xab: {  	_ =	task [dreg:s7], $0x5FFFF  }
0xac: {  	[dreg:$0x1] =	wrdreg $0xFFFFFFFF  }
0xad: {  	[dreg:$0x0] =	wrdreg $0x60  }
0xae: {  	[dreg:$0x2] =	wrdreg s24  }
0xaf: {  	[dreg:$0x3] =	wrdreg s2  }
0xb0: {  	[dreg:$0x4] =	wrdreg $0x68000  }
0xb1: {  	[dreg:$0x5] =	wrdreg $0x9  }
0xb2: {  	_ =	task.clear_ibuf [dreg:s7], $0x6FFFF;
	_ =	strace $0x9000004C  }
0xb3: {  	s29 =	simm.s32 $0x9;
	_ =	strace $0x8000004E  }
0xb4: {  	_ =	swait.ge [sflag:s29], $0x1  }
0xb5: {  	[sflag:s29] =	ssyncadd.s32 $0xFFFFFFFF  }
0xb6: {  	_ =	strace $0x9000004E  }
0xb7: {  	_ =	sfence  }
0xb8: {  	s30 =	sld [smem:$0x0];
	_ =	sdelay $0x2  }
0xb9: {  	s31 =	sshll.u32 s1, $0xD;
	s1 =	sshrl.u32 s1, $0x2  }
0xba: {  	s3 =	sand.u32 $0x4000, s31;
	s1 =	sadd.s32 s1, s30  }
0xbb: {  	s0 =	sor.u32 s3, s0;
	s1 =	sshll.u32 s1, $0x11  }
0xbc: {  	s0 =	sor.u32 s1, s0  }
0xbd: {  	s0 =	sadd.s32 $0x8F2B, s0  }
0xbe: {  	[sflag:s0] =	ssyncadd.remote.s32 $0x1  }
0xbf: {  	_ =	sfence.sel $0xFFFF  }
0xc0: {  	[dreg:$0x0] =	wrdreg $0xFFFFFFFF;
	(pc) =	sbr.abs _section_cstart, $3  }
0xc1: {  	[dreg:$0x1] =	wrdreg $0xFFFFFFFF  }
0xc2: {  	_ =	task.clear_ibuf [dreg:s7], $0x2FFFF;
	_ =	strace $0x9FFFFFFF  }
0xc3: {  	(tm) =	ssettm $0x7FFFFFFF  }
tec
execute0_lowered:
.L_overlay_start_1:
0x0: {  	(tag) =	ssettag $0x1  }
0x1: {  	s5 =	rddreg [dreg:$0x0]  }
0x2: {  	s1 =	srdreg.scid;
	s6 =	rddreg [dreg:$0x1]  }
0x3: {  	s0 =	stileid.u32;
	s2 =	rddreg [dreg:$0x2]  }
0x4: {  	s3 =	simm.s32 $0x0;
	s20 =	simm.s32 $0x2800;
	s21 =	simm.s32 $0x80  }
0x5: {  	s22 =	simm.s32 $0x1;
	s23 =	simm.s32 $0x0;
	s8 =	sand.u32 $0x1, s1  }
0x6: {  	s28 =	sshll.u32 s0, $0x1;
	s1 =	rddreg [dreg:$0x3];
	s11 =	smul.u32 $0x50000, s0  }
0x7: {  	[smem:$0x7FF] =	sst s3;
	s16 =	sadd.s32 $0x2DE00, s5;
	s12 =	smul.u32 $0x14000, s0  }
0x8: {  	s4 =	sor.u32 s8, s28;
	_ =	strace $0x8000004D;
	s18 =	smul.u32 $0x140000, s8  }
0x9: {  	s10 =	ssub.s32 $0x2, s8;
	s7 =	smul.u32 $0x280, s4;
	s4 =	sadd.s32 $0x5E00, s5  }
0xa: {  	s29 =	sshrl.u32 s10, $0x1;
	s30 =	sshrl.u32 s11, $0x2;
	s31 =	sadd.s32 $0x4000, s12  }
0xb: {  	s14 =	sadd.s32 $0x8000, s12;
	s15 =	sadd.s32 $0xC000, s12;
	s19 =	sadd.s32 $0x10000, s12  }
0xc: {  	s17 =	ssub.s32 s10, s29;
	s8 =	sadd.s32 s31, s2;
	s10 =	sadd.s32 s15, s2  }
0xd: {  	s12 =	sadd.s32 s12, s18;
	s13 =	sadd.s32 s18, s31;
	s11 =	sadd.s32 s19, s2  }
0xe: {  	s15 =	sadd.s32 s18, s15;
	s9 =	sadd.s32 s7, s5;
	s6 =	sadd.s32 s6, s7  }
0xf: {  	s7 =	sadd.s32 s30, s2;
	s12 =	sshrl.u32 s12, $0x3;
	s13 =	sshrl.u32 s13, $0x3  }
0x10: {  	s15 =	sshrl.u32 s15, $0x3;
	s17 =	smax.u32 s17, $0x1;
	s5 =	sadd.s32 $0xE00, s9  }
0x11: {  	s9 =	sadd.s32 s14, s2;
	s12 =	sadd.s32 s16, s12;
	s13 =	sadd.s32 s16, s13  }
0x12: {  	s14 =	sadd.s32 s18, s14;
	s18 =	sadd.s32 s18, s19;
	s15 =	sadd.s32 s16, s15  }
0x13: {  	s19 =	simm.s32 $0x1400;
	s14 =	sshrl.u32 s14, $0x3;
	s18 =	sshrl.u32 s18, $0x3  }
0x14: {  	v0 =	vimm.f32 $0.0e+00;
	s14 =	sadd.s32 s16, s14;
	s16 =	sadd.s32 s16, s18;
	s18 =	simm.s32 $0x2  }
.LBB2_1:
0x15: {  	[tilespmem:s3], [sflag:$0x2] =	stream.linear.gather [hbm4b:s5+s3], $0x1400, $0x38;
	[tilespmem:$0x1A800] =	vst v63  }
0x16: {  	_ =	swait.ge [sflag:s18], $0x1400  }
0x17: {  	[sflag:s18] =	ssyncset.done $0x0  }
0x18: {  	[sflag:s18] =	ssyncadd.s32 $0xFFFFEC00  }
0x19: {  	[tilespmem:s19], [sflag:$0x2] =	stream.linear.gather [hbm4b:s6+s3], $0x1400, $0x38;
	[tilespmem:$0x1A800] =	vst v63  }
0x1a: {  	_ =	swait.ge [sflag:s18], $0x1400  }
0x1b: {  	[sflag:s18] =	ssyncset.done $0x0  }
0x1c: {  	s24 =	simm.s32 $0x0;
	s25 =	simm.s32 $0x200;
	[sflag:s18] =	ssyncadd.s32 $0xFFFFEC00  }
.LBB2_2:
0x1d: {  	p0 =	sne.s32 s25, $0xFE00;
	[tilespmem:s24+$0x2870] =	vst v0  }
0x1e: {  	[tilespmem:s24+$0x2800] =	vst v0  }
0x1f: {  	[tilespmem:s24+$0x2810] =	vst v0  }
.Ltmp0:
0x20: {  	[tilespmem:s24+$0x2820] =	vst v0;
	(pc) =	sbr.rel @p0 .LBB2_2-.Ltmp0, $4  }
0x21: {  	[tilespmem:s24+$0x2830] =	vst v0  }
0x22: {  	[tilespmem:s24+$0x2840] =	vst v0  }
0x23: {  	[tilespmem:s24+$0x2850] =	vst v0  }
0x24: {  	[tilespmem:s24+$0x2860] =	vst v0;
	s24 =	sshra.s32 s25, $0x2;
	s25 =	sadd.s32 $0x200, s25  }
0x25: {  	[tilespmem:s24+$0x2870] =	vst v0  }
0x26: {  	[tilespmem:s24+$0x2800] =	vst v0  }
0x27: {  	[tilespmem:s24+$0x2810] =	vst v0  }
0x28: {  	[tilespmem:s24+$0x2820] =	vst v0  }
0x29: {  	[tilespmem:s24+$0x2830] =	vst v0  }
0x2a: {  	[tilespmem:s24+$0x2840] =	vst v0  }
0x2b: {  	[tilespmem:s24+$0x2850] =	vst v0  }
0x2c: {  	[tilespmem:s24+$0x2860] =	vst v0  }
0x2d: {  	[spmem:s7] =	stream.linear.scatter [tilespmem:s20], [sflag:$0x2], $0x4000, $0x38;
	[tilespmem:$0x1A800] =	vst v63  }
0x2e: {  	_ =	swait.ge [sflag:s18], $0x4000  }
0x2f: {  	[sflag:s18] =	ssyncset.done $0x0  }
0x30: {  	[sflag:s18] =	ssyncadd.s32 $0xFFFFC000  }
0x31: {  	[spmem:s8] =	stream.linear.scatter [tilespmem:s20], [sflag:$0x2], $0x4000, $0x38;
	[tilespmem:$0x1A800] =	vst v63  }
0x32: {  	_ =	swait.ge [sflag:s18], $0x4000  }
0x33: {  	[sflag:s18] =	ssyncset.done $0x0  }
0x34: {  	[sflag:s18] =	ssyncadd.s32 $0xFFFFC000  }
0x35: {  	[spmem:s9] =	stream.linear.scatter [tilespmem:s20], [sflag:$0x2], $0x4000, $0x38;
	[tilespmem:$0x1A800] =	vst v63  }
0x36: {  	_ =	swait.ge [sflag:s18], $0x4000  }
0x37: {  	[sflag:s18] =	ssyncset.done $0x0  }
0x38: {  	[sflag:s18] =	ssyncadd.s32 $0xFFFFC000  }
0x39: {  	[spmem:s10] =	stream.linear.scatter [tilespmem:s20], [sflag:$0x2], $0x4000, $0x38;
	[tilespmem:$0x1A800] =	vst v63  }
0x3a: {  	_ =	swait.ge [sflag:s18], $0x4000  }
0x3b: {  	[sflag:s18] =	ssyncset.done $0x0  }
0x3c: {  	[sflag:s18] =	ssyncadd.s32 $0xFFFFC000  }
0x3d: {  	[spmem:s11] =	stream.linear.scatter [tilespmem:s20], [sflag:$0x2], $0x4000, $0x38;
	[tilespmem:$0x1A800] =	vst v63  }
0x3e: {  	_ =	swait.ge [sflag:s18], $0x4000  }
0x3f: {  	[sflag:s18] =	ssyncset.done $0x0  }
0x40: {  	[sflag:s18] =	ssyncadd.s32 $0xFFFFC000  }
0x41: {  	s30 =	simm.s32 $0x0;
	[bflag:$0x0] =	sbarrier.arrive $0xFFFF  }
0x42: {  	[tilespmem:s20], [sflag:$0x1] =	stream.indirect.gather [hbm4b:s4+s21], $0x80, s30, s21, $0xb8;
	[tilespmem:$0x1A800] =	vst v63  }
0x43: {  	_ =	swait.ge [sflag:s22], $0x4000  }
0x44: {  	[sflag:s22] =	ssyncset.done $0x0  }
0x45: {  	s31 =	simm.s32 $0x1400;
	[sflag:s22] =	ssyncadd.s32 $0xFFFFC000  }
0x46: {  	[spmem:s2] =	stream.indirect.scatter.add.f32 [tilespmem:s20], [sflag:$0x2], $0x80, s31, s21, $0xb8;
	[tilespmem:$0x1A800] =	vst v63  }
0x47: {  	_ =	swait.ge [sflag:s18], $0x4000  }
0x48: {  	s24 =	simm.s32 $0x200;
	s25 =	simm.s32 $0x400;
	[sflag:s18] =	ssyncset.done $0x0  }
.LBB2_4:
0x49: {  	s26 =	sshra.s32 s24, $0x2  }
0x4a: {  	[sflag:s18] =	ssyncadd.s32 $0xFFFFC000;
	s24 =	smov.u32 s25;
	s28 =	sadd.s32 $0x200, s25  }
0x4b: {  	[tilespmem:s20], [sflag:$0x1] =	stream.indirect.gather [hbm4b:s4+s21], $0x80, s26, s21, $0xb8;
	[tilespmem:$0x1A800] =	vst v63  }
0x4c: {  	p0 =	sne.s32 s25, $0x4E00;
	_ =	swait.ge [sflag:s22], $0x4000  }
.Ltmp1:
0x4d: {  	[sflag:s22] =	ssyncset.done $0x0;
	(pc) =	sbr.rel @p0 .LBB2_4-.Ltmp1, $4  }
0x4e: {  	s25 =	sadd.s32 $0x1400, s26;
	[sflag:s22] =	ssyncadd.s32 $0xFFFFC000  }
0x4f: {  	[spmem:s2] =	stream.indirect.scatter.add.f32 [tilespmem:s20], [sflag:$0x2], $0x80, s25, s21, $0xb8;
	[tilespmem:$0x1A800] =	vst v63  }
0x50: {  	_ =	swait.ge [sflag:s18], $0x4000  }
0x51: {  	s25 =	smov.u32 s28;
	[sflag:s18] =	ssyncset.done $0x0  }
0x52: {  	s24 =	sshra.s32 s24, $0x2;
	[sflag:s18] =	ssyncadd.s32 $0xFFFFC000  }
0x53: {  	[tilespmem:s20], [sflag:$0x1] =	stream.indirect.gather [hbm4b:s4+s21], $0x80, s24, s21, $0xb8;
	[tilespmem:$0x1A800] =	vst v63  }
0x54: {  	_ =	swait.ge [sflag:s22], $0x4000  }
0x55: {  	[sflag:s22] =	ssyncset.done $0x0  }
0x56: {  	s24 =	sadd.s32 $0x1400, s24;
	[sflag:s22] =	ssyncadd.s32 $0xFFFFC000  }
0x57: {  	[spmem:s2] =	stream.indirect.scatter.add.f32 [tilespmem:s20], [sflag:$0x2], $0x80, s24, s21, $0xb8;
	[tilespmem:$0x1A800] =	vst v63  }
0x58: {  	_ =	swait.ge [sflag:s18], $0x4000  }
0x59: {  	[sflag:s18] =	ssyncset.done $0x0  }
0x5a: {  	[sflag:s18] =	ssyncadd.s32 $0xFFFFC000  }
0x5b: {  	[bflag:$0x0] =	sbarrier.arrive $0xFFFF  }
0x5c: {  	[tilespmem:s20], [sflag:$0x2] =	stream.linear.gather [spmem:s7], $0x4000, $0x38;
	[tilespmem:$0x1A800] =	vst v63  }
0x5d: {  	_ =	swait.ge [sflag:s18], $0x4000  }
0x5e: {  	[sflag:s18] =	ssyncset.done $0x0  }
0x5f: {  	[sflag:s18] =	ssyncadd.s32 $0xFFFFC000  }
0x60: {  	[hbm4b:s12+s3] =	stream.linear.scatter [tilespmem:s20], [sflag:$0x2], $0x4000, $0x38;
	[tilespmem:$0x1A800] =	vst v63  }
0x61: {  	_ =	swait.ge [sflag:s18], $0x4000  }
0x62: {  	[sflag:s18] =	ssyncset.done $0x0  }
0x63: {  	[sflag:s18] =	ssyncadd.s32 $0xFFFFC000  }
0x64: {  	[tilespmem:s20], [sflag:$0x2] =	stream.linear.gather [spmem:s8], $0x4000, $0x38;
	[tilespmem:$0x1A800] =	vst v63  }
0x65: {  	_ =	swait.ge [sflag:s18], $0x4000  }
0x66: {  	[sflag:s18] =	ssyncset.done $0x0  }
0x67: {  	[sflag:s18] =	ssyncadd.s32 $0xFFFFC000  }
0x68: {  	[hbm4b:s13+s3] =	stream.linear.scatter [tilespmem:s20], [sflag:$0x2], $0x4000, $0x38;
	[tilespmem:$0x1A800] =	vst v63  }
0x69: {  	_ =	swait.ge [sflag:s18], $0x4000  }
0x6a: {  	[sflag:s18] =	ssyncset.done $0x0  }
0x6b: {  	[sflag:s18] =	ssyncadd.s32 $0xFFFFC000  }
0x6c: {  	[tilespmem:s20], [sflag:$0x2] =	stream.linear.gather [spmem:s9], $0x4000, $0x38;
	[tilespmem:$0x1A800] =	vst v63  }
0x6d: {  	_ =	swait.ge [sflag:s18], $0x4000  }
0x6e: {  	[sflag:s18] =	ssyncset.done $0x0  }
0x6f: {  	[sflag:s18] =	ssyncadd.s32 $0xFFFFC000  }
0x70: {  	[hbm4b:s14+s3] =	stream.linear.scatter [tilespmem:s20], [sflag:$0x2], $0x4000, $0x38;
	[tilespmem:$0x1A800] =	vst v63  }
0x71: {  	_ =	swait.ge [sflag:s18], $0x4000  }
0x72: {  	[sflag:s18] =	ssyncset.done $0x0  }
0x73: {  	[sflag:s18] =	ssyncadd.s32 $0xFFFFC000  }
0x74: {  	[tilespmem:s20], [sflag:$0x2] =	stream.linear.gather [spmem:s10], $0x4000, $0x38;
	[tilespmem:$0x1A800] =	vst v63  }
0x75: {  	_ =	swait.ge [sflag:s18], $0x4000  }
0x76: {  	[sflag:s18] =	ssyncset.done $0x0  }
0x77: {  	[sflag:s18] =	ssyncadd.s32 $0xFFFFC000  }
0x78: {  	[hbm4b:s15+s3] =	stream.linear.scatter [tilespmem:s20], [sflag:$0x2], $0x4000, $0x38;
	[tilespmem:$0x1A800] =	vst v63  }
0x79: {  	_ =	swait.ge [sflag:s18], $0x4000  }
0x7a: {  	[sflag:s18] =	ssyncset.done $0x0  }
0x7b: {  	[sflag:s18] =	ssyncadd.s32 $0xFFFFC000  }
0x7c: {  	[tilespmem:s20], [sflag:$0x2] =	stream.linear.gather [spmem:s11], $0x4000, $0x38;
	[tilespmem:$0x1A800] =	vst v63  }
0x7d: {  	s23 =	sadd.s32 $0x1, s23;
	_ =	swait.ge [sflag:s18], $0x4000  }
0x7e: {  	p0 =	sne.s32 s23, s17;
	[sflag:s18] =	ssyncset.done $0x0  }
.Ltmp2:
0x7f: {  	[sflag:s18] =	ssyncadd.s32 $0xFFFFC000;
	(pc) =	sbr.rel @p0 .LBB2_1-.Ltmp2, $4  }
0x80: {  	[hbm4b:s16+s3] =	stream.linear.scatter [tilespmem:s20], [sflag:$0x2], $0x4000, $0x38;
	[tilespmem:$0x1A800] =	vst v63  }
0x81: {  	_ =	swait.ge [sflag:s18], $0x4000  }
0x82: {  	[sflag:s18] =	ssyncset.done $0x0  }
0x83: {  	[sflag:s18] =	ssyncadd.s32 $0xFFFFC000  }
0x84: {  	_ =	sfence.sel $0x180000  }
0x85: {  	[bflag:$0x0] =	sbarrier.arrive $0xFFFF  }
0x86: {  	p0 =	sne.s32 s0, $0x0;
	_ =	strace $0x9000004D  }
0x87: {  	s0 =	sadd.s32 @!p0 $0x100000, s1;
	[bflag:$0x2] =	sbarrier.arrive $0xFFFF  }
0x88: {  	[sflag:s0] =	ssyncadd.tile.s32 @!p0 $0x1;
	_ =	shalt  }
.Lfunc_end2:
_tile_overlayer_lowered:
.L_overlay_start_2:
0x89: {  	(tag) =	ssettag $0x2  }
0x8a: {  	s0 =	rddreg [dreg:$0x0];
	s2 =	stileid.u32  }
0x8b: {  	s1 =	rddreg [dreg:$0x1];
	p0 =	sne.s32 s2, $0x0  }
0x8c: {  	s3 =	rddreg [dreg:$0x2];
	[bflag:$0x3] =	sbarrier.arrive $0xFFFF;
	s2 =	simm.s32 @!p0 $0x1C02  }
0x8d: {  	[timem:s3], [sflag:s2] =	dma.local @!p0 [hbm:s0], s1  }
0x8e: {  	s0 =	simm.s32 @!p0 $0x2  }
0x8f: {  	_ =	swait.ge @!p0 [sflag:s0], s1  }
0x90: {  	s1 =	ssub.s32 @!p0 $0x0, s1;
	[sflag:s0] =	ssyncset.done @!p0 $0x0  }
0x91: {  	[sflag:s0] =	ssyncadd.s32 @!p0 s1  }
0x92: {  	[bflag:$0x3] =	sbarrier.arrive $0xFFFF  }
0x93: {  	_ =	shalt  }

// kernel: kernel.9.cloned.1.call-start
scs
__scs_entry_jumppad:
0x0: {  	(pc) =	sbr.rel $0x88, $3  }
0x1: {  	(tag) =	ssettag $0x0;
	lr =	simm.s32 $0x1  }
0x2: {  	[smem:$0x3F9D] =	sst lr;
	_ =	strace $0xD0000000  }
0x3: {  	_ = 	snop  }
0x4: {  	_ = 	snop  }
0x5: {  	_ = 	snop  }
0x6: {  	_ = 	snop  }
0x7: {  	_ = 	snop  }
__scs_overlays_trampoline_lowered:
0x8: {  	[smem:$0x3FAC] =	sst s0  }
0x9: {  	[smem:$0x3FAD] =	sst s1  }
0xa: {  	[smem:$0x3FAE] =	sst s2  }
0xb: {  	[smem:$0x3FAF] =	sst s3  }
0xc: {  	[smem:$0x3FB0] =	sst s4  }
0xd: {  	[smem:$0x3FB1] =	sst s5  }
0xe: {  	[smem:$0x3FB2] =	sst s6  }
0xf: {  	[smem:$0x3FB3] =	sst s7  }
0x10: {  	[smem:$0x3FB4] =	sst s8  }
0x11: {  	[smem:$0x3FB5] =	sst s9;
	s0 =	simm.s32 @!p0 $0x0  }
0x12: {  	s1 =	sld [smem:$0x3F9B];
	s0 =	simm.s32 @p0 $0x1  }
0x13: {  	[smem:$0x3FB6] =	sst s0;
	s0 =	simm.s32 @!p1 $0x0  }
0x14: {  	s2 =	sld [smem:$0x3F9A];
	s0 =	simm.s32 @p1 $0x1  }
0x15: {  	[smem:$0x3FB7] =	sst s0;
	s0 =	simm.s32 @!p2 $0x0  }
0x16: {  	s3 =	sld [smem:$0x3FDB];
	s0 =	simm.s32 @p2 $0x1  }
0x17: {  	s4 =	simm.s32 $0x1BF5;
	[smem:$0x3FB9] =	sst s0  }
0x18: {  	s0 =	sld [smem:$0x3F9C];
	_ =	swait.ge [sflag:s4], $0x0  }
0x19: {  	s7 =	sld [smem:$0x3F9D]  }
0x1a: {  	s8 =	sadd.s32 $0xFFFFE003, lr  }
0x1b: {  	s9 =	sadd.s32 $0xFFFFFEF7, lr;
	s5 =	simm.s32 $0xFFFFFFFF;
	p2 =	slt.u32 s8, $0xFFFFF086  }
0x1c: {  	p1 =	slt.u32 s9, $0xF7A;
	s5 =	simm.s32 @!p2 $0x0  }
0x1d: {  	s5 =	simm.s32 @p1 $0x1;
	p0 =	seq.s32 s7, s2  }
0x1e: {  	s7 =	smul.u32 @!p0 $0xF7A, s2;
	p2 =	seq.s32 @!p0 s5, $0x0  }
0x1f: {  	s9 =	smul.u32 $0xF7A, s1;
	s8 =	simm.s32 @!p0 $0x1BF5;
	p2 =	por !p2, p0  }
0x20: {  	[sflag:s8] =	ssyncset.s32 @!p0 $0xFFFFF086;
	s6 =	sadd.s32 @!p0 s3, s7;
	s7 =	simm.s32 @!p0 $0x108  }
0x21: {  	s3 =	sadd.s32 s3, s9;
	s6 =	sadd.s32 @!p0 $0x88, s6;
	s7 =	simm.s32 @p2 $0x1082  }
0x22: {  	[simem:s7], [sflag:s8] =	dma.local @!p0 [hbm:s6], $0xF7A  }
0x23: {  	s9 =	sor.u32 $0xD0000000, s2;
	s6 =	simm.s32 $0x108;
	_ =	swait.ge @!p0 [sflag:s8], $0x0  }
0x24: {  	s3 =	sadd.s32 $0x88, s3;
	s6 =	simm.s32 @!p1 $0x1082;
	[sflag:s4] =	ssyncset.s32 $0xFFFFF086  }
0x25: {  	[simem:s6], [sflag:s4] =	dma.local [hbm:s3], $0xF7A  }
0x26: {  	[smem:$0x3F9D] =	sst s1;
	(tag) =	ssettag s2;
	_ =	strace s9  }
0x27: {  	s1 =	sld [smem:$0x3FAD]  }
0x28: {  	s2 =	sld [smem:$0x3FAE]  }
0x29: {  	s4 =	sld [smem:$0x3FB0]  }
0x2a: {  	p0 =	seq.s32 s5, $0x0;
	s5 =	sld [smem:$0x3FB1]  }
0x2b: {  	s6 =	sld [smem:$0x3FB2]  }
0x2c: {  	s7 =	sld [smem:$0x3FB3]  }
0x2d: {  	s3 =	simm.s32 $0x108;
	s8 =	sld [smem:$0x3FB4]  }
0x2e: {  	s3 =	simm.s32 @!p0 $0x1082;
	s9 =	sld [smem:$0x3FB5]  }
0x2f: {  	lr =	sadd.s32 s0, s3;
	s0 =	sld [smem:$0x3FAC]  }
0x30: {  	s3 =	sld [smem:$0x3FAF]  }
0x31: {  	[smem:$0x3FB8] =	sst s10  }
0x32: {  	s10 =	sld [smem:$0x3FB6];
	_ =	sdelay $0x3  }
0x33: {  	p0 =	seq.s32 s10, $0x1;
	s10 =	sld [smem:$0x3FB8];
	_ =	sdelay $0x3  }
0x34: {  	[smem:$0x3FB8] =	sst s10  }
0x35: {  	s10 =	sld [smem:$0x3FB7];
	_ =	sdelay $0x3  }
0x36: {  	p1 =	seq.s32 s10, $0x1;
	s10 =	sld [smem:$0x3FB8];
	_ =	sdelay $0x3  }
0x37: {  	[smem:$0x3FB8] =	sst s10  }
0x38: {  	s10 =	sld [smem:$0x3FB9]  }
0x39: {  	_ = 	snop;
	(pc) =	sbr.ind lr, $3  }
0x3a: {  	_ = 	snop  }
0x3b: {  	_ = 	snop  }
0x3c: {  	p2 =	seq.s32 s10, $0x1;
	s10 =	sld [smem:$0x3FB8]  }
0x3d: {  	_ =	shalt  }
0x3e: {  	_ =	shalt  }
0x3f: {  	_ =	shalt  }
0x40: {  	_ =	shalt  }
0x41: {  	_ =	shalt  }
0x42: {  	_ =	shalt  }
0x43: {  	_ =	shalt  }
0x44: {  	_ =	shalt  }
0x45: {  	_ =	shalt  }
0x46: {  	_ =	shalt  }
0x47: {  	_ =	shalt  }
0x48: {  	_ =	shalt  }
0x49: {  	_ =	shalt  }
0x4a: {  	_ =	shalt  }
0x4b: {  	_ =	shalt  }
0x4c: {  	_ =	shalt  }
0x4d: {  	_ =	shalt  }
0x4e: {  	_ =	shalt  }
0x4f: {  	_ =	shalt  }
0x50: {  	_ =	shalt  }
0x51: {  	_ =	shalt  }
0x52: {  	_ =	shalt  }
0x53: {  	_ =	shalt  }
0x54: {  	_ =	shalt  }
0x55: {  	_ =	shalt  }
0x56: {  	_ =	shalt  }
0x57: {  	_ =	shalt  }
0x58: {  	_ =	shalt  }
0x59: {  	_ =	shalt  }
0x5a: {  	_ =	shalt  }
0x5b: {  	_ =	shalt  }
0x5c: {  	_ =	shalt  }
0x5d: {  	_ =	shalt  }
0x5e: {  	_ =	shalt  }
0x5f: {  	_ =	shalt  }
0x60: {  	_ =	shalt  }
0x61: {  	_ =	shalt  }
0x62: {  	_ =	shalt  }
0x63: {  	_ =	shalt  }
0x64: {  	_ =	shalt  }
0x65: {  	_ =	shalt  }
0x66: {  	_ =	shalt  }
0x67: {  	_ =	shalt  }
0x68: {  	_ =	shalt  }
0x69: {  	_ =	shalt  }
0x6a: {  	_ =	shalt  }
0x6b: {  	_ =	shalt  }
0x6c: {  	_ =	shalt  }
0x6d: {  	_ =	shalt  }
0x6e: {  	_ =	shalt  }
0x6f: {  	_ =	shalt  }
0x70: {  	_ =	shalt  }
0x71: {  	_ =	shalt  }
0x72: {  	_ =	shalt  }
0x73: {  	_ =	shalt  }
0x74: {  	_ =	shalt  }
0x75: {  	_ =	shalt  }
0x76: {  	_ =	shalt  }
0x77: {  	_ =	shalt  }
0x78: {  	_ =	shalt  }
0x79: {  	_ =	shalt  }
0x7a: {  	_ =	shalt  }
0x7b: {  	_ =	shalt  }
0x7c: {  	_ =	shalt  }
0x7d: {  	_ =	shalt  }
0x7e: {  	_ =	shalt  }
0x7f: {  	_ =	shalt  }
0x80: {  	_ =	shalt  }
0x81: {  	_ =	shalt  }
0x82: {  	_ =	shalt  }
0x83: {  	_ =	shalt  }
0x84: {  	_ =	shalt  }
0x85: {  	_ =	shalt  }
0x86: {  	_ =	shalt  }
0x87: {  	_ =	shalt  }
.Lfunc_end0:
.L_simem_size_0:
called_computation_lowered:
.L_overlay_start_0:
0x88: {  	s2 =	sld [smem:$0x3FD9]  }
0x89: {  	s3 =	sld [smem:$0x3FFE];
	_ =	sdelay $0x1  }
0x8a: {  	s1 =	srdreg.scid  }
0x8b: {  	s0 =	sand.u32 $0x1, s1  }
0x8c: {  	s17 =	sshll.u32 s0, $0xA;
	s2 =	sadd.s32 s3, s2  }
0x8d: {  	s2 =	sadd.s32 s2, s17  }
0x8e: {  	[smem:$0x3FC4] =	sst s2  }
0x8f: {  	_ = 	snop  }
0x90: {  	s2 =	sld [smem:$0x3FD0];
	(tm) =	ssettm $0x1  }
0x91: {  	s18 =	sld [smem:$0x3FFB];
	_ =	sdelay $0x3  }
0x92: {  	_ =	strace s18  }
0x93: {  	s3 =	sld [smem:$0x3FFC];
	_ =	sdelay $0x3  }
0x94: {  	_ =	strace s3  }
0x95: {  	s3 =	sld [smem:$0x3FFD];
	_ =	sdelay $0x3  }
0x96: {  	_ =	strace s3  }
0x97: {  	_ =	strace $0x8FFFFFFF  }
0x98: {  	s19 =	sld [smem:$0x3FDB];
	_ =	sdelay $0x1  }
0x99: {  	s4 =	simm.s32 $_scs_section_size  }
0x9a: {  	s5 =	simm.s32 $_size__tile_overlayer_lowered;
	s6 =	simm.s32 $_tile_overlayer_lowered  }
0x9b: {  	s22 =	simm.s32 $0x1BFF;
	s21 =	sshll.u32 s6, $0x1;
	s3 =	sadd.s32 s4, s19  }
0x9c: {  	s7 =	simm.s32 $0x0;
	s20 =	sshll.u32 s5, $0x1;
	s5 =	sadd.s32 s21, s3  }
0x9d: {  	[timem:s7], [sflag:s22] =	dma.local [hbm:s5], s20  }
0x9e: {  	_ =	swait.ge [sflag:s22], s20  }
0x9f: {  	s4 =	ssub.s32 $0x0, s20;
	[sflag:s22] =	ssyncset.done $0x0  }
0xa0: {  	[sflag:s22] =	ssyncadd.s32 s4;
	_ =	sdelay $0x1  }
0xa1: {  	s23 =	simm.s32 $0x1B8B  }
0xa2: {  	_ =	swait.ge [sflag:s23], $0x1  }
0xa3: {  	[sflag:s23] =	ssyncset.done $0x0  }
0xa4: {  	s25 =	simm.s32 $0x1B8E;
	s24 =	sld [smem:$0x3FFE];
	[sflag:s23] =	ssyncadd.s32 $0xFFFFFFFF  }
0xa5: {  	s26 =	simm.s32 $execute0_lowered;
	[smem:$0x3FD2] =	sst s25  }
0xa6: {  	s5 =	sshll.u32 s26, $0x1;
	_ =	strace $0x80000046;
	[dreg:$0x1] =	wrdreg $0xFFFFFFFF  }
0xa7: {  	s28 =	simm.s32 $_size_execute0_lowered;
	s3 =	sadd.s32 s3, s5;
	[dreg:$0x0] =	wrdreg $0x0  }
0xa8: {  	s5 =	sshll.u32 s28, $0x1;
	[dreg:$0x2] =	wrdreg s3  }
0xa9: {  	[dreg:$0x3] =	wrdreg s5  }
0xaa: {  	[dreg:$0x4] =	wrdreg $0xC0  }
0xab: {  	_ =	task [dreg:s7], $0x5FFFF  }
0xac: {  	[dreg:$0x1] =	wrdreg $0xFFFFFFFF  }
0xad: {  	[dreg:$0x0] =	wrdreg $0x60  }
0xae: {  	[dreg:$0x2] =	wrdreg s2  }
0xaf: {  	[dreg:$0x3] =	wrdreg s24  }
0xb0: {  	[dreg:$0x4] =	wrdreg $0x54000  }
0xb1: {  	[dreg:$0x5] =	wrdreg $0x9  }
0xb2: {  	_ =	task.clear_ibuf [dreg:s7], $0x6FFFF;
	_ =	strace $0x90000046  }
0xb3: {  	s29 =	simm.s32 $0x9;
	_ =	strace $0x80000048  }
0xb4: {  	_ =	swait.ge [sflag:s29], $0x1  }
0xb5: {  	[sflag:s29] =	ssyncadd.s32 $0xFFFFFFFF  }
0xb6: {  	_ =	strace $0x90000048  }
0xb7: {  	_ =	sfence  }
0xb8: {  	s30 =	sld [smem:$0x0];
	_ =	sdelay $0x2  }
0xb9: {  	s31 =	sshll.u32 s1, $0xD;
	s1 =	sshrl.u32 s1, $0x2  }
0xba: {  	s3 =	sand.u32 $0x4000, s31;
	s1 =	sadd.s32 s1, s30  }
0xbb: {  	s0 =	sor.u32 s3, s0;
	s1 =	sshll.u32 s1, $0x11  }
0xbc: {  	s0 =	sor.u32 s1, s0  }
0xbd: {  	s0 =	sadd.s32 $0x8F2B, s0  }
0xbe: {  	[sflag:s0] =	ssyncadd.remote.s32 $0x1  }
0xbf: {  	_ =	sfence.sel $0xFFFF  }
0xc0: {  	[dreg:$0x0] =	wrdreg $0xFFFFFFFF;
	(pc) =	sbr.abs _section_cstart, $3  }
0xc1: {  	[dreg:$0x1] =	wrdreg $0xFFFFFFFF  }
0xc2: {  	_ =	task.clear_ibuf [dreg:s7], $0x2FFFF;
	_ =	strace $0x9FFFFFFF  }
0xc3: {  	(tm) =	ssettm $0x7FFFFFFF  }
tec
execute0_lowered:
.L_overlay_start_1:
0x0: {  	(tag) =	ssettag $0x1  }
0x1: {  	s4 =	rddreg [dreg:$0x0]  }
0x2: {  	s5 =	rddreg [dreg:$0x1];
	s1 =	srdreg.scid  }
0x3: {  	s0 =	stileid.u32;
	s2 =	rddreg [dreg:$0x2];
	s3 =	simm.s32 $0x0  }
0x4: {  	s18 =	simm.s32 $0x80;
	s19 =	simm.s32 $0x0;
	s6 =	sand.u32 $0x1, s1  }
0x5: {  	s7 =	sshll.u32 s0, $0x1;
	s1 =	rddreg [dreg:$0x3];
	s9 =	smul.u32 $0x50000, s0  }
0x6: {  	[smem:$0x7FF] =	sst s3;
	s14 =	sadd.s32 $0x5E00, s5;
	s10 =	smul.u32 $0x14000, s0  }
0x7: {  	s7 =	sor.u32 s6, s7;
	s8 =	ssub.s32 $0x2, s6;
	s12 =	smul.u32 $0x140000, s6  }
0x8: {  	_ =	strace $0x80000047;
	s7 =	smul.u32 $0x280, s7;
	s25 =	sshrl.u32 s8, $0x1  }
0x9: {  	s26 =	sshrl.u32 s9, $0x2;
	s28 =	sadd.s32 $0x4000, s10;
	s13 =	sadd.s32 $0x8000, s10  }
0xa: {  	s16 =	sadd.s32 $0xC000, s10;
	s17 =	sadd.s32 $0x10000, s10;
	s15 =	ssub.s32 s8, s25  }
0xb: {  	s5 =	sadd.s32 s26, s2;
	s6 =	sadd.s32 s28, s2;
	s8 =	sadd.s32 s16, s2  }
0xc: {  	s11 =	sadd.s32 s10, s12;
	s30 =	sadd.s32 s12, s28;
	s9 =	sadd.s32 s17, s2  }
0xd: {  	s16 =	sadd.s32 s12, s16;
	s17 =	sadd.s32 s12, s17;
	s4 =	sadd.s32 s4, s7  }
0xe: {  	s7 =	sadd.s32 s13, s2;
	s29 =	sshrl.u32 s11, $0x3;
	s11 =	sshrl.u32 s30, $0x3  }
0xf: {  	s13 =	sadd.s32 s12, s13;
	s16 =	sshrl.u32 s16, $0x3;
	s31 =	sshrl.u32 s17, $0x3  }
0x10: {  	s15 =	smax.u32 s15, $0x1;
	s17 =	simm.s32 $0x1400;
	s13 =	sshrl.u32 s13, $0x3  }
0x11: {  	s10 =	sadd.s32 s14, s29;
	s11 =	sadd.s32 s14, s11;
	s12 =	sadd.s32 s14, s13  }
0x12: {  	v0 =	vimm.f32 $0.0e+00;
	v1 =	vimm.f32 $1.000000000e+00;
	s13 =	sadd.s32 s14, s16;
	s14 =	sadd.s32 s14, s31;
	s16 =	simm.s32 $0x1  }
.LBB2_1:
0x13: {  	[tilespmem:s3], [sflag:$0x1] =	stream.linear.gather [hbm4b:s4+s3], $0x1400, $0x38;
	[tilespmem:$0x7C00] =	vst v63  }
0x14: {  	_ =	swait.ge [sflag:s16], $0x1400  }
0x15: {  	[sflag:s16] =	ssyncset.done $0x0  }
0x16: {  	s20 =	simm.s32 $0x200;
	s21 =	simm.s32 $0x0;
	[sflag:s16] =	ssyncadd.s32 $0xFFFFEC00  }
.LBB2_2:
0x17: {  	p0 =	sne.s32 s20, $0xFE00;
	[tilespmem:s21+$0x1400] =	vst v0;
	s21 =	smov.u32 s20;
	s20 =	sadd.s32 $0x200, s20  }
.Ltmp0:
0x18: {  	(pc) =	sbr.rel @p0 .LBB2_2-.Ltmp0, $2  }
0x19: {  	_ =	sdelay $0x2  }
0x1a: {  	s21 =	sshra.s32 s21, $0x2  }
0x1b: {  	[tilespmem:s21+$0x1400] =	vst v0  }
0x1c: {  	[spmem:s5] =	stream.linear.scatter [tilespmem:s17], [sflag:$0x1], $0x4000, $0x38;
	[tilespmem:$0x7C00] =	vst v63  }
0x1d: {  	_ =	swait.ge [sflag:s16], $0x4000  }
0x1e: {  	[sflag:s16] =	ssyncset.done $0x0  }
0x1f: {  	[sflag:s16] =	ssyncadd.s32 $0xFFFFC000  }
0x20: {  	[spmem:s6] =	stream.linear.scatter [tilespmem:s17], [sflag:$0x1], $0x4000, $0x38;
	[tilespmem:$0x7C00] =	vst v63  }
0x21: {  	_ =	swait.ge [sflag:s16], $0x4000  }
0x22: {  	[sflag:s16] =	ssyncset.done $0x0  }
0x23: {  	[sflag:s16] =	ssyncadd.s32 $0xFFFFC000  }
0x24: {  	[spmem:s7] =	stream.linear.scatter [tilespmem:s17], [sflag:$0x1], $0x4000, $0x38;
	[tilespmem:$0x7C00] =	vst v63  }
0x25: {  	_ =	swait.ge [sflag:s16], $0x4000  }
0x26: {  	[sflag:s16] =	ssyncset.done $0x0  }
0x27: {  	[sflag:s16] =	ssyncadd.s32 $0xFFFFC000  }
0x28: {  	[spmem:s8] =	stream.linear.scatter [tilespmem:s17], [sflag:$0x1], $0x4000, $0x38;
	[tilespmem:$0x7C00] =	vst v63  }
0x29: {  	_ =	swait.ge [sflag:s16], $0x4000  }
0x2a: {  	[sflag:s16] =	ssyncset.done $0x0  }
0x2b: {  	[sflag:s16] =	ssyncadd.s32 $0xFFFFC000  }
0x2c: {  	[spmem:s9] =	stream.linear.scatter [tilespmem:s17], [sflag:$0x1], $0x4000, $0x38;
	[tilespmem:$0x7C00] =	vst v63  }
0x2d: {  	_ =	swait.ge [sflag:s16], $0x4000  }
0x2e: {  	[sflag:s16] =	ssyncset.done $0x0  }
0x2f: {  	[sflag:s16] =	ssyncadd.s32 $0xFFFFC000  }
0x30: {  	s20 =	simm.s32 $0x200;
	s21 =	simm.s32 $0x0;
	[bflag:$0x0] =	sbarrier.arrive $0xFFFF  }
.LBB2_4:
0x31: {  	p0 =	sne.s32 s20, $0xFE00;
	[tilespmem:s21+$0x1400] =	vst v1;
	s21 =	smov.u32 s20;
	s20 =	sadd.s32 $0x200, s20  }
.Ltmp1:
0x32: {  	(pc) =	sbr.rel @p0 .LBB2_4-.Ltmp1, $2  }
0x33: {  	_ =	sdelay $0x2  }
0x34: {  	s21 =	sshra.s32 s21, $0x2  }
0x35: {  	[tilespmem:s21+$0x1400] =	vst v1;
	s20 =	simm.s32 $0x0  }
0x36: {  	[spmem:s2] =	stream.indirect.scatter.add.f32 [tilespmem:s17], [sflag:$0x1], $0x10, s20, s18, $0xb8;
	[tilespmem:$0x7C00] =	vst v63  }
0x37: {  	_ =	swait.ge [sflag:s16], $0x800  }
0x38: {  	s20 =	simm.s32 $0x200;
	[sflag:s16] =	ssyncset.done $0x0  }
.LBB2_6:
0x39: {  	s21 =	sshra.s32 s20, $0x2;
	[sflag:s16] =	ssyncadd.s32 $0xFFFFF800;
	p0 =	sne.s32 s20, $0x4E00  }
0x3a: {  	[spmem:s2] =	stream.indirect.scatter.add.f32 [tilespmem:s17], [sflag:$0x1], $0x10, s21, s18, $0xb8;
	[tilespmem:$0x7C00] =	vst v63  }
.Ltmp2:
0x3b: {  	_ = 	snop;
	(pc) =	sbr.rel @p0 .LBB2_6-.Ltmp2, $4  }
0x3c: {  	_ = 	snop  }
0x3d: {  	s20 =	sadd.s32 $0x200, s20  }
0x3e: {  	_ =	swait.ge [sflag:s16], $0x800  }
0x3f: {  	[sflag:s16] =	ssyncset.done $0x0  }
0x40: {  	[sflag:s16] =	ssyncadd.s32 $0xFFFFF800  }
0x41: {  	s20 =	simm.s32 $0x200;
	s21 =	simm.s32 $0x0;
	[bflag:$0x0] =	sbarrier.arrive $0xFFFF  }
.LBB2_8:
0x42: {  	p0 =	sne.s32 s20, $0xFE00;
	[tilespmem:s21+$0x1400] =	vst v0;
	s21 =	smov.u32 s20;
	s20 =	sadd.s32 $0x200, s20  }
.Ltmp3:
0x43: {  	(pc) =	sbr.rel @p0 .LBB2_8-.Ltmp3, $2  }
0x44: {  	_ =	sdelay $0x2  }
0x45: {  	s21 =	sshra.s32 s21, $0x2  }
0x46: {  	[tilespmem:s21+$0x1400] =	vst v0  }
0x47: {  	[tilespmem:s17], [sflag:$0x1] =	stream.linear.gather [spmem:s5], $0x4000, $0x38;
	[tilespmem:$0x7C00] =	vst v63  }
0x48: {  	_ =	swait.ge [sflag:s16], $0x4000  }
0x49: {  	[sflag:s16] =	ssyncset.done $0x0  }
0x4a: {  	[sflag:s16] =	ssyncadd.s32 $0xFFFFC000  }
0x4b: {  	[hbm4b:s10+s3] =	stream.linear.scatter [tilespmem:s17], [sflag:$0x1], $0x4000, $0x38;
	[tilespmem:$0x7C00] =	vst v63  }
0x4c: {  	_ =	swait.ge [sflag:s16], $0x4000  }
0x4d: {  	[sflag:s16] =	ssyncset.done $0x0  }
0x4e: {  	[sflag:s16] =	ssyncadd.s32 $0xFFFFC000  }
0x4f: {  	[tilespmem:s17], [sflag:$0x1] =	stream.linear.gather [spmem:s6], $0x4000, $0x38;
	[tilespmem:$0x7C00] =	vst v63  }
0x50: {  	_ =	swait.ge [sflag:s16], $0x4000  }
0x51: {  	[sflag:s16] =	ssyncset.done $0x0  }
0x52: {  	[sflag:s16] =	ssyncadd.s32 $0xFFFFC000  }
0x53: {  	[hbm4b:s11+s3] =	stream.linear.scatter [tilespmem:s17], [sflag:$0x1], $0x4000, $0x38;
	[tilespmem:$0x7C00] =	vst v63  }
0x54: {  	_ =	swait.ge [sflag:s16], $0x4000  }
0x55: {  	[sflag:s16] =	ssyncset.done $0x0  }
0x56: {  	[sflag:s16] =	ssyncadd.s32 $0xFFFFC000  }
0x57: {  	[tilespmem:s17], [sflag:$0x1] =	stream.linear.gather [spmem:s7], $0x4000, $0x38;
	[tilespmem:$0x7C00] =	vst v63  }
0x58: {  	_ =	swait.ge [sflag:s16], $0x4000  }
0x59: {  	[sflag:s16] =	ssyncset.done $0x0  }
0x5a: {  	[sflag:s16] =	ssyncadd.s32 $0xFFFFC000  }
0x5b: {  	[hbm4b:s12+s3] =	stream.linear.scatter [tilespmem:s17], [sflag:$0x1], $0x4000, $0x38;
	[tilespmem:$0x7C00] =	vst v63  }
0x5c: {  	_ =	swait.ge [sflag:s16], $0x4000  }
0x5d: {  	[sflag:s16] =	ssyncset.done $0x0  }
0x5e: {  	[sflag:s16] =	ssyncadd.s32 $0xFFFFC000  }
0x5f: {  	[tilespmem:s17], [sflag:$0x1] =	stream.linear.gather [spmem:s8], $0x4000, $0x38;
	[tilespmem:$0x7C00] =	vst v63  }
0x60: {  	_ =	swait.ge [sflag:s16], $0x4000  }
0x61: {  	[sflag:s16] =	ssyncset.done $0x0  }
0x62: {  	[sflag:s16] =	ssyncadd.s32 $0xFFFFC000  }
0x63: {  	[hbm4b:s13+s3] =	stream.linear.scatter [tilespmem:s17], [sflag:$0x1], $0x4000, $0x38;
	[tilespmem:$0x7C00] =	vst v63  }
0x64: {  	_ =	swait.ge [sflag:s16], $0x4000  }
0x65: {  	[sflag:s16] =	ssyncset.done $0x0  }
0x66: {  	[sflag:s16] =	ssyncadd.s32 $0xFFFFC000  }
0x67: {  	[tilespmem:s17], [sflag:$0x1] =	stream.linear.gather [spmem:s9], $0x4000, $0x38;
	[tilespmem:$0x7C00] =	vst v63  }
0x68: {  	s19 =	sadd.s32 $0x1, s19;
	_ =	swait.ge [sflag:s16], $0x4000  }
0x69: {  	p0 =	sne.s32 s19, s15;
	[sflag:s16] =	ssyncset.done $0x0  }
.Ltmp4:
0x6a: {  	[sflag:s16] =	ssyncadd.s32 $0xFFFFC000;
	(pc) =	sbr.rel @p0 .LBB2_1-.Ltmp4, $4  }
0x6b: {  	[hbm4b:s14+s3] =	stream.linear.scatter [tilespmem:s17], [sflag:$0x1], $0x4000, $0x38;
	[tilespmem:$0x7C00] =	vst v63  }
0x6c: {  	_ =	swait.ge [sflag:s16], $0x4000  }
0x6d: {  	[sflag:s16] =	ssyncset.done $0x0  }
0x6e: {  	[sflag:s16] =	ssyncadd.s32 $0xFFFFC000  }
0x6f: {  	_ =	sfence.sel $0x180000  }
0x70: {  	[bflag:$0x0] =	sbarrier.arrive $0xFFFF  }
0x71: {  	p0 =	sne.s32 s0, $0x0;
	_ =	strace $0x90000047  }
0x72: {  	s0 =	sadd.s32 @!p0 $0x100000, s1;
	[bflag:$0x2] =	sbarrier.arrive $0xFFFF  }
0x73: {  	[sflag:s0] =	ssyncadd.tile.s32 @!p0 $0x1;
	_ =	shalt  }
.Lfunc_end2:
_tile_overlayer_lowered:
.L_overlay_start_2:
0x74: {  	(tag) =	ssettag $0x2  }
0x75: {  	s0 =	rddreg [dreg:$0x0];
	s2 =	stileid.u32  }
0x76: {  	s1 =	rddreg [dreg:$0x1];
	p0 =	sne.s32 s2, $0x0  }
0x77: {  	s3 =	rddreg [dreg:$0x2];
	[bflag:$0x3] =	sbarrier.arrive $0xFFFF;
	s2 =	simm.s32 @!p0 $0x1C01  }
0x78: {  	[timem:s3], [sflag:s2] =	dma.local @!p0 [hbm:s0], s1  }
0x79: {  	s0 =	simm.s32 @!p0 $0x1  }
0x7a: {  	_ =	swait.ge @!p0 [sflag:s0], s1  }
0x7b: {  	s1 =	ssub.s32 @!p0 $0x0, s1;
	[sflag:s0] =	ssyncset.done @!p0 $0x0  }
0x7c: {  	[sflag:s0] =	ssyncadd.s32 @!p0 s1  }
0x7d: {  	[bflag:$0x3] =	sbarrier.arrive $0xFFFF  }
0x7e: {  	_ =	shalt  }

</sc_bundles>
